<compile_context>
chip_gen: v7x
topology: tpu7x:2x2x1
jax: 0.10.2.dev20260603
libtpu: 0.0.44.dev20260713+nightly
codegen_flags: <defaults>
</compile_context>

<pallas_src>
import functools

import jax
import jax.numpy as jnp
from jax import lax
from jax.experimental import pallas as pl
from jax.experimental.pallas import tpu as pltpu
from jax.experimental.pallas import tpu_sc as plsc

_F = 20
_OUT_F = 49
_DIMS = (1, 6, 12, 10)
_FLAT_OFF = (0, 2, 80, 452)
_FLAT_LEN = 692


def _make_sc_call(n, bc):
    info = plsc.get_sparse_core_info()
    nc, ns = info.num_cores, info.num_subcores
    nw = nc * ns
    n_per_w = n // nw
    n_chunks = n_per_w // bc

    mesh = plsc.VectorSubcoreMesh(core_axis_name="c", subcore_axis_name="s")

    @functools.partial(
        pl.kernel,
        mesh=mesh,
        out_type=jax.ShapeDtypeStruct((n, _OUT_F), jnp.float32),
        compiler_params=pltpu.CompilerParams(
            needs_layout_passes=False, use_tc_tiling_on_sc=True),
        scratch_types=[
            pltpu.VMEM((_FLAT_LEN,), jnp.float32),
            pltpu.VMEM((bc, _F), jnp.float32),
            pltpu.VMEM((bc, _OUT_F), jnp.float32),
            pltpu.VMEM((4, bc), jnp.int32),
        ],
    )
    def sc_call(x_hbm, t_hbm, out_hbm, t_v, in_v, out_v, base_v):
        wid = lax.axis_index("s") * nc + lax.axis_index("c")
        base0 = wid * n_per_w
        pltpu.sync_copy(t_hbm, t_v)

        def chunk_body(ci, carry):
            base = base0 + ci * bc
            pltpu.sync_copy(x_hbm.at[pl.ds(base, bc)], in_v)

            @plsc.parallel_loop(0, bc // 16, 1, unroll=8)
            def idx_body(g):
                r16 = lax.iota(jnp.int32, 16) + g * 16
                for k in range(4):
                    col = jnp.full((16,), 16 + k, jnp.int32)
                    v = plsc.load_gather(in_v, [r16, col]).astype(jnp.int32)
                    base_v[k, pl.ds(g * 16, 16)] = _FLAT_OFF[k] + v * _DIMS[k]

            @plsc.parallel_loop(0, bc // 16, 1, unroll=4)
            def emb_body(g):
                r16 = lax.iota(jnp.int32, 16) + g * 16
                for c in range(_F):
                    colv = jnp.full((16,), c, jnp.int32)
                    vals = plsc.load_gather(in_v, [r16, colv])
                    plsc.store_scatter(out_v, [r16, colv], vals)
                c = _F
                for k in range(4):
                    bk = base_v[k, pl.ds(g * 16, 16)]
                    for j in range(_DIMS[k]):
                        vals = plsc.load_gather(t_v, [bk + j])
                        colv = jnp.full((16,), c, jnp.int32)
                        plsc.store_scatter(out_v, [r16, colv], vals)
                        c += 1

            pltpu.sync_copy(out_v, out_hbm.at[pl.ds(base, bc)])
            return carry

        lax.fori_loop(0, n_chunks, chunk_body, 0, unroll=False)

    return sc_call


def kernel(data, year_table, month_table, day_table, hour_table):
    b, l, f = data.shape
    n = b * l
    t = jnp.concatenate([
        year_table.reshape(-1), month_table.reshape(-1),
        day_table.reshape(-1), hour_table.reshape(-1)])
    x2 = data.reshape(n, f)
    out = _make_sc_call(n, 256)(x2, t)
    return out.reshape(b, l, _OUT_F)

# --- scband reference (transcript-rebuilt; emitter-appended) ---
"""Pipeline reference for scband-weather-date-embedded-35957466202278 (READ-ONLY COPY).

The authoritative reference and input builder live on the scoring server;
editing this copy changes nothing except your own understanding.
"""

import jax, jax.numpy as jnp
import numpy as np

B, L, F = 4096, 200, 20

def setup_inputs(seed: int = 0) -> dict:
    key = jax.random.key(seed)
    k1, k2, k3, k4, k5, k6, k7, k8, k9 = jax.random.split(key, 9)
    # continuous weather features
    weather = jax.random.normal(k1, (B, L, F - 4), dtype=jnp.float32)
    # last 4 columns are integer-valued date fields stored as floats
    year = jax.random.randint(k2, (B, L, 1), 0, 2)
    month = jax.random.randint(k3, (B, L, 1), 0, 13)
    day = jax.random.randint(k4, (B, L, 1), 0, 31)
    hour = jax.random.randint(k5, (B, L, 1), 0, 24)
    dates = jnp.concatenate([year, month, day, hour], axis=2).astype(jnp.float32)
    data = jnp.concatenate([weather, dates], axis=2)
    # embedding tables (learned parameters), nn.Embedding default init N(0,1)
    year_table = jax.random.normal(k6, (2, 1), dtype=jnp.float32)
    month_table = jax.random.normal(k7, (13, 6), dtype=jnp.float32)
    day_table = jax.random.normal(k8, (31, 12), dtype=jnp.float32)
    hour_table = jax.random.normal(k9, (24, 10), dtype=jnp.float32)
    return {
        "data": data,
        "year_table": year_table,
        "month_table": month_table,
        "day_table": day_table,
        "hour_table": hour_table,
    }


def reference(data, year_table, month_table, day_table, hour_table):
    raw_data = data
    idx = data[:, :, -4:].astype(jnp.int32)
    embedded_year = jnp.take(year_table, idx[:, :, 0], axis=0)
    embedded_month = jnp.take(month_table, idx[:, :, 1], axis=0)
    embedded_day = jnp.take(day_table, idx[:, :, 2], axis=0)
    embedded_hour = jnp.take(hour_table, idx[:, :, 3], axis=0)
    # original torch code uses dim=1 which is shape-inconsistent; the clearly
    # intended op is a feature-dim concat (axis=2)
    encoded_features = jnp.concatenate(
        [embedded_year, embedded_month, embedded_day, embedded_hour], axis=2
    )
    # torch .detach() -> stop_gradient
    encoded_features_np = jnp.concatenate(
        [raw_data, jax.lax.stop_gradient(encoded_features)], axis=2
    )
    return encoded_features_np

if __name__ == "__main__":
    import jax
    _d = setup_inputs()
    print(jax.jit(kernel)(*tuple(_d.values())))

</pallas_src>

<mosaic_0001>
#map = affine_map<(d0, d1) -> (0, 0)>
#map1 = affine_map<(d0, d1) -> (0)>
module attributes {stable_mosaic.version = 14 : i64} {
  func.func @sc_call(%arg0: i32, %arg1: i32, %arg2: memref<819200x20xf32, #tpu.memory_space<hbm>>, %arg3: memref<692xf32, #tpu.memory_space<hbm>>, %arg4: memref<819200x49xf32, #tpu.memory_space<hbm>>, %arg5: memref<692xf32, #tpu.memory_space<vmem>>, %arg6: memref<256x20xf32, #tpu.memory_space<vmem>>, %arg7: memref<256x49xf32, #tpu.memory_space<vmem>>, %arg8: memref<4x256xi32, #tpu.memory_space<vmem>>) attributes {dimension_semantics = [#tpu.dimension_semantics<core_parallel>, #tpu.dimension_semantics<subcore_parallel>], iteration_bounds = array<i64: 2, 16>, scalar_prefetch = 0 : i64, scratch_operands = 4 : i64, tpu.core_type = #tpu.core_type<sc_vector_subcore>, window_params = [{transform_indices = #map}, {transform_indices = #map1}, {transform_indices = #map}]} {
    %mul3A = arith.constant 2 : i32
    %mul3A_0 = arith.muli %arg1, %mul3A : i32
    %add3A = arith.addi %mul3A_0, %arg0 : i32
    %mul3A_1 = arith.constant 25600 : i32
    %mul3A_2 = arith.muli %add3A, %mul3A_1 : i32
    "tpu.region"() ({
      %run_scoped3A = tpu.sem_alloc : memref<!tpu.dma_semaphore, #tpu.memory_space<semaphore_mem>>
      tpu.enqueue_dma source(%arg3 : memref<692xf32, #tpu.memory_space<hbm>>) target(%arg5 : memref<692xf32, #tpu.memory_space<vmem>>) target_semaphore(%run_scoped3A : memref<!tpu.dma_semaphore, #tpu.memory_space<semaphore_mem>>)
      tpu.wait_dma2 semaphore(%run_scoped3A : memref<!tpu.dma_semaphore, #tpu.memory_space<semaphore_mem>>) src(%arg3 : memref<692xf32, #tpu.memory_space<hbm>>) dst(%arg5 : memref<692xf32, #tpu.memory_space<vmem>>)
      tpu.yield
    }) : () -> ()
    %scan3A = arith.constant 0 : i32
    %scan3A_3 = arith.constant 0 : i32
    %scan3A_4 = arith.constant 100 : i32
    %scan3A_5 = arith.addi %scan3A_3, %scan3A_4 : i32
    %scan3A_6 = arith.constant 1 : i32
    scf.for %scan3A_8 = %scan3A_3 to %scan3A_5 step %scan3A_6  : i32 {
      %mul3A_9 = arith.constant 256 : i32
      %mul3A_10 = arith.muli %scan3A_8, %mul3A_9 : i32
      %add3A_11 = arith.addi %mul3A_2, %mul3A_10 : i32
      "tpu.region"() ({
        %run_scoped3A = tpu.sem_alloc : memref<!tpu.dma_semaphore, #tpu.memory_space<semaphore_mem>>
        %dma_start3A = arith.constant 0 : i32
        %dma_start3A_17 = tpu.memref_slice %arg2[%add3A_11, %dma_start3A] : memref<819200x20xf32, #tpu.memory_space<hbm>> -> memref<256x20xf32, #tpu.memory_space<hbm>>
        %dma_start3A_18 = arith.constant 0 : i32
        %dma_start3A_19 = tpu.memref_slice %arg2[%add3A_11, %dma_start3A_18] : memref<819200x20xf32, #tpu.memory_space<hbm>> -> memref<256x20xf32, #tpu.memory_space<hbm>>
        tpu.enqueue_dma source(%dma_start3A_19 : memref<256x20xf32, #tpu.memory_space<hbm>>) target(%arg6 : memref<256x20xf32, #tpu.memory_space<vmem>>) target_semaphore(%run_scoped3A : memref<!tpu.dma_semaphore, #tpu.memory_space<semaphore_mem>>)
        %dma_wait3A = arith.constant 0 : i32
        %dma_wait3A_20 = tpu.memref_slice %arg2[%add3A_11, %dma_wait3A] : memref<819200x20xf32, #tpu.memory_space<hbm>> -> memref<256x20xf32, #tpu.memory_space<hbm>>
        %dma_wait3A_21 = arith.constant 0 : i32
        %dma_wait3A_22 = tpu.memref_slice %arg2[%add3A_11, %dma_wait3A_21] : memref<819200x20xf32, #tpu.memory_space<hbm>> -> memref<256x20xf32, #tpu.memory_space<hbm>>
        tpu.wait_dma2 semaphore(%run_scoped3A : memref<!tpu.dma_semaphore, #tpu.memory_space<semaphore_mem>>) src(%dma_wait3A_22 : memref<256x20xf32, #tpu.memory_space<hbm>>) dst(%arg6 : memref<256x20xf32, #tpu.memory_space<vmem>>)
        tpu.yield
      }) : () -> ()
      %parallel_loop3A = arith.constant 0 : i32
      %parallel_loop3A_12 = arith.constant 16 : i32
      %parallel_loop3A_13 = arith.constant 1 : i32
      scf.for %parallel_loop3A_17 = %parallel_loop3A to %parallel_loop3A_12 step %parallel_loop3A_13  : i32 {
        %parallel_loop3A_18 = tpu.iota {dimensions = array<i32: 0>} : vector<16xi32>
        %parallel_loop3A_19 = arith.constant 16 : i32
        %parallel_loop3A_20 = arith.muli %parallel_loop3A_17, %parallel_loop3A_19 : i32
        %parallel_loop3A_21 = vector.broadcast %parallel_loop3A_20 : i32 to vector<16xi32>
        %parallel_loop3A_22 = arith.addi %parallel_loop3A_18, %parallel_loop3A_21 : vector<16xi32>
        %parallel_loop3A_23 = arith.constant 16 : i32
        %parallel_loop3A_24 = vector.broadcast %parallel_loop3A_23 : i32 to vector<16xi32>
        %parallel_loop3A_25 = tpu.vector_load_idx %arg6[%parallel_loop3A_22, %parallel_loop3A_24] : memref<256x20xf32, #tpu.memory_space<vmem>>[vector<16xi32>, vector<16xi32>], vector<16xf32>,
        %parallel_loop3A_26 = arith.fptosi %parallel_loop3A_25 : vector<16xf32> to vector<16xi32>
        %parallel_loop3A_27 = arith.constant 1 : i32
        %parallel_loop3A_28 = vector.broadcast %parallel_loop3A_27 : i32 to vector<16xi32>
        %parallel_loop3A_29 = arith.muli %parallel_loop3A_26, %parallel_loop3A_28 : vector<16xi32>
        %parallel_loop3A_30 = arith.constant 0 : i32
        %parallel_loop3A_31 = vector.broadcast %parallel_loop3A_30 : i32 to vector<16xi32>
        %parallel_loop3A_32 = arith.addi %parallel_loop3A_31, %parallel_loop3A_29 : vector<16xi32>
        %parallel_loop3A_33 = arith.constant 16 : i32
        %parallel_loop3A_34 = arith.muli %parallel_loop3A_17, %parallel_loop3A_33 : i32
        %parallel_loop3A_35 = arith.constant 0 : i32
        %parallel_loop3A_36 = arith.index_cast %parallel_loop3A_35 : i32 to index
        %parallel_loop3A_37 = arith.index_cast %parallel_loop3A_34 : i32 to index
        %parallel_loop3A_38 = tpu.vector_load %arg8[%parallel_loop3A_36, %parallel_loop3A_37] {strides = array<i32>} : memref<4x256xi32, #tpu.memory_space<vmem>>, vector<16xi32>,
        tpu.vector_store %arg8[%parallel_loop3A_36, %parallel_loop3A_37], %parallel_loop3A_32 {strides = array<i32>} : memref<4x256xi32, #tpu.memory_space<vmem>>, vector<16xi32>,
        %parallel_loop3A_39 = arith.constant 17 : i32
        %parallel_loop3A_40 = vector.broadcast %parallel_loop3A_39 : i32 to vector<16xi32>
        %parallel_loop3A_41 = tpu.vector_load_idx %arg6[%parallel_loop3A_22, %parallel_loop3A_40] : memref<256x20xf32, #tpu.memory_space<vmem>>[vector<16xi32>, vector<16xi32>], vector<16xf32>,
        %parallel_loop3A_42 = arith.fptosi %parallel_loop3A_41 : vector<16xf32> to vector<16xi32>
        %parallel_loop3A_43 = arith.constant 6 : i32
        %parallel_loop3A_44 = vector.broadcast %parallel_loop3A_43 : i32 to vector<16xi32>
        %parallel_loop3A_45 = arith.muli %parallel_loop3A_42, %parallel_loop3A_44 : vector<16xi32>
        %parallel_loop3A_46 = arith.constant 2 : i32
        %parallel_loop3A_47 = vector.broadcast %parallel_loop3A_46 : i32 to vector<16xi32>
        %parallel_loop3A_48 = arith.addi %parallel_loop3A_47, %parallel_loop3A_45 : vector<16xi32>
        %parallel_loop3A_49 = arith.constant 16 : i32
        %parallel_loop3A_50 = arith.muli %parallel_loop3A_17, %parallel_loop3A_49 : i32
        %parallel_loop3A_51 = arith.constant 1 : i32
        %parallel_loop3A_52 = arith.index_cast %parallel_loop3A_51 : i32 to index
        %parallel_loop3A_53 = arith.index_cast %parallel_loop3A_50 : i32 to index
        %parallel_loop3A_54 = tpu.vector_load %arg8[%parallel_loop3A_52, %parallel_loop3A_53] {strides = array<i32>} : memref<4x256xi32, #tpu.memory_space<vmem>>, vector<16xi32>,
        tpu.vector_store %arg8[%parallel_loop3A_52, %parallel_loop3A_53], %parallel_loop3A_48 {strides = array<i32>} : memref<4x256xi32, #tpu.memory_space<vmem>>, vector<16xi32>,
        %parallel_loop3A_55 = arith.constant 18 : i32
        %parallel_loop3A_56 = vector.broadcast %parallel_loop3A_55 : i32 to vector<16xi32>
        %parallel_loop3A_57 = tpu.vector_load_idx %arg6[%parallel_loop3A_22, %parallel_loop3A_56] : memref<256x20xf32, #tpu.memory_space<vmem>>[vector<16xi32>, vector<16xi32>], vector<16xf32>,
        %parallel_loop3A_58 = arith.fptosi %parallel_loop3A_57 : vector<16xf32> to vector<16xi32>
        %parallel_loop3A_59 = arith.constant 12 : i32
        %parallel_loop3A_60 = vector.broadcast %parallel_loop3A_59 : i32 to vector<16xi32>
        %parallel_loop3A_61 = arith.muli %parallel_loop3A_58, %parallel_loop3A_60 : vector<16xi32>
        %parallel_loop3A_62 = arith.constant 80 : i32
        %parallel_loop3A_63 = vector.broadcast %parallel_loop3A_62 : i32 to vector<16xi32>
        %parallel_loop3A_64 = arith.addi %parallel_loop3A_63, %parallel_loop3A_61 : vector<16xi32>
        %parallel_loop3A_65 = arith.constant 16 : i32
        %parallel_loop3A_66 = arith.muli %parallel_loop3A_17, %parallel_loop3A_65 : i32
        %parallel_loop3A_67 = arith.constant 2 : i32
        %parallel_loop3A_68 = arith.index_cast %parallel_loop3A_67 : i32 to index
        %parallel_loop3A_69 = arith.index_cast %parallel_loop3A_66 : i32 to index
        %parallel_loop3A_70 = tpu.vector_load %arg8[%parallel_loop3A_68, %parallel_loop3A_69] {strides = array<i32>} : memref<4x256xi32, #tpu.memory_space<vmem>>, vector<16xi32>,
        tpu.vector_store %arg8[%parallel_loop3A_68, %parallel_loop3A_69], %parallel_loop3A_64 {strides = array<i32>} : memref<4x256xi32, #tpu.memory_space<vmem>>, vector<16xi32>,
        %parallel_loop3A_71 = arith.constant 19 : i32
        %parallel_loop3A_72 = vector.broadcast %parallel_loop3A_71 : i32 to vector<16xi32>
        %parallel_loop3A_73 = tpu.vector_load_idx %arg6[%parallel_loop3A_22, %parallel_loop3A_72] : memref<256x20xf32, #tpu.memory_space<vmem>>[vector<16xi32>, vector<16xi32>], vector<16xf32>,
        %parallel_loop3A_74 = arith.fptosi %parallel_loop3A_73 : vector<16xf32> to vector<16xi32>
        %parallel_loop3A_75 = arith.constant 10 : i32
        %parallel_loop3A_76 = vector.broadcast %parallel_loop3A_75 : i32 to vector<16xi32>
        %parallel_loop3A_77 = arith.muli %parallel_loop3A_74, %parallel_loop3A_76 : vector<16xi32>
        %parallel_loop3A_78 = arith.constant 452 : i32
        %parallel_loop3A_79 = vector.broadcast %parallel_loop3A_78 : i32 to vector<16xi32>
        %parallel_loop3A_80 = arith.addi %parallel_loop3A_79, %parallel_loop3A_77 : vector<16xi32>
        %parallel_loop3A_81 = arith.constant 16 : i32
        %parallel_loop3A_82 = arith.muli %parallel_loop3A_17, %parallel_loop3A_81 : i32
        %parallel_loop3A_83 = arith.constant 3 : i32
        %parallel_loop3A_84 = arith.index_cast %parallel_loop3A_83 : i32 to index
        %parallel_loop3A_85 = arith.index_cast %parallel_loop3A_82 : i32 to index
        %parallel_loop3A_86 = tpu.vector_load %arg8[%parallel_loop3A_84, %parallel_loop3A_85] {strides = array<i32>} : memref<4x256xi32, #tpu.memory_space<vmem>>, vector<16xi32>,
        tpu.vector_store %arg8[%parallel_loop3A_84, %parallel_loop3A_85], %parallel_loop3A_80 {strides = array<i32>} : memref<4x256xi32, #tpu.memory_space<vmem>>, vector<16xi32>,
      } {sc.loop_unroll_factor = 8 : i64, sc.parallel_access}
      %parallel_loop3A_14 = arith.constant 0 : i32
      %parallel_loop3A_15 = arith.constant 16 : i32
      %parallel_loop3A_16 = arith.constant 1 : i32
      scf.for %parallel_loop3A_17 = %parallel_loop3A_14 to %parallel_loop3A_15 step %parallel_loop3A_16  : i32 {
        %parallel_loop3A_18 = tpu.iota {dimensions = array<i32: 0>} : vector<16xi32>
        %parallel_loop3A_19 = arith.constant 16 : i32
        %parallel_loop3A_20 = arith.muli %parallel_loop3A_17, %parallel_loop3A_19 : i32
        %parallel_loop3A_21 = vector.broadcast %parallel_loop3A_20 : i32 to vector<16xi32>
        %parallel_loop3A_22 = arith.addi %parallel_loop3A_18, %parallel_loop3A_21 : vector<16xi32>
        %parallel_loop3A_23 = arith.constant 0 : i32
        %parallel_loop3A_24 = vector.broadcast %parallel_loop3A_23 : i32 to vector<16xi32>
        %parallel_loop3A_25 = tpu.vector_load_idx %arg6[%parallel_loop3A_22, %parallel_loop3A_24] : memref<256x20xf32, #tpu.memory_space<vmem>>[vector<16xi32>, vector<16xi32>], vector<16xf32>,
        tpu.vector_store_idx %arg7[%parallel_loop3A_22, %parallel_loop3A_24], %parallel_loop3A_25 : memref<256x49xf32, #tpu.memory_space<vmem>>[vector<16xi32>, vector<16xi32>], vector<16xf32>,
        %parallel_loop3A_26 = arith.constant 1 : i32
        %parallel_loop3A_27 = vector.broadcast %parallel_loop3A_26 : i32 to vector<16xi32>
        %parallel_loop3A_28 = tpu.vector_load_idx %arg6[%parallel_loop3A_22, %parallel_loop3A_27] : memref<256x20xf32, #tpu.memory_space<vmem>>[vector<16xi32>, vector<16xi32>], vector<16xf32>,
        tpu.vector_store_idx %arg7[%parallel_loop3A_22, %parallel_loop3A_27], %parallel_loop3A_28 : memref<256x49xf32, #tpu.memory_space<vmem>>[vector<16xi32>, vector<16xi32>], vector<16xf32>,
        %parallel_loop3A_29 = arith.constant 2 : i32
        %parallel_loop3A_30 = vector.broadcast %parallel_loop3A_29 : i32 to vector<16xi32>
        %parallel_loop3A_31 = tpu.vector_load_idx %arg6[%parallel_loop3A_22, %parallel_loop3A_30] : memref<256x20xf32, #tpu.memory_space<vmem>>[vector<16xi32>, vector<16xi32>], vector<16xf32>,
        tpu.vector_store_idx %arg7[%parallel_loop3A_22, %parallel_loop3A_30], %parallel_loop3A_31 : memref<256x49xf32, #tpu.memory_space<vmem>>[vector<16xi32>, vector<16xi32>], vector<16xf32>,
        %parallel_loop3A_32 = arith.constant 3 : i32
        %parallel_loop3A_33 = vector.broadcast %parallel_loop3A_32 : i32 to vector<16xi32>
        %parallel_loop3A_34 = tpu.vector_load_idx %arg6[%parallel_loop3A_22, %parallel_loop3A_33] : memref<256x20xf32, #tpu.memory_space<vmem>>[vector<16xi32>, vector<16xi32>], vector<16xf32>,
        tpu.vector_store_idx %arg7[%parallel_loop3A_22, %parallel_loop3A_33], %parallel_loop3A_34 : memref<256x49xf32, #tpu.memory_space<vmem>>[vector<16xi32>, vector<16xi32>], vector<16xf32>,
        %parallel_loop3A_35 = arith.constant 4 : i32
        %parallel_loop3A_36 = vector.broadcast %parallel_loop3A_35 : i32 to vector<16xi32>
        %parallel_loop3A_37 = tpu.vector_load_idx %arg6[%parallel_loop3A_22, %parallel_loop3A_36] : memref<256x20xf32, #tpu.memory_space<vmem>>[vector<16xi32>, vector<16xi32>], vector<16xf32>,
        tpu.vector_store_idx %arg7[%parallel_loop3A_22, %parallel_loop3A_36], %parallel_loop3A_37 : memref<256x49xf32, #tpu.memory_space<vmem>>[vector<16xi32>, vector<16xi32>], vector<16xf32>,
        %parallel_loop3A_38 = arith.constant 5 : i32
        %parallel_loop3A_39 = vector.broadcast %parallel_loop3A_38 : i32 to vector<16xi32>
        %parallel_loop3A_40 = tpu.vector_load_idx %arg6[%parallel_loop3A_22, %parallel_loop3A_39] : memref<256x20xf32, #tpu.memory_space<vmem>>[vector<16xi32>, vector<16xi32>], vector<16xf32>,
        tpu.vector_store_idx %arg7[%parallel_loop3A_22, %parallel_loop3A_39], %parallel_loop3A_40 : memref<256x49xf32, #tpu.memory_space<vmem>>[vector<16xi32>, vector<16xi32>], vector<16xf32>,
        %parallel_loop3A_41 = arith.constant 6 : i32
        %parallel_loop3A_42 = vector.broadcast %parallel_loop3A_41 : i32 to vector<16xi32>
        %parallel_loop3A_43 = tpu.vector_load_idx %arg6[%parallel_loop3A_22, %parallel_loop3A_42] : memref<256x20xf32, #tpu.memory_space<vmem>>[vector<16xi32>, vector<16xi32>], vector<16xf32>,
        tpu.vector_store_idx %arg7[%parallel_loop3A_22, %parallel_loop3A_42], %parallel_loop3A_43 : memref<256x49xf32, #tpu.memory_space<vmem>>[vector<16xi32>, vector<16xi32>], vector<16xf32>,
        %parallel_loop3A_44 = arith.constant 7 : i32
        %parallel_loop3A_45 = vector.broadcast %parallel_loop3A_44 : i32 to vector<16xi32>
        %parallel_loop3A_46 = tpu.vector_load_idx %arg6[%parallel_loop3A_22, %parallel_loop3A_45] : memref<256x20xf32, #tpu.memory_space<vmem>>[vector<16xi32>, vector<16xi32>], vector<16xf32>,
        tpu.vector_store_idx %arg7[%parallel_loop3A_22, %parallel_loop3A_45], %parallel_loop3A_46 : memref<256x49xf32, #tpu.memory_space<vmem>>[vector<16xi32>, vector<16xi32>], vector<16xf32>,
        %parallel_loop3A_47 = arith.constant 8 : i32
        %parallel_loop3A_48 = vector.broadcast %parallel_loop3A_47 : i32 to vector<16xi32>
        %parallel_loop3A_49 = tpu.vector_load_idx %arg6[%parallel_loop3A_22, %parallel_loop3A_48] : memref<256x20xf32, #tpu.memory_space<vmem>>[vector<16xi32>, vector<16xi32>], vector<16xf32>,
        tpu.vector_store_idx %arg7[%parallel_loop3A_22, %parallel_loop3A_48], %parallel_loop3A_49 : memref<256x49xf32, #tpu.memory_space<vmem>>[vector<16xi32>, vector<16xi32>], vector<16xf32>,
        %parallel_loop3A_50 = arith.constant 9 : i32
        %parallel_loop3A_51 = vector.broadcast %parallel_loop3A_50 : i32 to vector<16xi32>
        %parallel_loop3A_52 = tpu.vector_load_idx %arg6[%parallel_loop3A_22, %parallel_loop3A_51] : memref<256x20xf32, #tpu.memory_space<vmem>>[vector<16xi32>, vector<16xi32>], vector<16xf32>,
        tpu.vector_store_idx %arg7[%parallel_loop3A_22, %parallel_loop3A_51], %parallel_loop3A_52 : memref<256x49xf32, #tpu.memory_space<vmem>>[vector<16xi32>, vector<16xi32>], vector<16xf32>,
        %parallel_loop3A_53 = arith.constant 10 : i32
        %parallel_loop3A_54 = vector.broadcast %parallel_loop3A_53 : i32 to vector<16xi32>
        %parallel_loop3A_55 = tpu.vector_load_idx %arg6[%parallel_loop3A_22, %parallel_loop3A_54] : memref<256x20xf32, #tpu.memory_space<vmem>>[vector<16xi32>, vector<16xi32>], vector<16xf32>,
        tpu.vector_store_idx %arg7[%parallel_loop3A_22, %parallel_loop3A_54], %parallel_loop3A_55 : memref<256x49xf32, #tpu.memory_space<vmem>>[vector<16xi32>, vector<16xi32>], vector<16xf32>,
        %parallel_loop3A_56 = arith.constant 11 : i32
        %parallel_loop3A_57 = vector.broadcast %parallel_loop3A_56 : i32 to vector<16xi32>
        %parallel_loop3A_58 = tpu.vector_load_idx %arg6[%parallel_loop3A_22, %parallel_loop3A_57] : memref<256x20xf32, #tpu.memory_space<vmem>>[vector<16xi32>, vector<16xi32>], vector<16xf32>,
        tpu.vector_store_idx %arg7[%parallel_loop3A_22, %parallel_loop3A_57], %parallel_loop3A_58 : memref<256x49xf32, #tpu.memory_space<vmem>>[vector<16xi32>, vector<16xi32>], vector<16xf32>,
        %parallel_loop3A_59 = arith.constant 12 : i32
        %parallel_loop3A_60 = vector.broadcast %parallel_loop3A_59 : i32 to vector<16xi32>
        %parallel_loop3A_61 = tpu.vector_load_idx %arg6[%parallel_loop3A_22, %parallel_loop3A_60] : memref<256x20xf32, #tpu.memory_space<vmem>>[vector<16xi32>, vector<16xi32>], vector<16xf32>,
        tpu.vector_store_idx %arg7[%parallel_loop3A_22, %parallel_loop3A_60], %parallel_loop3A_61 : memref<256x49xf32, #tpu.memory_space<vmem>>[vector<16xi32>, vector<16xi32>], vector<16xf32>,
        %parallel_loop3A_62 = arith.constant 13 : i32
        %parallel_loop3A_63 = vector.broadcast %parallel_loop3A_62 : i32 to vector<16xi32>
        %parallel_loop3A_64 = tpu.vector_load_idx %arg6[%parallel_loop3A_22, %parallel_loop3A_63] : memref<256x20xf32, #tpu.memory_space<vmem>>[vector<16xi32>, vector<16xi32>], vector<16xf32>,
        tpu.vector_store_idx %arg7[%parallel_loop3A_22, %parallel_loop3A_63], %parallel_loop3A_64 : memref<256x49xf32, #tpu.memory_space<vmem>>[vector<16xi32>, vector<16xi32>], vector<16xf32>,
        %parallel_loop3A_65 = arith.constant 14 : i32
        %parallel_loop3A_66 = vector.broadcast %parallel_loop3A_65 : i32 to vector<16xi32>
        %parallel_loop3A_67 = tpu.vector_load_idx %arg6[%parallel_loop3A_22, %parallel_loop3A_66] : memref<256x20xf32, #tpu.memory_space<vmem>>[vector<16xi32>, vector<16xi32>], vector<16xf32>,
        tpu.vector_store_idx %arg7[%parallel_loop3A_22, %parallel_loop3A_66], %parallel_loop3A_67 : memref<256x49xf32, #tpu.memory_space<vmem>>[vector<16xi32>, vector<16xi32>], vector<16xf32>,
        %parallel_loop3A_68 = arith.constant 15 : i32
        %parallel_loop3A_69 = vector.broadcast %parallel_loop3A_68 : i32 to vector<16xi32>
        %parallel_loop3A_70 = tpu.vector_load_idx %arg6[%parallel_loop3A_22, %parallel_loop3A_69] : memref<256x20xf32, #tpu.memory_space<vmem>>[vector<16xi32>, vector<16xi32>], vector<16xf32>,
        tpu.vector_store_idx %arg7[%parallel_loop3A_22, %parallel_loop3A_69], %parallel_loop3A_70 : memref<256x49xf32, #tpu.memory_space<vmem>>[vector<16xi32>, vector<16xi32>], vector<16xf32>,
        %parallel_loop3A_71 = arith.constant 16 : i32
        %parallel_loop3A_72 = vector.broadcast %parallel_loop3A_71 : i32 to vector<16xi32>
        %parallel_loop3A_73 = tpu.vector_load_idx %arg6[%parallel_loop3A_22, %parallel_loop3A_72] : memref<256x20xf32, #tpu.memory_space<vmem>>[vector<16xi32>, vector<16xi32>], vector<16xf32>,
        tpu.vector_store_idx %arg7[%parallel_loop3A_22, %parallel_loop3A_72], %parallel_loop3A_73 : memref<256x49xf32, #tpu.memory_space<vmem>>[vector<16xi32>, vector<16xi32>], vector<16xf32>,
        %parallel_loop3A_74 = arith.constant 17 : i32
        %parallel_loop3A_75 = vector.broadcast %parallel_loop3A_74 : i32 to vector<16xi32>
        %parallel_loop3A_76 = tpu.vector_load_idx %arg6[%parallel_loop3A_22, %parallel_loop3A_75] : memref<256x20xf32, #tpu.memory_space<vmem>>[vector<16xi32>, vector<16xi32>], vector<16xf32>,
        tpu.vector_store_idx %arg7[%parallel_loop3A_22, %parallel_loop3A_75], %parallel_loop3A_76 : memref<256x49xf32, #tpu.memory_space<vmem>>[vector<16xi32>, vector<16xi32>], vector<16xf32>,
        %parallel_loop3A_77 = arith.constant 18 : i32
        %parallel_loop3A_78 = vector.broadcast %parallel_loop3A_77 : i32 to vector<16xi32>
        %parallel_loop3A_79 = tpu.vector_load_idx %arg6[%parallel_loop3A_22, %parallel_loop3A_78] : memref<256x20xf32, #tpu.memory_space<vmem>>[vector<16xi32>, vector<16xi32>], vector<16xf32>,
        tpu.vector_store_idx %arg7[%parallel_loop3A_22, %parallel_loop3A_78], %parallel_loop3A_79 : memref<256x49xf32, #tpu.memory_space<vmem>>[vector<16xi32>, vector<16xi32>], vector<16xf32>,
        %parallel_loop3A_80 = arith.constant 19 : i32
        %parallel_loop3A_81 = vector.broadcast %parallel_loop3A_80 : i32 to vector<16xi32>
        %parallel_loop3A_82 = tpu.vector_load_idx %arg6[%parallel_loop3A_22, %parallel_loop3A_81] : memref<256x20xf32, #tpu.memory_space<vmem>>[vector<16xi32>, vector<16xi32>], vector<16xf32>,
        tpu.vector_store_idx %arg7[%parallel_loop3A_22, %parallel_loop3A_81], %parallel_loop3A_82 : memref<256x49xf32, #tpu.memory_space<vmem>>[vector<16xi32>, vector<16xi32>], vector<16xf32>,
        %parallel_loop3A_83 = arith.constant 16 : i32
        %parallel_loop3A_84 = arith.muli %parallel_loop3A_17, %parallel_loop3A_83 : i32
        %parallel_loop3A_85 = arith.constant 0 : i32
        %parallel_loop3A_86 = arith.index_cast %parallel_loop3A_85 : i32 to index
        %parallel_loop3A_87 = arith.index_cast %parallel_loop3A_84 : i32 to index
        %parallel_loop3A_88 = tpu.vector_load %arg8[%parallel_loop3A_86, %parallel_loop3A_87] {strides = array<i32>} : memref<4x256xi32, #tpu.memory_space<vmem>>, vector<16xi32>,
        %parallel_loop3A_89 = arith.constant 0 : i32
        %parallel_loop3A_90 = vector.broadcast %parallel_loop3A_89 : i32 to vector<16xi32>
        %parallel_loop3A_91 = arith.addi %parallel_loop3A_88, %parallel_loop3A_90 : vector<16xi32>
        %parallel_loop3A_92 = tpu.vector_load_idx %arg5[%parallel_loop3A_91] : memref<692xf32, #tpu.memory_space<vmem>>[vector<16xi32>], vector<16xf32>,
        %parallel_loop3A_93 = arith.constant 20 : i32
        %parallel_loop3A_94 = vector.broadcast %parallel_loop3A_93 : i32 to vector<16xi32>
        tpu.vector_store_idx %arg7[%parallel_loop3A_22, %parallel_loop3A_94], %parallel_loop3A_92 : memref<256x49xf32, #tpu.memory_space<vmem>>[vector<16xi32>, vector<16xi32>], vector<16xf32>,
        %parallel_loop3A_95 = arith.constant 16 : i32
        %parallel_loop3A_96 = arith.muli %parallel_loop3A_17, %parallel_loop3A_95 : i32
        %parallel_loop3A_97 = arith.constant 1 : i32
        %parallel_loop3A_98 = arith.index_cast %parallel_loop3A_97 : i32 to index
        %parallel_loop3A_99 = arith.index_cast %parallel_loop3A_96 : i32 to index
        %parallel_loop3A_100 = tpu.vector_load %arg8[%parallel_loop3A_98, %parallel_loop3A_99] {strides = array<i32>} : memref<4x256xi32, #tpu.memory_space<vmem>>, vector<16xi32>,
        %parallel_loop3A_101 = arith.constant 0 : i32
        %parallel_loop3A_102 = vector.broadcast %parallel_loop3A_101 : i32 to vector<16xi32>
        %parallel_loop3A_103 = arith.addi %parallel_loop3A_100, %parallel_loop3A_102 : vector<16xi32>
        %parallel_loop3A_104 = tpu.vector_load_idx %arg5[%parallel_loop3A_103] : memref<692xf32, #tpu.memory_space<vmem>>[vector<16xi32>], vector<16xf32>,
        %parallel_loop3A_105 = arith.constant 21 : i32
        %parallel_loop3A_106 = vector.broadcast %parallel_loop3A_105 : i32 to vector<16xi32>
        tpu.vector_store_idx %arg7[%parallel_loop3A_22, %parallel_loop3A_106], %parallel_loop3A_104 : memref<256x49xf32, #tpu.memory_space<vmem>>[vector<16xi32>, vector<16xi32>], vector<16xf32>,
        %parallel_loop3A_107 = arith.constant 1 : i32
        %parallel_loop3A_108 = vector.broadcast %parallel_loop3A_107 : i32 to vector<16xi32>
        %parallel_loop3A_109 = arith.addi %parallel_loop3A_100, %parallel_loop3A_108 : vector<16xi32>
        %parallel_loop3A_110 = tpu.vector_load_idx %arg5[%parallel_loop3A_109] : memref<692xf32, #tpu.memory_space<vmem>>[vector<16xi32>], vector<16xf32>,
        %parallel_loop3A_111 = arith.constant 22 : i32
        %parallel_loop3A_112 = vector.broadcast %parallel_loop3A_111 : i32 to vector<16xi32>
        tpu.vector_store_idx %arg7[%parallel_loop3A_22, %parallel_loop3A_112], %parallel_loop3A_110 : memref<256x49xf32, #tpu.memory_space<vmem>>[vector<16xi32>, vector<16xi32>], vector<16xf32>,
        %parallel_loop3A_113 = arith.constant 2 : i32
        %parallel_loop3A_114 = vector.broadcast %parallel_loop3A_113 : i32 to vector<16xi32>
        %parallel_loop3A_115 = arith.addi %parallel_loop3A_100, %parallel_loop3A_114 : vector<16xi32>
        %parallel_loop3A_116 = tpu.vector_load_idx %arg5[%parallel_loop3A_115] : memref<692xf32, #tpu.memory_space<vmem>>[vector<16xi32>], vector<16xf32>,
        %parallel_loop3A_117 = arith.constant 23 : i32
        %parallel_loop3A_118 = vector.broadcast %parallel_loop3A_117 : i32 to vector<16xi32>
        tpu.vector_store_idx %arg7[%parallel_loop3A_22, %parallel_loop3A_118], %parallel_loop3A_116 : memref<256x49xf32, #tpu.memory_space<vmem>>[vector<16xi32>, vector<16xi32>], vector<16xf32>,
        %parallel_loop3A_119 = arith.constant 3 : i32
        %parallel_loop3A_120 = vector.broadcast %parallel_loop3A_119 : i32 to vector<16xi32>
        %parallel_loop3A_121 = arith.addi %parallel_loop3A_100, %parallel_loop3A_120 : vector<16xi32>
        %parallel_loop3A_122 = tpu.vector_load_idx %arg5[%parallel_loop3A_121] : memref<692xf32, #tpu.memory_space<vmem>>[vector<16xi32>], vector<16xf32>,
        %parallel_loop3A_123 = arith.constant 24 : i32
        %parallel_loop3A_124 = vector.broadcast %parallel_loop3A_123 : i32 to vector<16xi32>
        tpu.vector_store_idx %arg7[%parallel_loop3A_22, %parallel_loop3A_124], %parallel_loop3A_122 : memref<256x49xf32, #tpu.memory_space<vmem>>[vector<16xi32>, vector<16xi32>], vector<16xf32>,
        %parallel_loop3A_125 = arith.constant 4 : i32
        %parallel_loop3A_126 = vector.broadcast %parallel_loop3A_125 : i32 to vector<16xi32>
        %parallel_loop3A_127 = arith.addi %parallel_loop3A_100, %parallel_loop3A_126 : vector<16xi32>
        %parallel_loop3A_128 = tpu.vector_load_idx %arg5[%parallel_loop3A_127] : memref<692xf32, #tpu.memory_space<vmem>>[vector<16xi32>], vector<16xf32>,
        %parallel_loop3A_129 = arith.constant 25 : i32
        %parallel_loop3A_130 = vector.broadcast %parallel_loop3A_129 : i32 to vector<16xi32>
        tpu.vector_store_idx %arg7[%parallel_loop3A_22, %parallel_loop3A_130], %parallel_loop3A_128 : memref<256x49xf32, #tpu.memory_space<vmem>>[vector<16xi32>, vector<16xi32>], vector<16xf32>,
        %parallel_loop3A_131 = arith.constant 5 : i32
        %parallel_loop3A_132 = vector.broadcast %parallel_loop3A_131 : i32 to vector<16xi32>
        %parallel_loop3A_133 = arith.addi %parallel_loop3A_100, %parallel_loop3A_132 : vector<16xi32>
        %parallel_loop3A_134 = tpu.vector_load_idx %arg5[%parallel_loop3A_133] : memref<692xf32, #tpu.memory_space<vmem>>[vector<16xi32>], vector<16xf32>,
        %parallel_loop3A_135 = arith.constant 26 : i32
        %parallel_loop3A_136 = vector.broadcast %parallel_loop3A_135 : i32 to vector<16xi32>
        tpu.vector_store_idx %arg7[%parallel_loop3A_22, %parallel_loop3A_136], %parallel_loop3A_134 : memref<256x49xf32, #tpu.memory_space<vmem>>[vector<16xi32>, vector<16xi32>], vector<16xf32>,
        %parallel_loop3A_137 = arith.constant 16 : i32
        %parallel_loop3A_138 = arith.muli %parallel_loop3A_17, %parallel_loop3A_137 : i32
        %parallel_loop3A_139 = arith.constant 2 : i32
        %parallel_loop3A_140 = arith.index_cast %parallel_loop3A_139 : i32 to index
        %parallel_loop3A_141 = arith.index_cast %parallel_loop3A_138 : i32 to index
        %parallel_loop3A_142 = tpu.vector_load %arg8[%parallel_loop3A_140, %parallel_loop3A_141] {strides = array<i32>} : memref<4x256xi32, #tpu.memory_space<vmem>>, vector<16xi32>,
        %parallel_loop3A_143 = arith.constant 0 : i32
        %parallel_loop3A_144 = vector.broadcast %parallel_loop3A_143 : i32 to vector<16xi32>
        %parallel_loop3A_145 = arith.addi %parallel_loop3A_142, %parallel_loop3A_144 : vector<16xi32>
        %parallel_loop3A_146 = tpu.vector_load_idx %arg5[%parallel_loop3A_145] : memref<692xf32, #tpu.memory_space<vmem>>[vector<16xi32>], vector<16xf32>,
        %parallel_loop3A_147 = arith.constant 27 : i32
        %parallel_loop3A_148 = vector.broadcast %parallel_loop3A_147 : i32 to vector<16xi32>
        tpu.vector_store_idx %arg7[%parallel_loop3A_22, %parallel_loop3A_148], %parallel_loop3A_146 : memref<256x49xf32, #tpu.memory_space<vmem>>[vector<16xi32>, vector<16xi32>], vector<16xf32>,
        %parallel_loop3A_149 = arith.constant 1 : i32
        %parallel_loop3A_150 = vector.broadcast %parallel_loop3A_149 : i32 to vector<16xi32>
        %parallel_loop3A_151 = arith.addi %parallel_loop3A_142, %parallel_loop3A_150 : vector<16xi32>
        %parallel_loop3A_152 = tpu.vector_load_idx %arg5[%parallel_loop3A_151] : memref<692xf32, #tpu.memory_space<vmem>>[vector<16xi32>], vector<16xf32>,
        %parallel_loop3A_153 = arith.constant 28 : i32
        %parallel_loop3A_154 = vector.broadcast %parallel_loop3A_153 : i32 to vector<16xi32>
        tpu.vector_store_idx %arg7[%parallel_loop3A_22, %parallel_loop3A_154], %parallel_loop3A_152 : memref<256x49xf32, #tpu.memory_space<vmem>>[vector<16xi32>, vector<16xi32>], vector<16xf32>,
        %parallel_loop3A_155 = arith.constant 2 : i32
        %parallel_loop3A_156 = vector.broadcast %parallel_loop3A_155 : i32 to vector<16xi32>
        %parallel_loop3A_157 = arith.addi %parallel_loop3A_142, %parallel_loop3A_156 : vector<16xi32>
        %parallel_loop3A_158 = tpu.vector_load_idx %arg5[%parallel_loop3A_157] : memref<692xf32, #tpu.memory_space<vmem>>[vector<16xi32>], vector<16xf32>,
        %parallel_loop3A_159 = arith.constant 29 : i32
        %parallel_loop3A_160 = vector.broadcast %parallel_loop3A_159 : i32 to vector<16xi32>
        tpu.vector_store_idx %arg7[%parallel_loop3A_22, %parallel_loop3A_160], %parallel_loop3A_158 : memref<256x49xf32, #tpu.memory_space<vmem>>[vector<16xi32>, vector<16xi32>], vector<16xf32>,
        %parallel_loop3A_161 = arith.constant 3 : i32
        %parallel_loop3A_162 = vector.broadcast %parallel_loop3A_161 : i32 to vector<16xi32>
        %parallel_loop3A_163 = arith.addi %parallel_loop3A_142, %parallel_loop3A_162 : vector<16xi32>
        %parallel_loop3A_164 = tpu.vector_load_idx %arg5[%parallel_loop3A_163] : memref<692xf32, #tpu.memory_space<vmem>>[vector<16xi32>], vector<16xf32>,
        %parallel_loop3A_165 = arith.constant 30 : i32
        %parallel_loop3A_166 = vector.broadcast %parallel_loop3A_165 : i32 to vector<16xi32>
        tpu.vector_store_idx %arg7[%parallel_loop3A_22, %parallel_loop3A_166], %parallel_loop3A_164 : memref<256x49xf32, #tpu.memory_space<vmem>>[vector<16xi32>, vector<16xi32>], vector<16xf32>,
        %parallel_loop3A_167 = arith.constant 4 : i32
        %parallel_loop3A_168 = vector.broadcast %parallel_loop3A_167 : i32 to vector<16xi32>
        %parallel_loop3A_169 = arith.addi %parallel_loop3A_142, %parallel_loop3A_168 : vector<16xi32>
        %parallel_loop3A_170 = tpu.vector_load_idx %arg5[%parallel_loop3A_169] : memref<692xf32, #tpu.memory_space<vmem>>[vector<16xi32>], vector<16xf32>,
        %parallel_loop3A_171 = arith.constant 31 : i32
        %parallel_loop3A_172 = vector.broadcast %parallel_loop3A_171 : i32 to vector<16xi32>
        tpu.vector_store_idx %arg7[%parallel_loop3A_22, %parallel_loop3A_172], %parallel_loop3A_170 : memref<256x49xf32, #tpu.memory_space<vmem>>[vector<16xi32>, vector<16xi32>], vector<16xf32>,
        %parallel_loop3A_173 = arith.constant 5 : i32
        %parallel_loop3A_174 = vector.broadcast %parallel_loop3A_173 : i32 to vector<16xi32>
        %parallel_loop3A_175 = arith.addi %parallel_loop3A_142, %parallel_loop3A_174 : vector<16xi32>
        %parallel_loop3A_176 = tpu.vector_load_idx %arg5[%parallel_loop3A_175] : memref<692xf32, #tpu.memory_space<vmem>>[vector<16xi32>], vector<16xf32>,
        %parallel_loop3A_177 = arith.constant 32 : i32
        %parallel_loop3A_178 = vector.broadcast %parallel_loop3A_177 : i32 to vector<16xi32>
        tpu.vector_store_idx %arg7[%parallel_loop3A_22, %parallel_loop3A_178], %parallel_loop3A_176 : memref<256x49xf32, #tpu.memory_space<vmem>>[vector<16xi32>, vector<16xi32>], vector<16xf32>,
        %parallel_loop3A_179 = arith.constant 6 : i32
        %parallel_loop3A_180 = vector.broadcast %parallel_loop3A_179 : i32 to vector<16xi32>
        %parallel_loop3A_181 = arith.addi %parallel_loop3A_142, %parallel_loop3A_180 : vector<16xi32>
        %parallel_loop3A_182 = tpu.vector_load_idx %arg5[%parallel_loop3A_181] : memref<692xf32, #tpu.memory_space<vmem>>[vector<16xi32>], vector<16xf32>,
        %parallel_loop3A_183 = arith.constant 33 : i32
        %parallel_loop3A_184 = vector.broadcast %parallel_loop3A_183 : i32 to vector<16xi32>
        tpu.vector_store_idx %arg7[%parallel_loop3A_22, %parallel_loop3A_184], %parallel_loop3A_182 : memref<256x49xf32, #tpu.memory_space<vmem>>[vector<16xi32>, vector<16xi32>], vector<16xf32>,
        %parallel_loop3A_185 = arith.constant 7 : i32
        %parallel_loop3A_186 = vector.broadcast %parallel_loop3A_185 : i32 to vector<16xi32>
        %parallel_loop3A_187 = arith.addi %parallel_loop3A_142, %parallel_loop3A_186 : vector<16xi32>
        %parallel_loop3A_188 = tpu.vector_load_idx %arg5[%parallel_loop3A_187] : memref<692xf32, #tpu.memory_space<vmem>>[vector<16xi32>], vector<16xf32>,
        %parallel_loop3A_189 = arith.constant 34 : i32
        %parallel_loop3A_190 = vector.broadcast %parallel_loop3A_189 : i32 to vector<16xi32>
        tpu.vector_store_idx %arg7[%parallel_loop3A_22, %parallel_loop3A_190], %parallel_loop3A_188 : memref<256x49xf32, #tpu.memory_space<vmem>>[vector<16xi32>, vector<16xi32>], vector<16xf32>,
        %parallel_loop3A_191 = arith.constant 8 : i32
        %parallel_loop3A_192 = vector.broadcast %parallel_loop3A_191 : i32 to vector<16xi32>
        %parallel_loop3A_193 = arith.addi %parallel_loop3A_142, %parallel_loop3A_192 : vector<16xi32>
        %parallel_loop3A_194 = tpu.vector_load_idx %arg5[%parallel_loop3A_193] : memref<692xf32, #tpu.memory_space<vmem>>[vector<16xi32>], vector<16xf32>,
        %parallel_loop3A_195 = arith.constant 35 : i32
        %parallel_loop3A_196 = vector.broadcast %parallel_loop3A_195 : i32 to vector<16xi32>
        tpu.vector_store_idx %arg7[%parallel_loop3A_22, %parallel_loop3A_196], %parallel_loop3A_194 : memref<256x49xf32, #tpu.memory_space<vmem>>[vector<16xi32>, vector<16xi32>], vector<16xf32>,
        %parallel_loop3A_197 = arith.constant 9 : i32
        %parallel_loop3A_198 = vector.broadcast %parallel_loop3A_197 : i32 to vector<16xi32>
        %parallel_loop3A_199 = arith.addi %parallel_loop3A_142, %parallel_loop3A_198 : vector<16xi32>
        %parallel_loop3A_200 = tpu.vector_load_idx %arg5[%parallel_loop3A_199] : memref<692xf32, #tpu.memory_space<vmem>>[vector<16xi32>], vector<16xf32>,
        %parallel_loop3A_201 = arith.constant 36 : i32
        %parallel_loop3A_202 = vector.broadcast %parallel_loop3A_201 : i32 to vector<16xi32>
        tpu.vector_store_idx %arg7[%parallel_loop3A_22, %parallel_loop3A_202], %parallel_loop3A_200 : memref<256x49xf32, #tpu.memory_space<vmem>>[vector<16xi32>, vector<16xi32>], vector<16xf32>,
        %parallel_loop3A_203 = arith.constant 10 : i32
        %parallel_loop3A_204 = vector.broadcast %parallel_loop3A_203 : i32 to vector<16xi32>
        %parallel_loop3A_205 = arith.addi %parallel_loop3A_142, %parallel_loop3A_204 : vector<16xi32>
        %parallel_loop3A_206 = tpu.vector_load_idx %arg5[%parallel_loop3A_205] : memref<692xf32, #tpu.memory_space<vmem>>[vector<16xi32>], vector<16xf32>,
        %parallel_loop3A_207 = arith.constant 37 : i32
        %parallel_loop3A_208 = vector.broadcast %parallel_loop3A_207 : i32 to vector<16xi32>
        tpu.vector_store_idx %arg7[%parallel_loop3A_22, %parallel_loop3A_208], %parallel_loop3A_206 : memref<256x49xf32, #tpu.memory_space<vmem>>[vector<16xi32>, vector<16xi32>], vector<16xf32>,
        %parallel_loop3A_209 = arith.constant 11 : i32
        %parallel_loop3A_210 = vector.broadcast %parallel_loop3A_209 : i32 to vector<16xi32>
        %parallel_loop3A_211 = arith.addi %parallel_loop3A_142, %parallel_loop3A_210 : vector<16xi32>
        %parallel_loop3A_212 = tpu.vector_load_idx %arg5[%parallel_loop3A_211] : memref<692xf32, #tpu.memory_space<vmem>>[vector<16xi32>], vector<16xf32>,
        %parallel_loop3A_213 = arith.constant 38 : i32
        %parallel_loop3A_214 = vector.broadcast %parallel_loop3A_213 : i32 to vector<16xi32>
        tpu.vector_store_idx %arg7[%parallel_loop3A_22, %parallel_loop3A_214], %parallel_loop3A_212 : memref<256x49xf32, #tpu.memory_space<vmem>>[vector<16xi32>, vector<16xi32>], vector<16xf32>,
        %parallel_loop3A_215 = arith.constant 16 : i32
        %parallel_loop3A_216 = arith.muli %parallel_loop3A_17, %parallel_loop3A_215 : i32
        %parallel_loop3A_217 = arith.constant 3 : i32
        %parallel_loop3A_218 = arith.index_cast %parallel_loop3A_217 : i32 to index
        %parallel_loop3A_219 = arith.index_cast %parallel_loop3A_216 : i32 to index
        %parallel_loop3A_220 = tpu.vector_load %arg8[%parallel_loop3A_218, %parallel_loop3A_219] {strides = array<i32>} : memref<4x256xi32, #tpu.memory_space<vmem>>, vector<16xi32>,
        %parallel_loop3A_221 = arith.constant 0 : i32
        %parallel_loop3A_222 = vector.broadcast %parallel_loop3A_221 : i32 to vector<16xi32>
        %parallel_loop3A_223 = arith.addi %parallel_loop3A_220, %parallel_loop3A_222 : vector<16xi32>
        %parallel_loop3A_224 = tpu.vector_load_idx %arg5[%parallel_loop3A_223] : memref<692xf32, #tpu.memory_space<vmem>>[vector<16xi32>], vector<16xf32>,
        %parallel_loop3A_225 = arith.constant 39 : i32
        %parallel_loop3A_226 = vector.broadcast %parallel_loop3A_225 : i32 to vector<16xi32>
        tpu.vector_store_idx %arg7[%parallel_loop3A_22, %parallel_loop3A_226], %parallel_loop3A_224 : memref<256x49xf32, #tpu.memory_space<vmem>>[vector<16xi32>, vector<16xi32>], vector<16xf32>,
        %parallel_loop3A_227 = arith.constant 1 : i32
        %parallel_loop3A_228 = vector.broadcast %parallel_loop3A_227 : i32 to vector<16xi32>
        %parallel_loop3A_229 = arith.addi %parallel_loop3A_220, %parallel_loop3A_228 : vector<16xi32>
        %parallel_loop3A_230 = tpu.vector_load_idx %arg5[%parallel_loop3A_229] : memref<692xf32, #tpu.memory_space<vmem>>[vector<16xi32>], vector<16xf32>,
        %parallel_loop3A_231 = arith.constant 40 : i32
        %parallel_loop3A_232 = vector.broadcast %parallel_loop3A_231 : i32 to vector<16xi32>
        tpu.vector_store_idx %arg7[%parallel_loop3A_22, %parallel_loop3A_232], %parallel_loop3A_230 : memref<256x49xf32, #tpu.memory_space<vmem>>[vector<16xi32>, vector<16xi32>], vector<16xf32>,
        %parallel_loop3A_233 = arith.constant 2 : i32
        %parallel_loop3A_234 = vector.broadcast %parallel_loop3A_233 : i32 to vector<16xi32>
        %parallel_loop3A_235 = arith.addi %parallel_loop3A_220, %parallel_loop3A_234 : vector<16xi32>
        %parallel_loop3A_236 = tpu.vector_load_idx %arg5[%parallel_loop3A_235] : memref<692xf32, #tpu.memory_space<vmem>>[vector<16xi32>], vector<16xf32>,
        %parallel_loop3A_237 = arith.constant 41 : i32
        %parallel_loop3A_238 = vector.broadcast %parallel_loop3A_237 : i32 to vector<16xi32>
        tpu.vector_store_idx %arg7[%parallel_loop3A_22, %parallel_loop3A_238], %parallel_loop3A_236 : memref<256x49xf32, #tpu.memory_space<vmem>>[vector<16xi32>, vector<16xi32>], vector<16xf32>,
        %parallel_loop3A_239 = arith.constant 3 : i32
        %parallel_loop3A_240 = vector.broadcast %parallel_loop3A_239 : i32 to vector<16xi32>
        %parallel_loop3A_241 = arith.addi %parallel_loop3A_220, %parallel_loop3A_240 : vector<16xi32>
        %parallel_loop3A_242 = tpu.vector_load_idx %arg5[%parallel_loop3A_241] : memref<692xf32, #tpu.memory_space<vmem>>[vector<16xi32>], vector<16xf32>,
        %parallel_loop3A_243 = arith.constant 42 : i32
        %parallel_loop3A_244 = vector.broadcast %parallel_loop3A_243 : i32 to vector<16xi32>
        tpu.vector_store_idx %arg7[%parallel_loop3A_22, %parallel_loop3A_244], %parallel_loop3A_242 : memref<256x49xf32, #tpu.memory_space<vmem>>[vector<16xi32>, vector<16xi32>], vector<16xf32>,
        %parallel_loop3A_245 = arith.constant 4 : i32
        %parallel_loop3A_246 = vector.broadcast %parallel_loop3A_245 : i32 to vector<16xi32>
        %parallel_loop3A_247 = arith.addi %parallel_loop3A_220, %parallel_loop3A_246 : vector<16xi32>
        %parallel_loop3A_248 = tpu.vector_load_idx %arg5[%parallel_loop3A_247] : memref<692xf32, #tpu.memory_space<vmem>>[vector<16xi32>], vector<16xf32>,
        %parallel_loop3A_249 = arith.constant 43 : i32
        %parallel_loop3A_250 = vector.broadcast %parallel_loop3A_249 : i32 to vector<16xi32>
        tpu.vector_store_idx %arg7[%parallel_loop3A_22, %parallel_loop3A_250], %parallel_loop3A_248 : memref<256x49xf32, #tpu.memory_space<vmem>>[vector<16xi32>, vector<16xi32>], vector<16xf32>,
        %parallel_loop3A_251 = arith.constant 5 : i32
        %parallel_loop3A_252 = vector.broadcast %parallel_loop3A_251 : i32 to vector<16xi32>
        %parallel_loop3A_253 = arith.addi %parallel_loop3A_220, %parallel_loop3A_252 : vector<16xi32>
        %parallel_loop3A_254 = tpu.vector_load_idx %arg5[%parallel_loop3A_253] : memref<692xf32, #tpu.memory_space<vmem>>[vector<16xi32>], vector<16xf32>,
        %parallel_loop3A_255 = arith.constant 44 : i32
        %parallel_loop3A_256 = vector.broadcast %parallel_loop3A_255 : i32 to vector<16xi32>
        tpu.vector_store_idx %arg7[%parallel_loop3A_22, %parallel_loop3A_256], %parallel_loop3A_254 : memref<256x49xf32, #tpu.memory_space<vmem>>[vector<16xi32>, vector<16xi32>], vector<16xf32>,
        %parallel_loop3A_257 = arith.constant 6 : i32
        %parallel_loop3A_258 = vector.broadcast %parallel_loop3A_257 : i32 to vector<16xi32>
        %parallel_loop3A_259 = arith.addi %parallel_loop3A_220, %parallel_loop3A_258 : vector<16xi32>
        %parallel_loop3A_260 = tpu.vector_load_idx %arg5[%parallel_loop3A_259] : memref<692xf32, #tpu.memory_space<vmem>>[vector<16xi32>], vector<16xf32>,
        %parallel_loop3A_261 = arith.constant 45 : i32
        %parallel_loop3A_262 = vector.broadcast %parallel_loop3A_261 : i32 to vector<16xi32>
        tpu.vector_store_idx %arg7[%parallel_loop3A_22, %parallel_loop3A_262], %parallel_loop3A_260 : memref<256x49xf32, #tpu.memory_space<vmem>>[vector<16xi32>, vector<16xi32>], vector<16xf32>,
        %parallel_loop3A_263 = arith.constant 7 : i32
        %parallel_loop3A_264 = vector.broadcast %parallel_loop3A_263 : i32 to vector<16xi32>
        %parallel_loop3A_265 = arith.addi %parallel_loop3A_220, %parallel_loop3A_264 : vector<16xi32>
        %parallel_loop3A_266 = tpu.vector_load_idx %arg5[%parallel_loop3A_265] : memref<692xf32, #tpu.memory_space<vmem>>[vector<16xi32>], vector<16xf32>,
        %parallel_loop3A_267 = arith.constant 46 : i32
        %parallel_loop3A_268 = vector.broadcast %parallel_loop3A_267 : i32 to vector<16xi32>
        tpu.vector_store_idx %arg7[%parallel_loop3A_22, %parallel_loop3A_268], %parallel_loop3A_266 : memref<256x49xf32, #tpu.memory_space<vmem>>[vector<16xi32>, vector<16xi32>], vector<16xf32>,
        %parallel_loop3A_269 = arith.constant 8 : i32
        %parallel_loop3A_270 = vector.broadcast %parallel_loop3A_269 : i32 to vector<16xi32>
        %parallel_loop3A_271 = arith.addi %parallel_loop3A_220, %parallel_loop3A_270 : vector<16xi32>
        %parallel_loop3A_272 = tpu.vector_load_idx %arg5[%parallel_loop3A_271] : memref<692xf32, #tpu.memory_space<vmem>>[vector<16xi32>], vector<16xf32>,
        %parallel_loop3A_273 = arith.constant 47 : i32
        %parallel_loop3A_274 = vector.broadcast %parallel_loop3A_273 : i32 to vector<16xi32>
        tpu.vector_store_idx %arg7[%parallel_loop3A_22, %parallel_loop3A_274], %parallel_loop3A_272 : memref<256x49xf32, #tpu.memory_space<vmem>>[vector<16xi32>, vector<16xi32>], vector<16xf32>,
        %parallel_loop3A_275 = arith.constant 9 : i32
        %parallel_loop3A_276 = vector.broadcast %parallel_loop3A_275 : i32 to vector<16xi32>
        %parallel_loop3A_277 = arith.addi %parallel_loop3A_220, %parallel_loop3A_276 : vector<16xi32>
        %parallel_loop3A_278 = tpu.vector_load_idx %arg5[%parallel_loop3A_277] : memref<692xf32, #tpu.memory_space<vmem>>[vector<16xi32>], vector<16xf32>,
        %parallel_loop3A_279 = arith.constant 48 : i32
        %parallel_loop3A_280 = vector.broadcast %parallel_loop3A_279 : i32 to vector<16xi32>
        tpu.vector_store_idx %arg7[%parallel_loop3A_22, %parallel_loop3A_280], %parallel_loop3A_278 : memref<256x49xf32, #tpu.memory_space<vmem>>[vector<16xi32>, vector<16xi32>], vector<16xf32>,
      } {sc.loop_unroll_factor = 4 : i64, sc.parallel_access}
      "tpu.region"() ({
        %run_scoped3A = tpu.sem_alloc : memref<!tpu.dma_semaphore, #tpu.memory_space<semaphore_mem>>
        %dma_start3A = arith.constant 0 : i32
        %dma_start3A_17 = tpu.memref_slice %arg4[%add3A_11, %dma_start3A] : memref<819200x49xf32, #tpu.memory_space<hbm>> -> memref<256x49xf32, #tpu.memory_space<hbm>>
        %dma_start3A_18 = arith.constant 0 : i32
        %dma_start3A_19 = tpu.memref_slice %arg4[%add3A_11, %dma_start3A_18] : memref<819200x49xf32, #tpu.memory_space<hbm>> -> memref<256x49xf32, #tpu.memory_space<hbm>>
        tpu.enqueue_dma source(%arg7 : memref<256x49xf32, #tpu.memory_space<vmem>>) target(%dma_start3A_19 : memref<256x49xf32, #tpu.memory_space<hbm>>) target_semaphore(%run_scoped3A : memref<!tpu.dma_semaphore, #tpu.memory_space<semaphore_mem>>)
        %dma_wait3A = arith.constant 0 : i32
        %dma_wait3A_20 = tpu.memref_slice %arg4[%add3A_11, %dma_wait3A] : memref<819200x49xf32, #tpu.memory_space<hbm>> -> memref<256x49xf32, #tpu.memory_space<hbm>>
        %dma_wait3A_21 = arith.constant 0 : i32
        %dma_wait3A_22 = tpu.memref_slice %arg4[%add3A_11, %dma_wait3A_21] : memref<819200x49xf32, #tpu.memory_space<hbm>> -> memref<256x49xf32, #tpu.memory_space<hbm>>
        tpu.wait_dma2 semaphore(%run_scoped3A : memref<!tpu.dma_semaphore, #tpu.memory_space<semaphore_mem>>) src(%arg7 : memref<256x49xf32, #tpu.memory_space<vmem>>) dst(%dma_wait3A_22 : memref<256x49xf32, #tpu.memory_space<hbm>>)
        tpu.yield
      }) : () -> ()
    }
    %scan3A_7 = arith.constant 100 : i32
    return
  }
}

</mosaic_0001>

<sc_bundles>
// kernel: kernel.3.cloned.1.call-start
scs
__scs_entry_jumppad:
0x0: {  	(pc) =	sbr.rel $0x88, $3  }
0x1: {  	(tag) =	ssettag $0x0;
	lr =	simm.s32 $0x1  }
0x2: {  	[smem:$0x3F9C] =	sst lr;
	_ =	strace $0xD0000000  }
0x3: {  	_ = 	snop  }
0x4: {  	_ = 	snop  }
0x5: {  	_ = 	snop  }
0x6: {  	_ = 	snop  }
0x7: {  	_ = 	snop  }
__scs_overlays_trampoline_lowered:
0x8: {  	[smem:$0x3FAB] =	sst s0  }
0x9: {  	[smem:$0x3FAC] =	sst s1  }
0xa: {  	[smem:$0x3FAD] =	sst s2  }
0xb: {  	[smem:$0x3FAE] =	sst s3  }
0xc: {  	[smem:$0x3FAF] =	sst s4  }
0xd: {  	[smem:$0x3FB0] =	sst s5  }
0xe: {  	[smem:$0x3FB1] =	sst s6  }
0xf: {  	[smem:$0x3FB2] =	sst s7  }
0x10: {  	[smem:$0x3FB3] =	sst s8  }
0x11: {  	[smem:$0x3FB4] =	sst s9;
	s0 =	simm.s32 @!p0 $0x0  }
0x12: {  	s1 =	sld [smem:$0x3F9A];
	s0 =	simm.s32 @p0 $0x1  }
0x13: {  	[smem:$0x3FB5] =	sst s0;
	s0 =	simm.s32 @!p1 $0x0  }
0x14: {  	s2 =	sld [smem:$0x3F99];
	s0 =	simm.s32 @p1 $0x1  }
0x15: {  	[smem:$0x3FB6] =	sst s0;
	s0 =	simm.s32 @!p2 $0x0  }
0x16: {  	s3 =	sld [smem:$0x3FDB];
	s0 =	simm.s32 @p2 $0x1  }
0x17: {  	s4 =	simm.s32 $0x1BF5;
	[smem:$0x3FB8] =	sst s0  }
0x18: {  	s0 =	sld [smem:$0x3F9B];
	_ =	swait.ge [sflag:s4], $0x0  }
0x19: {  	s7 =	sld [smem:$0x3F9C]  }
0x1a: {  	s8 =	sadd.s32 $0xFFFFE003, lr  }
0x1b: {  	s9 =	sadd.s32 $0xFFFFFEF7, lr;
	s5 =	simm.s32 $0xFFFFFFFF;
	p2 =	slt.u32 s8, $0xFFFFF086  }
0x1c: {  	p1 =	slt.u32 s9, $0xF7A;
	s5 =	simm.s32 @!p2 $0x0  }
0x1d: {  	s5 =	simm.s32 @p1 $0x1;
	p0 =	seq.s32 s7, s2  }
0x1e: {  	s7 =	smul.u32 @!p0 $0xF7A, s2;
	p2 =	seq.s32 @!p0 s5, $0x0  }
0x1f: {  	s9 =	smul.u32 $0xF7A, s1;
	s8 =	simm.s32 @!p0 $0x1BF5;
	p2 =	por !p2, p0  }
0x20: {  	[sflag:s8] =	ssyncset.s32 @!p0 $0xFFFFF086;
	s6 =	sadd.s32 @!p0 s3, s7;
	s7 =	simm.s32 @!p0 $0x108  }
0x21: {  	s3 =	sadd.s32 s3, s9;
	s6 =	sadd.s32 @!p0 $0x88, s6;
	s7 =	simm.s32 @p2 $0x1082  }
0x22: {  	[simem:s7], [sflag:s8] =	dma.local @!p0 [hbm:s6], $0xF7A  }
0x23: {  	s9 =	sor.u32 $0xD0000000, s2;
	s6 =	simm.s32 $0x108;
	_ =	swait.ge @!p0 [sflag:s8], $0x0  }
0x24: {  	s3 =	sadd.s32 $0x88, s3;
	s6 =	simm.s32 @!p1 $0x1082;
	[sflag:s4] =	ssyncset.s32 $0xFFFFF086  }
0x25: {  	[simem:s6], [sflag:s4] =	dma.local [hbm:s3], $0xF7A  }
0x26: {  	[smem:$0x3F9C] =	sst s1;
	(tag) =	ssettag s2;
	_ =	strace s9  }
0x27: {  	s1 =	sld [smem:$0x3FAC]  }
0x28: {  	s2 =	sld [smem:$0x3FAD]  }
0x29: {  	s4 =	sld [smem:$0x3FAF]  }
0x2a: {  	p0 =	seq.s32 s5, $0x0;
	s5 =	sld [smem:$0x3FB0]  }
0x2b: {  	s6 =	sld [smem:$0x3FB1]  }
0x2c: {  	s7 =	sld [smem:$0x3FB2]  }
0x2d: {  	s3 =	simm.s32 $0x108;
	s8 =	sld [smem:$0x3FB3]  }
0x2e: {  	s3 =	simm.s32 @!p0 $0x1082;
	s9 =	sld [smem:$0x3FB4]  }
0x2f: {  	lr =	sadd.s32 s0, s3;
	s0 =	sld [smem:$0x3FAB]  }
0x30: {  	s3 =	sld [smem:$0x3FAE]  }
0x31: {  	[smem:$0x3FB7] =	sst s10  }
0x32: {  	s10 =	sld [smem:$0x3FB5];
	_ =	sdelay $0x3  }
0x33: {  	p0 =	seq.s32 s10, $0x1;
	s10 =	sld [smem:$0x3FB7];
	_ =	sdelay $0x3  }
0x34: {  	[smem:$0x3FB7] =	sst s10  }
0x35: {  	s10 =	sld [smem:$0x3FB6];
	_ =	sdelay $0x3  }
0x36: {  	p1 =	seq.s32 s10, $0x1;
	s10 =	sld [smem:$0x3FB7];
	_ =	sdelay $0x3  }
0x37: {  	[smem:$0x3FB7] =	sst s10  }
0x38: {  	s10 =	sld [smem:$0x3FB8]  }
0x39: {  	_ = 	snop;
	(pc) =	sbr.ind lr, $3  }
0x3a: {  	_ = 	snop  }
0x3b: {  	_ = 	snop  }
0x3c: {  	p2 =	seq.s32 s10, $0x1;
	s10 =	sld [smem:$0x3FB7]  }
0x3d: {  	_ =	shalt  }
0x3e: {  	_ =	shalt  }
0x3f: {  	_ =	shalt  }
0x40: {  	_ =	shalt  }
0x41: {  	_ =	shalt  }
0x42: {  	_ =	shalt  }
0x43: {  	_ =	shalt  }
0x44: {  	_ =	shalt  }
0x45: {  	_ =	shalt  }
0x46: {  	_ =	shalt  }
0x47: {  	_ =	shalt  }
0x48: {  	_ =	shalt  }
0x49: {  	_ =	shalt  }
0x4a: {  	_ =	shalt  }
0x4b: {  	_ =	shalt  }
0x4c: {  	_ =	shalt  }
0x4d: {  	_ =	shalt  }
0x4e: {  	_ =	shalt  }
0x4f: {  	_ =	shalt  }
0x50: {  	_ =	shalt  }
0x51: {  	_ =	shalt  }
0x52: {  	_ =	shalt  }
0x53: {  	_ =	shalt  }
0x54: {  	_ =	shalt  }
0x55: {  	_ =	shalt  }
0x56: {  	_ =	shalt  }
0x57: {  	_ =	shalt  }
0x58: {  	_ =	shalt  }
0x59: {  	_ =	shalt  }
0x5a: {  	_ =	shalt  }
0x5b: {  	_ =	shalt  }
0x5c: {  	_ =	shalt  }
0x5d: {  	_ =	shalt  }
0x5e: {  	_ =	shalt  }
0x5f: {  	_ =	shalt  }
0x60: {  	_ =	shalt  }
0x61: {  	_ =	shalt  }
0x62: {  	_ =	shalt  }
0x63: {  	_ =	shalt  }
0x64: {  	_ =	shalt  }
0x65: {  	_ =	shalt  }
0x66: {  	_ =	shalt  }
0x67: {  	_ =	shalt  }
0x68: {  	_ =	shalt  }
0x69: {  	_ =	shalt  }
0x6a: {  	_ =	shalt  }
0x6b: {  	_ =	shalt  }
0x6c: {  	_ =	shalt  }
0x6d: {  	_ =	shalt  }
0x6e: {  	_ =	shalt  }
0x6f: {  	_ =	shalt  }
0x70: {  	_ =	shalt  }
0x71: {  	_ =	shalt  }
0x72: {  	_ =	shalt  }
0x73: {  	_ =	shalt  }
0x74: {  	_ =	shalt  }
0x75: {  	_ =	shalt  }
0x76: {  	_ =	shalt  }
0x77: {  	_ =	shalt  }
0x78: {  	_ =	shalt  }
0x79: {  	_ =	shalt  }
0x7a: {  	_ =	shalt  }
0x7b: {  	_ =	shalt  }
0x7c: {  	_ =	shalt  }
0x7d: {  	_ =	shalt  }
0x7e: {  	_ =	shalt  }
0x7f: {  	_ =	shalt  }
0x80: {  	_ =	shalt  }
0x81: {  	_ =	shalt  }
0x82: {  	_ =	shalt  }
0x83: {  	_ =	shalt  }
0x84: {  	_ =	shalt  }
0x85: {  	_ =	shalt  }
0x86: {  	_ =	shalt  }
0x87: {  	_ =	shalt  }
.Lfunc_end0:
.L_simem_size_0:
called_computation.1_lowered:
.L_overlay_start_0:
0x88: {  	s2 =	sld [smem:$0x3FD9]  }
0x89: {  	s3 =	sld [smem:$0x3FFE];
	_ =	sdelay $0x1  }
0x8a: {  	s1 =	srdreg.scid  }
0x8b: {  	s0 =	sand.u32 $0x1, s1  }
0x8c: {  	s17 =	sshll.u32 s0, $0xA;
	s2 =	sadd.s32 s3, s2  }
0x8d: {  	s2 =	sadd.s32 s2, s17  }
0x8e: {  	[smem:$0x3FC3] =	sst s2  }
0x8f: {  	_ = 	snop  }
0x90: {  	s2 =	sld [smem:$0x3FD0];
	(tm) =	ssettm $0x1  }
0x91: {  	s18 =	sld [smem:$0x3FFB];
	_ =	sdelay $0x3  }
0x92: {  	_ =	strace s18  }
0x93: {  	s3 =	sld [smem:$0x3FFC];
	_ =	sdelay $0x3  }
0x94: {  	_ =	strace s3  }
0x95: {  	s3 =	sld [smem:$0x3FFD];
	_ =	sdelay $0x3  }
0x96: {  	_ =	strace s3  }
0x97: {  	_ =	strace $0x8FFFFFFF  }
0x98: {  	s19 =	sld [smem:$0x3FDB];
	_ =	sdelay $0x1  }
0x99: {  	s4 =	simm.s32 $_scs_section_size  }
0x9a: {  	s5 =	simm.s32 $_size__tile_overlayer_lowered;
	s6 =	simm.s32 $_tile_overlayer_lowered  }
0x9b: {  	s22 =	simm.s32 $0x1BFF;
	s21 =	sshll.u32 s6, $0x1;
	s3 =	sadd.s32 s4, s19  }
0x9c: {  	s7 =	simm.s32 $0x0;
	s20 =	sshll.u32 s5, $0x1;
	s5 =	sadd.s32 s21, s3  }
0x9d: {  	[timem:s7], [sflag:s22] =	dma.local [hbm:s5], s20  }
0x9e: {  	_ =	swait.ge [sflag:s22], s20  }
0x9f: {  	s4 =	ssub.s32 $0x0, s20;
	[sflag:s22] =	ssyncset.done $0x0  }
0xa0: {  	[sflag:s22] =	ssyncadd.s32 s4;
	_ =	sdelay $0x1  }
0xa1: {  	s23 =	simm.s32 $0x1B8B  }
0xa2: {  	_ =	swait.ge [sflag:s23], $0x1  }
0xa3: {  	[sflag:s23] =	ssyncset.done $0x0  }
0xa4: {  	s25 =	simm.s32 $0x1B8E;
	s24 =	sld [smem:$0x3FFE];
	[sflag:s23] =	ssyncadd.s32 $0xFFFFFFFF  }
0xa5: {  	s26 =	simm.s32 $execute0_lowered;
	[smem:$0x3FD2] =	sst s25  }
0xa6: {  	s5 =	sshll.u32 s26, $0x1;
	_ =	strace $0x80000046;
	[dreg:$0x1] =	wrdreg $0xFFFFFFFF  }
0xa7: {  	s28 =	simm.s32 $_size_execute0_lowered;
	s3 =	sadd.s32 s3, s5;
	[dreg:$0x0] =	wrdreg $0x0  }
0xa8: {  	s5 =	sshll.u32 s28, $0x1;
	[dreg:$0x2] =	wrdreg s3  }
0xa9: {  	[dreg:$0x3] =	wrdreg s5  }
0xaa: {  	[dreg:$0x4] =	wrdreg $0xC0  }
0xab: {  	_ =	task [dreg:s7], $0x5FFFF  }
0xac: {  	[dreg:$0x1] =	wrdreg $0xFFFFFFFF  }
0xad: {  	[dreg:$0x0] =	wrdreg $0x60  }
0xae: {  	[dreg:$0x2] =	wrdreg s24  }
0xaf: {  	[dreg:$0x3] =	wrdreg s2  }
0xb0: {  	[dreg:$0x4] =	wrdreg $0x9  }
0xb1: {  	_ =	task.clear_ibuf [dreg:s7], $0x5FFFF;
	_ =	strace $0x90000046  }
0xb2: {  	s29 =	simm.s32 $0x9;
	_ =	strace $0x80000048  }
0xb3: {  	_ =	swait.ge [sflag:s29], $0x1  }
0xb4: {  	[sflag:s29] =	ssyncadd.s32 $0xFFFFFFFF  }
0xb5: {  	_ =	strace $0x90000048  }
0xb6: {  	_ =	sfence  }
0xb7: {  	s30 =	sld [smem:$0x0];
	_ =	sdelay $0x2  }
0xb8: {  	s31 =	sshll.u32 s1, $0xD;
	s1 =	sshrl.u32 s1, $0x2  }
0xb9: {  	s3 =	sand.u32 $0x4000, s31;
	s1 =	sadd.s32 s1, s30  }
0xba: {  	s0 =	sor.u32 s3, s0;
	s1 =	sshll.u32 s1, $0x11  }
0xbb: {  	s0 =	sor.u32 s1, s0  }
0xbc: {  	s0 =	sadd.s32 $0x8F2B, s0  }
0xbd: {  	[sflag:s0] =	ssyncadd.remote.s32 $0x1  }
0xbe: {  	_ =	sfence.sel $0xFFFF  }
0xbf: {  	[dreg:$0x0] =	wrdreg $0xFFFFFFFF;
	(pc) =	sbr.abs _section_cstart, $3  }
0xc0: {  	[dreg:$0x1] =	wrdreg $0xFFFFFFFF  }
0xc1: {  	_ =	task.clear_ibuf [dreg:s7], $0x2FFFF;
	_ =	strace $0x9FFFFFFF  }
0xc2: {  	(tm) =	ssettm $0x7FFFFFFF  }
0xc3: {  	_ =	shalt  }
tec
execute0_lowered:
.L_overlay_start_1:
0x0: {  	(tag) =	ssettag $0x1  }
0x1: {  	s0 =	rddreg [dreg:$0x0]  }
0x2: {  	s1 =	rddreg [dreg:$0x1];
	s2 =	simm.s32 $0x0  }
0x3: {  	s3 =	srdreg.scid;
	s30 =	stileid.u32;
	s10 =	simm.s32 $0x8300  }
0x4: {  	s11 =	simm.s32 $0x0;
	[smem:$0x7FF] =	sst s2;
	s6 =	sand.u32 $0x1, s3  }
0x5: {  	v0 =	vlaneseq.u32;
	s4 =	sadd.s32 $0xA00, s0;
	s9 =	sshll.u32 s30, $0x1;
	s7 =	ssub.s32 $0x2, s6  }
0x6: {  	s5 =	sadd.s32 $0xC80A00, s0;
	v52 =	vmul.u32 $0x80, v0;
	_ =	strace $0x80000047;
	s8 =	sshrl.u32 s7, $0x1  }
0x7: {  	s6 =	sor.u32 s6, s9;
	s9 =	simm.s32 $0x300;
	s31 =	ssub.s32 s7, s8  }
0x8: {  	s6 =	smul.u32 $0x320000, s6;
	[tilespmem:$0x1FFF0] =	vst v52;
	s8 =	simm.s32 $0x1;
	s7 =	smax.u32 s31, $0x1  }
.LBB2_1:
0x9: {  	[tilespmem:s2], [sflag:$0x1] =	stream.linear.gather [hbm4b:s1+s2], $0x300, $0x38;
	[tilespmem:$0x10700] =	vst v63  }
0xa: {  	_ =	swait.ge [sflag:s8], $0x300  }
0xb: {  	[sflag:s8] =	ssyncset.done $0x0  }
0xc: {  	s12 =	simm.s32 $0x0;
	[sflag:s8] =	ssyncadd.s32 $0xFFFFFD00  }
.LBB2_2:
0xd: {  	s0 =	sshll.u32 s12, $0xF  }
0xe: {  	s0 =	sadd.s32 s6, s0  }
0xf: {  	s13 =	sshrl.u32 s0, $0x3  }
0x10: {  	s14 =	simm.s32 $0x0;
	s0 =	sadd.s32 s4, s13  }
0x11: {  	[tilespmem:s9], [sflag:$0x1] =	stream.linear.gather [hbm4b:s0+s14], $0x8000, $0x38;
	[tilespmem:$0x10700] =	vst v63  }
0x12: {  	_ =	swait.ge [sflag:s8], $0x8000  }
0x13: {  	[sflag:s8] =	ssyncset.done $0x0  }
0x14: {  	p0 =	por $0x1, $0x1;
	s0 =	simm.s32 $0x0;
	[sflag:s8] =	ssyncadd.s32 $0xFFFF8000  }
.LBB2_3:
0x15: {  	s16 =	sshll.u32 s0, $0x4  }
0x16: {  	v0 =	vmov s16;
	s15 =	sor.u32 $0x10, s16  }
0x17: {  	v0 =	vshll.u32 v0, $0x7;
	v46 =	vmov s15  }
0x18: {  	v1 =	vor.u32 v52, v0;
	v0 =	vshll.u32 v46, $0x7  }
0x19: {  	v0 =	vor.u32 v52, v0  }
0x1a: {  	v3 =	vor.u32 $0x10, v0  }
0x1b: {  	s23 =	sor.u32 $0x20, s16  }
0x1c: {  	v4 =	vmov s23;
	v2 =	vor.u32 $0x10, v1  }
0x1d: {  	v4 =	vshll.u32 v4, $0x7  }
0x1e: {  	v47 =	vor.u32 v52, v4  }
0x1f: {  	s31 =	sor.u32 $0x70, s16;
	v4 =	vor.u32 $0x10, v47;
	v6 =	vld.idx.msk [tilespmem:v3+s9+$0x0], $0xffff  }
0x20: {  	s24 =	sor.u32 $0x30, s16;
	s25 =	sor.u32 $0x40, s16;
	v13 =	vmov s31  }
0x21: {  	s29 =	sor.u32 $0x50, s16;
	s30 =	sor.u32 $0x60, s16;
	v49 =	vmov s24;
	v53 =	vmov s25;
	v13 =	vshll.u32 v13, $0x7;
	v5 =	vld.idx.msk [tilespmem:v2+s9+$0x0], $0xffff  }
0x22: {  	v55 =	vmov s29;
	v57 =	vmov s30;
	v58 =	vor.u32 v52, v13  }
0x23: {  	v50 =	vshll.u32 v49, $0x7;
	v56 =	vshll.u32 v55, $0x7;
	v13 =	vor.u32 $0x10, v58  }
0x24: {  	v9 =	vld.idx.msk [tilespmem:v4+s9+$0x0], $0xffff;
	v3 =	vor.u32 v52, v50;
	v4 =	vshll.u32 v53, $0x7;
	v6 =	vtrunc.f32 v6  }
0x25: {  	s26 =	sshll.u32 s0, $0x6;
	v10 =	vor.u32 $0x10, v3;
	v4 =	vor.u32 v52, v4;
	v6 =	vcvt.f32.s32 v6  }
0x26: {  	s28 =	sand.u32 $0x3FFFFFC0, s26;
	v54 =	vor.u32 $0x10, v4;
	v48 =	vtrunc.f32 v5;
	v5 =	vor.u32 v52, v56  }
0x27: {  	v14 =	vor.u32 $0x10, v5;
	[tilespmem:s28+$0x10310] =	vst v6;
	v6 =	vshll.u32 v57, $0x7  }
0x28: {  	v8 =	vor.u32 $0x11, v1;
	v6 =	vor.u32 v52, v6  }
0x29: {  	v13 =	vld.idx.msk [tilespmem:v13+s9+$0x0], $0xffff;
	v16 =	vor.u32 $0x10, v6  }
0x2a: {  	v51 =	vor.u32 $0x11, v0;
	v7 =	vcvt.f32.s32 v48;
	v10 =	vld.idx.msk [tilespmem:v10+s9+$0x0], $0xffff  }
0x2b: {  	v12 =	vor.u32 $0x11, v47;
	v15 =	vld.idx.msk [tilespmem:v54+s9+$0x0], $0xffff  }
0x2c: {  	v18 =	vor.u32 $0x12, v1;
	v1 =	vor.u32 $0x13, v1;
	v9 =	vtrunc.f32 v9;
	[tilespmem:s28+$0x10300] =	vst v7;
	v14 =	vld.idx.msk [tilespmem:v14+s9+$0x0], $0xffff  }
0x2d: {  	v61 =	vor.u32 $0x12, v0;
	v19 =	vor.u32 $0x11, v58;
	v9 =	vcvt.f32.s32 v9;
	v8 =	vld.idx.msk [tilespmem:v8+s9+$0x0], $0xffff  }
0x2e: {  	v24 =	vor.u32 $0x12, v47;
	v59 =	vor.u32 $0x11, v3;
	v13 =	vtrunc.f32 v13;
	v16 =	vld.idx.msk [tilespmem:v16+s9+$0x0], $0xffff  }
0x2f: {  	v17 =	vor.u32 $0x11, v4;
	v13 =	vcvt.f32.s32 v13;
	[tilespmem:s28+$0x10320] =	vst v9;
	v11 =	vld.idx.msk [tilespmem:v51+s9+$0x0], $0xffff;
	v10 =	vtrunc.f32 v10  }
0x30: {  	v62 =	vor.u32 $0x11, v5;
	v12 =	vld.idx.msk [tilespmem:v12+s9+$0x0], $0xffff;
	v10 =	vcvt.f32.s32 v10;
	v15 =	vtrunc.f32 v15  }
0x31: {  	v37 =	vor.u32 $0x12, v58;
	v60 =	vcvt.f32.s32 v15;
	v14 =	vtrunc.f32 v14  }
0x32: {  	v22 =	vor.u32 $0x11, v6;
	v8 =	vtrunc.f32 v8;
	[tilespmem:s28+$0x10330] =	vst v10;
	v14 =	vcvt.f32.s32 v14  }
0x33: {  	v0 =	vor.u32 $0x13, v0;
	v8 =	vcvt.f32.s32 v8;
	v9 =	vld.idx.msk [tilespmem:v59+s9+$0x0], $0xffff;
	[tilespmem:s28+$0x10340] =	vst v60;
	v16 =	vtrunc.f32 v16  }
0x34: {  	v2 =	vor.u32 $0x13, v47;
	v11 =	vtrunc.f32 v11;
	v21 =	vld.idx.msk [tilespmem:v17+s9+$0x0], $0xffff;
	[tilespmem:s28+$0x10350] =	vst v14;
	v23 =	vcvt.f32.s32 v16  }
0x35: {  	[tilespmem:s28+$0x10370] =	vst v13;
	v12 =	vtrunc.f32 v12;
	v11 =	vcvt.f32.s32 v11;
	v8 =	vmul.u32 $0x6, v8;
	v10 =	vld.idx.msk [tilespmem:v62+s9+$0x0], $0xffff  }
0x36: {  	v25 =	vor.u32 $0x12, v3;
	v3 =	vor.u32 $0x13, v3;
	v28 =	vld.idx.msk [tilespmem:v19+s9+$0x0], $0xffff;
	v63 =	vcvt.f32.s32 v12;
	[tilespmem:s28+$0x10360] =	vst v23  }
0x37: {  	v31 =	vor.u32 $0x12, v4;
	v11 =	vmul.u32 $0x6, v11;
	v8 =	vadd.s32 $0x2, v8;
	v26 =	vld.idx.msk [tilespmem:v22+s9+$0x0], $0xffff  }
0x38: {  	v35 =	vor.u32 $0x12, v5;
	[tilespmem:s28+$0x10380] =	vst v8;
	v8 =	vmul.u32 $0x6, v63;
	v9 =	vtrunc.f32 v9  }
0x39: {  	v11 =	vadd.s32 $0x2, v11;
	v9 =	vcvt.f32.s32 v9;
	v12 =	vtrunc.f32 v21  }
0x3a: {  	v18 =	vld.idx.msk [tilespmem:v18+s9+$0x0], $0xffff;
	[tilespmem:s28+$0x10390] =	vst v11;
	v8 =	vadd.s32 $0x2, v8;
	v12 =	vcvt.f32.s32 v12;
	v32 =	vtrunc.f32 v10  }
0x3b: {  	v17 =	vtrunc.f32 v28;
	v15 =	vld.idx.msk [tilespmem:v61+s9+$0x0], $0xffff;
	[tilespmem:s28+$0x103A0] =	vst v8;
	v9 =	vmul.u32 $0x6, v9;
	v8 =	vcvt.f32.s32 v32  }
0x3c: {  	v17 =	vcvt.f32.s32 v17;
	v14 =	vld.idx.msk [tilespmem:v24+s9+$0x0], $0xffff;
	v30 =	vmul.u32 $0x6, v12;
	v34 =	vtrunc.f32 v26  }
0x3d: {  	v29 =	vadd.s32 $0x2, v9;
	v8 =	vmul.u32 $0x6, v8;
	v11 =	vcvt.f32.s32 v34  }
0x3e: {  	v36 =	vor.u32 $0x12, v6;
	v17 =	vmul.u32 $0x6, v17;
	[tilespmem:s28+$0x103B0] =	vst v29;
	v9 =	vadd.s32 $0x2, v30  }
0x3f: {  	v27 =	vtrunc.f32 v18;
	v33 =	vld.idx.msk [tilespmem:v25+s9+$0x0], $0xffff;
	[tilespmem:s28+$0x103C0] =	vst v9;
	v8 =	vadd.s32 $0x2, v8;
	v11 =	vmul.u32 $0x6, v11  }
0x40: {  	v40 =	vadd.s32 $0x2, v17;
	v13 =	vcvt.f32.s32 v27;
	v15 =	vtrunc.f32 v15;
	v12 =	vld.idx.msk [tilespmem:v31+s9+$0x0], $0xffff;
	[tilespmem:s28+$0x103D0] =	vst v8  }
0x41: {  	[tilespmem:s28+$0x103F0] =	vst v40;
	v15 =	vcvt.f32.s32 v15;
	v14 =	vtrunc.f32 v14;
	v39 =	vld.idx.msk [tilespmem:v35+s9+$0x0], $0xffff;
	v11 =	vadd.s32 $0x2, v11  }
0x42: {  	v4 =	vor.u32 $0x13, v4;
	v42 =	vld.idx.msk [tilespmem:v37+s9+$0x0], $0xffff;
	v13 =	vmul.u32 $0xC, v13;
	v38 =	vcvt.f32.s32 v14;
	[tilespmem:s28+$0x103E0] =	vst v11  }
0x43: {  	v5 =	vor.u32 $0x13, v5;
	v7 =	vor.u32 $0x13, v58;
	v41 =	vmul.u32 $0xC, v15;
	v9 =	vld.idx.msk [tilespmem:v36+s9+$0x0], $0xffff  }
0x44: {  	v13 =	vadd.s32 $0x50, v13;
	v8 =	vmul.u32 $0xC, v38;
	v10 =	vtrunc.f32 v33  }
0x45: {  	[tilespmem:s28+$0x10400] =	vst v13;
	v43 =	vadd.s32 $0x50, v41;
	v10 =	vcvt.f32.s32 v10;
	v12 =	vtrunc.f32 v12  }
0x46: {  	[tilespmem:s28+$0x10410] =	vst v43;
	v1 =	vld.idx.msk [tilespmem:v1+s9+$0x0], $0xffff;
	v8 =	vadd.s32 $0x50, v8;
	v12 =	vcvt.f32.s32 v12;
	v11 =	vtrunc.f32 v39  }
0x47: {  	v45 =	vtrunc.f32 v42;
	v0 =	vld.idx.msk [tilespmem:v0+s9+$0x0], $0xffff;
	[tilespmem:s28+$0x10420] =	vst v8;
	v10 =	vmul.u32 $0xC, v10;
	v44 =	vcvt.f32.s32 v11  }
0x48: {  	v2 =	vld.idx.msk [tilespmem:v2+s9+$0x0], $0xffff;
	v12 =	vmul.u32 $0xC, v12;
	v11 =	vcvt.f32.s32 v45;
	v9 =	vtrunc.f32 v9  }
0x49: {  	v10 =	vadd.s32 $0x50, v10;
	v8 =	vmul.u32 $0xC, v44;
	v9 =	vcvt.f32.s32 v9  }
0x4a: {  	v6 =	vor.u32 $0x13, v6;
	[tilespmem:s28+$0x10430] =	vst v10;
	v46 =	vadd.s32 $0x50, v12;
	v47 =	vmul.u32 $0xC, v11  }
0x4b: {  	v1 =	vtrunc.f32 v1;
	[tilespmem:s28+$0x10440] =	vst v46;
	v3 =	vld.idx.msk [tilespmem:v3+s9+$0x0], $0xffff;
	v8 =	vadd.s32 $0x50, v8;
	v9 =	vmul.u32 $0xC, v9  }
0x4c: {  	v1 =	vcvt.f32.s32 v1;
	v0 =	vtrunc.f32 v0;
	v4 =	vld.idx.msk [tilespmem:v4+s9+$0x0], $0xffff;
	v49 =	vadd.s32 $0x50, v47;
	[tilespmem:s28+$0x10450] =	vst v8  }
0x4d: {  	v0 =	vcvt.f32.s32 v0;
	v2 =	vtrunc.f32 v2;
	[tilespmem:s28+$0x10470] =	vst v49;
	v5 =	vld.idx.msk [tilespmem:v5+s9+$0x0], $0xffff;
	v48 =	vadd.s32 $0x50, v9  }
0x4e: {  	v1 =	vmul.u32 $0xA, v1;
	v2 =	vcvt.f32.s32 v2;
	v7 =	vld.idx.msk [tilespmem:v7+s9+$0x0], $0xffff;
	[tilespmem:s28+$0x10460] =	vst v48  }
0x4f: {  	v0 =	vmul.u32 $0xA, v0;
	v6 =	vld.idx.msk [tilespmem:v6+s9+$0x0], $0xffff  }
0x50: {  	v1 =	vadd.s32 $0x1C4, v1;
	v2 =	vmul.u32 $0xA, v2;
	v3 =	vtrunc.f32 v3  }
0x51: {  	v0 =	vadd.s32 $0x1C4, v0;
	v3 =	vcvt.f32.s32 v3;
	v4 =	vtrunc.f32 v4  }
0x52: {  	v2 =	vadd.s32 $0x1C4, v2;
	v4 =	vcvt.f32.s32 v4;
	v5 =	vtrunc.f32 v5  }
0x53: {  	[tilespmem:s28+$0x10480] =	vst v1;
	v50 =	vmul.u32 $0xA, v3;
	v56 =	vtrunc.f32 v7;
	v51 =	vcvt.f32.s32 v5  }
0x54: {  	[tilespmem:s28+$0x10490] =	vst v0;
	v54 =	vmul.u32 $0xA, v4;
	v58 =	vcvt.f32.s32 v56;
	v53 =	vtrunc.f32 v6  }
0x55: {  	p1 =	por p0, p0;
	[tilespmem:s28+$0x104A0] =	vst v2;
	v1 =	vadd.s32 $0x1C4, v50;
	v57 =	vmul.u32 $0xA, v51;
	v55 =	vcvt.f32.s32 v53  }
.Ltmp0:
0x56: {  	[tilespmem:s28+$0x104B0] =	vst v1;
	v0 =	vadd.s32 $0x1C4, v54;
	v61 =	vmul.u32 $0xA, v58;
	(pc) =	sbr.rel @p1 .LBB2_3-.Ltmp0, $4  }
0x57: {  	[tilespmem:s28+$0x104C0] =	vst v0;
	v60 =	vadd.s32 $0x1C4, v57;
	v59 =	vmul.u32 $0xA, v55  }
0x58: {  	v63 =	vadd.s32 $0x1C4, v61;
	[tilespmem:s28+$0x104D0] =	vst v60  }
0x59: {  	[tilespmem:s28+$0x104F0] =	vst v63;
	v62 =	vadd.s32 $0x1C4, v59  }
0x5a: {  	s0 =	simm.s32 $0x8;
	p0 =	por $0x0, $0x0;
	[tilespmem:s28+$0x104E0] =	vst v62  }
0x5b: {  	s21 =	simm.s32 $0x30  }
0x5c: {  	v0 =	vmov s21  }
0x5d: {  	s20 =	simm.s32 $0x10;
	v0 =	vshll.u32 v0, $0x7  }
0x5e: {  	v1 =	vmov s20;
	v2 =	vor.u32 v52, v0  }
0x5f: {  	s19 =	simm.s32 $0x20;
	v1 =	vshll.u32 v1, $0x7  }
0x60: {  	v0 =	vmov s19;
	v5 =	vor.u32 v52, v1  }
0x61: {  	v0 =	vshll.u32 v0, $0x7  }
0x62: {  	v3 =	vmov s14;
	v4 =	vor.u32 v52, v0  }
0x63: {  	v1 =	vshll.u32 v3, $0x7;
	v0 =	vld.idx.msk [tilespmem:v2+s9+$0x0], $0xffff  }
0x64: {  	v3 =	vor.u32 v52, v1;
	v1 =	vor.u32 $0x1, v2  }
0x65: {  	v6 =	vld.idx.msk [tilespmem:v5+s9+$0x0], $0xffff;
	_ =	sdelay $0x1  }
0x66: {  	v7 =	vor.u32 $0x1, v5;
	v8 =	vld.idx.msk [tilespmem:v4+s9+$0x0], $0xffff  }
0x67: {  	v9 =	vor.u32 $0x1, v4;
	[tilespmem:v2+s10+$0x0] =	vst.idx.msk $0xffff, v0  }
0x68: {  	v0 =	vld.idx.msk [tilespmem:v1+s9+$0x0], $0xffff  }
0x69: {  	v10 =	vld.idx.msk [tilespmem:v3+s9+$0x0], $0xffff;
	[tilespmem:v5+s10+$0x0] =	vst.idx.msk $0xffff, v6;
	v6 =	vor.u32 $0x2, v2  }
0x6a: {  	v11 =	vor.u32 $0x1, v3  }
0x6b: {  	v12 =	vld.idx.msk [tilespmem:v7+s9+$0x0], $0xffff;
	[tilespmem:v4+s10+$0x0] =	vst.idx.msk $0xffff, v8  }
0x6c: {  	v13 =	vor.u32 $0x2, v5;
	v8 =	vld.idx.msk [tilespmem:v9+s9+$0x0], $0xffff  }
0x6d: {  	[tilespmem:v1+s10+$0x0] =	vst.idx.msk $0xffff, v0;
	v0 =	vor.u32 $0x2, v4  }
0x6e: {  	[tilespmem:v3+s10+$0x0] =	vst.idx.msk $0xffff, v10;
	v1 =	vld.idx.msk [tilespmem:v6+s9+$0x0], $0xffff  }
0x6f: {  	v14 =	vor.u32 $0x3, v2;
	v10 =	vld.idx.msk [tilespmem:v11+s9+$0x0], $0xffff  }
0x70: {  	[tilespmem:v7+s10+$0x0] =	vst.idx.msk $0xffff, v12;
	v7 =	vor.u32 $0x2, v3  }
0x71: {  	v12 =	vld.idx.msk [tilespmem:v13+s9+$0x0], $0xffff;
	[tilespmem:v9+s10+$0x0] =	vst.idx.msk $0xffff, v8  }
0x72: {  	v8 =	vor.u32 $0x3, v5;
	v9 =	vld.idx.msk [tilespmem:v0+s9+$0x0], $0xffff  }
0x73: {  	[tilespmem:v6+s10+$0x0] =	vst.idx.msk $0xffff, v1;
	v1 =	vor.u32 $0x3, v4  }
0x74: {  	[tilespmem:v11+s10+$0x0] =	vst.idx.msk $0xffff, v10;
	v6 =	vld.idx.msk [tilespmem:v14+s9+$0x0], $0xffff  }
0x75: {  	v15 =	vor.u32 $0x4, v2;
	v10 =	vld.idx.msk [tilespmem:v7+s9+$0x0], $0xffff  }
0x76: {  	v11 =	vor.u32 $0x3, v3;
	[tilespmem:v13+s10+$0x0] =	vst.idx.msk $0xffff, v12  }
0x77: {  	v12 =	vld.idx.msk [tilespmem:v8+s9+$0x0], $0xffff;
	[tilespmem:v0+s10+$0x0] =	vst.idx.msk $0xffff, v9  }
0x78: {  	v0 =	vor.u32 $0x4, v5;
	v9 =	vld.idx.msk [tilespmem:v1+s9+$0x0], $0xffff  }
0x79: {  	[tilespmem:v14+s10+$0x0] =	vst.idx.msk $0xffff, v6;
	v6 =	vor.u32 $0x4, v4  }
0x7a: {  	[tilespmem:v7+s10+$0x0] =	vst.idx.msk $0xffff, v10;
	v13 =	vld.idx.msk [tilespmem:v15+s9+$0x0], $0xffff  }
0x7b: {  	v7 =	vld.idx.msk [tilespmem:v11+s9+$0x0], $0xffff;
	v14 =	vor.u32 $0x5, v2  }
0x7c: {  	[tilespmem:v8+s10+$0x0] =	vst.idx.msk $0xffff, v12;
	v8 =	vor.u32 $0x4, v3  }
0x7d: {  	v10 =	vld.idx.msk [tilespmem:v0+s9+$0x0], $0xffff;
	[tilespmem:v1+s10+$0x0] =	vst.idx.msk $0xffff, v9  }
0x7e: {  	v1 =	vor.u32 $0x5, v5;
	v9 =	vld.idx.msk [tilespmem:v6+s9+$0x0], $0xffff  }
0x7f: {  	v12 =	vor.u32 $0x5, v4;
	[tilespmem:v15+s10+$0x0] =	vst.idx.msk $0xffff, v13  }
0x80: {  	[tilespmem:v11+s10+$0x0] =	vst.idx.msk $0xffff, v7;
	v13 =	vld.idx.msk [tilespmem:v14+s9+$0x0], $0xffff  }
0x81: {  	v7 =	vld.idx.msk [tilespmem:v8+s9+$0x0], $0xffff;
	v15 =	vor.u32 $0x6, v2  }
0x82: {  	[tilespmem:v0+s10+$0x0] =	vst.idx.msk $0xffff, v10;
	v0 =	vor.u32 $0x5, v3  }
0x83: {  	v10 =	vld.idx.msk [tilespmem:v1+s9+$0x0], $0xffff;
	[tilespmem:v6+s10+$0x0] =	vst.idx.msk $0xffff, v9  }
0x84: {  	v6 =	vor.u32 $0x6, v5;
	v9 =	vld.idx.msk [tilespmem:v12+s9+$0x0], $0xffff  }
0x85: {  	v11 =	vor.u32 $0x6, v4;
	[tilespmem:v14+s10+$0x0] =	vst.idx.msk $0xffff, v13  }
0x86: {  	[tilespmem:v8+s10+$0x0] =	vst.idx.msk $0xffff, v7;
	v13 =	vld.idx.msk [tilespmem:v15+s9+$0x0], $0xffff  }
0x87: {  	v14 =	vor.u32 $0x7, v2;
	v7 =	vld.idx.msk [tilespmem:v0+s9+$0x0], $0xffff  }
0x88: {  	[tilespmem:v1+s10+$0x0] =	vst.idx.msk $0xffff, v10;
	v1 =	vor.u32 $0x6, v3  }
0x89: {  	v8 =	vld.idx.msk [tilespmem:v6+s9+$0x0], $0xffff;
	[tilespmem:v12+s10+$0x0] =	vst.idx.msk $0xffff, v9  }
0x8a: {  	v9 =	vor.u32 $0x7, v5;
	v10 =	vld.idx.msk [tilespmem:v11+s9+$0x0], $0xffff  }
0x8b: {  	v12 =	vor.u32 $0x7, v4;
	[tilespmem:v15+s10+$0x0] =	vst.idx.msk $0xffff, v13  }
0x8c: {  	[tilespmem:v0+s10+$0x0] =	vst.idx.msk $0xffff, v7;
	v13 =	vld.idx.msk [tilespmem:v14+s9+$0x0], $0xffff  }
0x8d: {  	v15 =	vor.u32 $0x8, v2;
	v0 =	vld.idx.msk [tilespmem:v1+s9+$0x0], $0xffff  }
0x8e: {  	[tilespmem:v6+s10+$0x0] =	vst.idx.msk $0xffff, v8;
	v6 =	vor.u32 $0x7, v3  }
0x8f: {  	v7 =	vld.idx.msk [tilespmem:v9+s9+$0x0], $0xffff;
	[tilespmem:v11+s10+$0x0] =	vst.idx.msk $0xffff, v10  }
0x90: {  	v8 =	vor.u32 $0x8, v5;
	v10 =	vld.idx.msk [tilespmem:v12+s9+$0x0], $0xffff  }
0x91: {  	v11 =	vor.u32 $0x8, v4;
	[tilespmem:v14+s10+$0x0] =	vst.idx.msk $0xffff, v13  }
0x92: {  	[tilespmem:v1+s10+$0x0] =	vst.idx.msk $0xffff, v0;
	v13 =	vld.idx.msk [tilespmem:v15+s9+$0x0], $0xffff  }
0x93: {  	v14 =	vor.u32 $0x9, v2;
	v0 =	vld.idx.msk [tilespmem:v6+s9+$0x0], $0xffff  }
0x94: {  	v1 =	vor.u32 $0x8, v3;
	[tilespmem:v9+s10+$0x0] =	vst.idx.msk $0xffff, v7  }
0x95: {  	v7 =	vld.idx.msk [tilespmem:v8+s9+$0x0], $0xffff;
	[tilespmem:v12+s10+$0x0] =	vst.idx.msk $0xffff, v10  }
0x96: {  	v9 =	vor.u32 $0x9, v5;
	v10 =	vld.idx.msk [tilespmem:v11+s9+$0x0], $0xffff  }
0x97: {  	v12 =	vor.u32 $0x9, v4;
	[tilespmem:v15+s10+$0x0] =	vst.idx.msk $0xffff, v13  }
0x98: {  	[tilespmem:v6+s10+$0x0] =	vst.idx.msk $0xffff, v0;
	v13 =	vld.idx.msk [tilespmem:v14+s9+$0x0], $0xffff  }
0x99: {  	v15 =	vor.u32 $0xA, v2;
	v0 =	vld.idx.msk [tilespmem:v1+s9+$0x0], $0xffff  }
0x9a: {  	v6 =	vor.u32 $0x9, v3;
	[tilespmem:v8+s10+$0x0] =	vst.idx.msk $0xffff, v7  }
0x9b: {  	v7 =	vld.idx.msk [tilespmem:v9+s9+$0x0], $0xffff;
	[tilespmem:v11+s10+$0x0] =	vst.idx.msk $0xffff, v10  }
0x9c: {  	v8 =	vor.u32 $0xA, v5;
	v10 =	vld.idx.msk [tilespmem:v12+s9+$0x0], $0xffff  }
0x9d: {  	v11 =	vor.u32 $0xA, v4;
	[tilespmem:v14+s10+$0x0] =	vst.idx.msk $0xffff, v13  }
0x9e: {  	[tilespmem:v1+s10+$0x0] =	vst.idx.msk $0xffff, v0;
	v13 =	vld.idx.msk [tilespmem:v15+s9+$0x0], $0xffff  }
0x9f: {  	v14 =	vor.u32 $0xB, v2;
	v0 =	vld.idx.msk [tilespmem:v6+s9+$0x0], $0xffff  }
0xa0: {  	v1 =	vor.u32 $0xA, v3;
	[tilespmem:v9+s10+$0x0] =	vst.idx.msk $0xffff, v7  }
0xa1: {  	v7 =	vld.idx.msk [tilespmem:v8+s9+$0x0], $0xffff;
	[tilespmem:v12+s10+$0x0] =	vst.idx.msk $0xffff, v10  }
0xa2: {  	v9 =	vor.u32 $0xB, v5;
	v10 =	vld.idx.msk [tilespmem:v11+s9+$0x0], $0xffff  }
0xa3: {  	v12 =	vor.u32 $0xB, v4;
	[tilespmem:v15+s10+$0x0] =	vst.idx.msk $0xffff, v13  }
0xa4: {  	[tilespmem:v6+s10+$0x0] =	vst.idx.msk $0xffff, v0;
	v13 =	vld.idx.msk [tilespmem:v14+s9+$0x0], $0xffff  }
0xa5: {  	v15 =	vor.u32 $0xC, v2;
	v0 =	vld.idx.msk [tilespmem:v1+s9+$0x0], $0xffff  }
0xa6: {  	v6 =	vor.u32 $0xB, v3;
	[tilespmem:v8+s10+$0x0] =	vst.idx.msk $0xffff, v7  }
0xa7: {  	v7 =	vld.idx.msk [tilespmem:v9+s9+$0x0], $0xffff;
	[tilespmem:v11+s10+$0x0] =	vst.idx.msk $0xffff, v10  }
0xa8: {  	v8 =	vor.u32 $0xC, v5;
	v10 =	vld.idx.msk [tilespmem:v12+s9+$0x0], $0xffff  }
0xa9: {  	v11 =	vor.u32 $0xC, v4;
	[tilespmem:v14+s10+$0x0] =	vst.idx.msk $0xffff, v13  }
0xaa: {  	[tilespmem:v1+s10+$0x0] =	vst.idx.msk $0xffff, v0;
	v13 =	vld.idx.msk [tilespmem:v15+s9+$0x0], $0xffff  }
0xab: {  	v14 =	vor.u32 $0xD, v2;
	v0 =	vld.idx.msk [tilespmem:v6+s9+$0x0], $0xffff  }
0xac: {  	v1 =	vor.u32 $0xC, v3;
	[tilespmem:v9+s10+$0x0] =	vst.idx.msk $0xffff, v7  }
0xad: {  	v7 =	vld.idx.msk [tilespmem:v8+s9+$0x0], $0xffff;
	[tilespmem:v12+s10+$0x0] =	vst.idx.msk $0xffff, v10  }
0xae: {  	v9 =	vor.u32 $0xD, v5;
	v10 =	vld.idx.msk [tilespmem:v11+s9+$0x0], $0xffff  }
0xaf: {  	v12 =	vor.u32 $0xD, v4;
	[tilespmem:v15+s10+$0x0] =	vst.idx.msk $0xffff, v13  }
0xb0: {  	[tilespmem:v6+s10+$0x0] =	vst.idx.msk $0xffff, v0;
	v13 =	vld.idx.msk [tilespmem:v14+s9+$0x0], $0xffff  }
0xb1: {  	v15 =	vor.u32 $0xE, v2;
	v0 =	vld.idx.msk [tilespmem:v1+s9+$0x0], $0xffff  }
0xb2: {  	v6 =	vor.u32 $0xD, v3;
	[tilespmem:v8+s10+$0x0] =	vst.idx.msk $0xffff, v7  }
0xb3: {  	v7 =	vld.idx.msk [tilespmem:v9+s9+$0x0], $0xffff;
	[tilespmem:v11+s10+$0x0] =	vst.idx.msk $0xffff, v10  }
0xb4: {  	v8 =	vor.u32 $0xE, v5;
	v10 =	vld.idx.msk [tilespmem:v12+s9+$0x0], $0xffff  }
0xb5: {  	v11 =	vor.u32 $0xE, v4;
	[tilespmem:v14+s10+$0x0] =	vst.idx.msk $0xffff, v13  }
0xb6: {  	[tilespmem:v1+s10+$0x0] =	vst.idx.msk $0xffff, v0;
	v13 =	vld.idx.msk [tilespmem:v15+s9+$0x0], $0xffff  }
0xb7: {  	v14 =	vor.u32 $0xF, v2;
	v0 =	vld.idx.msk [tilespmem:v6+s9+$0x0], $0xffff  }
0xb8: {  	v1 =	vor.u32 $0xE, v3;
	[tilespmem:v9+s10+$0x0] =	vst.idx.msk $0xffff, v7  }
0xb9: {  	v7 =	vld.idx.msk [tilespmem:v8+s9+$0x0], $0xffff;
	[tilespmem:v12+s10+$0x0] =	vst.idx.msk $0xffff, v10  }
0xba: {  	v9 =	vor.u32 $0xF, v5;
	v10 =	vld.idx.msk [tilespmem:v11+s9+$0x0], $0xffff  }
0xbb: {  	v12 =	vor.u32 $0xF, v4;
	[tilespmem:v15+s10+$0x0] =	vst.idx.msk $0xffff, v13  }
0xbc: {  	[tilespmem:v6+s10+$0x0] =	vst.idx.msk $0xffff, v0;
	v13 =	vld.idx.msk [tilespmem:v14+s9+$0x0], $0xffff  }
0xbd: {  	v15 =	vor.u32 $0x10, v2;
	v0 =	vld.idx.msk [tilespmem:v1+s9+$0x0], $0xffff  }
0xbe: {  	v6 =	vor.u32 $0xF, v3;
	[tilespmem:v8+s10+$0x0] =	vst.idx.msk $0xffff, v7  }
0xbf: {  	v7 =	vld.idx.msk [tilespmem:v9+s9+$0x0], $0xffff;
	[tilespmem:v11+s10+$0x0] =	vst.idx.msk $0xffff, v10  }
0xc0: {  	v8 =	vor.u32 $0x10, v5;
	v10 =	vld.idx.msk [tilespmem:v12+s9+$0x0], $0xffff  }
0xc1: {  	v11 =	vor.u32 $0x10, v4;
	[tilespmem:v14+s10+$0x0] =	vst.idx.msk $0xffff, v13  }
0xc2: {  	[tilespmem:v1+s10+$0x0] =	vst.idx.msk $0xffff, v0;
	v13 =	vld.idx.msk [tilespmem:v15+s9+$0x0], $0xffff  }
0xc3: {  	v14 =	vor.u32 $0x11, v2;
	v0 =	vld.idx.msk [tilespmem:v6+s9+$0x0], $0xffff  }
0xc4: {  	v1 =	vor.u32 $0x10, v3;
	[tilespmem:v9+s10+$0x0] =	vst.idx.msk $0xffff, v7  }
0xc5: {  	v7 =	vld.idx.msk [tilespmem:v8+s9+$0x0], $0xffff;
	[tilespmem:v12+s10+$0x0] =	vst.idx.msk $0xffff, v10  }
0xc6: {  	v9 =	vor.u32 $0x11, v5;
	v10 =	vld.idx.msk [tilespmem:v11+s9+$0x0], $0xffff  }
0xc7: {  	v12 =	vor.u32 $0x11, v4;
	[tilespmem:v15+s10+$0x0] =	vst.idx.msk $0xffff, v13  }
0xc8: {  	[tilespmem:v6+s10+$0x0] =	vst.idx.msk $0xffff, v0;
	v13 =	vld.idx.msk [tilespmem:v14+s9+$0x0], $0xffff  }
0xc9: {  	v15 =	vor.u32 $0x12, v2;
	v0 =	vld.idx.msk [tilespmem:v1+s9+$0x0], $0xffff  }
0xca: {  	v6 =	vor.u32 $0x11, v3;
	[tilespmem:v8+s10+$0x0] =	vst.idx.msk $0xffff, v7  }
0xcb: {  	v7 =	vld.idx.msk [tilespmem:v9+s9+$0x0], $0xffff;
	[tilespmem:v11+s10+$0x0] =	vst.idx.msk $0xffff, v10  }
0xcc: {  	v8 =	vor.u32 $0x12, v5;
	v10 =	vld.idx.msk [tilespmem:v12+s9+$0x0], $0xffff  }
0xcd: {  	v11 =	vor.u32 $0x12, v4;
	[tilespmem:v14+s10+$0x0] =	vst.idx.msk $0xffff, v13  }
0xce: {  	[tilespmem:v1+s10+$0x0] =	vst.idx.msk $0xffff, v0;
	v13 =	vld.idx.msk [tilespmem:v15+s9+$0x0], $0xffff  }
0xcf: {  	v14 =	vor.u32 $0x13, v2;
	v0 =	vld.idx.msk [tilespmem:v6+s9+$0x0], $0xffff  }
0xd0: {  	v1 =	vor.u32 $0x12, v3;
	[tilespmem:v9+s10+$0x0] =	vst.idx.msk $0xffff, v7  }
0xd1: {  	v7 =	vld.idx.msk [tilespmem:v8+s9+$0x0], $0xffff;
	[tilespmem:v12+s10+$0x0] =	vst.idx.msk $0xffff, v10  }
0xd2: {  	v9 =	vor.u32 $0x13, v5;
	v10 =	vld.idx.msk [tilespmem:v11+s9+$0x0], $0xffff  }
0xd3: {  	v12 =	vor.u32 $0x13, v4;
	[tilespmem:v15+s10+$0x0] =	vst.idx.msk $0xffff, v13  }
0xd4: {  	[tilespmem:v6+s10+$0x0] =	vst.idx.msk $0xffff, v0;
	v13 =	vld.idx.msk [tilespmem:v14+s9+$0x0], $0xffff  }
0xd5: {  	v0 =	vld.idx.msk [tilespmem:v1+s9+$0x0], $0xffff  }
0xd6: {  	v6 =	vor.u32 $0x13, v3;
	[tilespmem:v8+s10+$0x0] =	vst.idx.msk $0xffff, v7  }
0xd7: {  	s0 =	sand.u32 $0x200, s14;
	v7 =	vld.idx.msk [tilespmem:v9+s9+$0x0], $0xffff;
	[tilespmem:v11+s10+$0x0] =	vst.idx.msk $0xffff, v10  }
0xd8: {  	s0 =	sadd.s32 $0x10300, s0;
	s15 =	sand.u32 $0x70, s21;
	v8 =	vld.idx.msk [tilespmem:v12+s9+$0x0], $0xffff  }
0xd9: {  	s15 =	sor.u32 s15, s0;
	[tilespmem:v14+s10+$0x0] =	vst.idx.msk $0xffff, v13  }
0xda: {  	[tilespmem:v1+s10+$0x0] =	vst.idx.msk $0xffff, v0;
	v10 =	vld [tilespmem:s15+$0x0]  }
0xdb: {  	s16 =	sand.u32 $0x50, s20;
	v0 =	vld.idx.msk [tilespmem:v6+s9+$0x0], $0xffff  }
0xdc: {  	s17 =	sand.u32 $0x60, s19;
	s16 =	sor.u32 s16, s0;
	[tilespmem:v9+s10+$0x0] =	vst.idx.msk $0xffff, v7  }
0xdd: {  	s17 =	sor.u32 s17, s0;
	v1 =	vld [tilespmem:s16+$0x0];
	[tilespmem:v12+s10+$0x0] =	vst.idx.msk $0xffff, v8  }
0xde: {  	v7 =	vld [tilespmem:s17+$0x0]  }
0xdf: {  	s18 =	sand.u32 $0x40, s14  }
0xe0: {  	s0 =	sor.u32 s18, s0;
	[tilespmem:v6+s10+$0x0] =	vst.idx.msk $0xffff, v0  }
0xe1: {  	v8 =	vld [tilespmem:s0+$0x0]  }
0xe2: {  	v6 =	vor.u32 $0x14, v2;
	v0 =	vld.idx.msk [tilespmem:v10+s2+$0x0], $0xffff;
	_ =	sdelay $0x2  }
0xe3: {  	v9 =	vor.u32 $0x14, v5;
	v1 =	vld.idx.msk [tilespmem:v1+s2+$0x0], $0xffff  }
0xe4: {  	v10 =	vor.u32 $0x14, v4;
	v7 =	vld.idx.msk [tilespmem:v7+s2+$0x0], $0xffff  }
0xe5: {  	[tilespmem:v6+s10+$0x0] =	vst.idx.msk $0xffff, v0  }
0xe6: {  	v0 =	vld [tilespmem:s15+$0x80]  }
0xe7: {  	v6 =	vor.u32 $0x14, v3;
	v8 =	vld.idx.msk [tilespmem:v8+s2+$0x0], $0xffff  }
0xe8: {  	[tilespmem:v9+s10+$0x0] =	vst.idx.msk $0xffff, v1  }
0xe9: {  	v1 =	vld [tilespmem:s16+$0x80];
	[tilespmem:v10+s10+$0x0] =	vst.idx.msk $0xffff, v7  }
0xea: {  	v7 =	vld [tilespmem:s17+$0x80];
	_ =	sdelay $0x1  }
0xeb: {  	[tilespmem:v6+s10+$0x0] =	vst.idx.msk $0xffff, v8  }
0xec: {  	v9 =	vld [tilespmem:s0+$0x80]  }
0xed: {  	v8 =	vor.u32 $0x15, v2;
	v6 =	vld.idx.msk [tilespmem:v0+s2+$0x0], $0xffff  }
0xee: {  	v10 =	vadd.s32 $0x1, v0;
	_ =	sdelay $0x1  }
0xef: {  	v11 =	vor.u32 $0x15, v5;
	v12 =	vld.idx.msk [tilespmem:v1+s2+$0x0], $0xffff  }
0xf0: {  	v13 =	vor.u32 $0x15, v4;
	v14 =	vadd.s32 $0x1, v1;
	v15 =	vld.idx.msk [tilespmem:v7+s2+$0x0], $0xffff  }
0xf1: {  	[tilespmem:v8+s10+$0x0] =	vst.idx.msk $0xffff, v6;
	v6 =	vadd.s32 $0x1, v7  }
0xf2: {  	v8 =	vld.idx.msk [tilespmem:v10+s2+$0x0], $0xffff;
	v10 =	vor.u32 $0x16, v2  }
0xf3: {  	v16 =	vadd.s32 $0x2, v0  }
0xf4: {  	v17 =	vor.u32 $0x15, v3;
	v18 =	vld.idx.msk [tilespmem:v9+s2+$0x0], $0xffff;
	[tilespmem:v11+s10+$0x0] =	vst.idx.msk $0xffff, v12  }
0xf5: {  	v11 =	vor.u32 $0x16, v5;
	v12 =	vadd.s32 $0x1, v9;
	v14 =	vld.idx.msk [tilespmem:v14+s2+$0x0], $0xffff;
	[tilespmem:v13+s10+$0x0] =	vst.idx.msk $0xffff, v15  }
0xf6: {  	v13 =	vor.u32 $0x16, v4;
	v15 =	vadd.s32 $0x2, v1;
	v6 =	vld.idx.msk [tilespmem:v6+s2+$0x0], $0xffff  }
0xf7: {  	[tilespmem:v10+s10+$0x0] =	vst.idx.msk $0xffff, v8;
	v8 =	vadd.s32 $0x2, v7  }
0xf8: {  	v21 =	vor.u32 $0x17, v2;
	v10 =	vld.idx.msk [tilespmem:v16+s2+$0x0], $0xffff  }
0xf9: {  	v19 =	vadd.s32 $0x3, v0;
	[tilespmem:v17+s10+$0x0] =	vst.idx.msk $0xffff, v18  }
0xfa: {  	v22 =	vor.u32 $0x16, v3;
	v12 =	vld.idx.msk [tilespmem:v12+s2+$0x0], $0xffff;
	[tilespmem:v11+s10+$0x0] =	vst.idx.msk $0xffff, v14  }
0xfb: {  	v11 =	vor.u32 $0x17, v5;
	v14 =	vadd.s32 $0x2, v9;
	v15 =	vld.idx.msk [tilespmem:v15+s2+$0x0], $0xffff;
	[tilespmem:v13+s10+$0x0] =	vst.idx.msk $0xffff, v6  }
0xfc: {  	v6 =	vor.u32 $0x17, v4;
	v13 =	vadd.s32 $0x3, v1;
	v8 =	vld.idx.msk [tilespmem:v8+s2+$0x0], $0xffff  }
0xfd: {  	[tilespmem:v21+s10+$0x0] =	vst.idx.msk $0xffff, v10;
	v10 =	vadd.s32 $0x3, v7  }
0xfe: {  	v23 =	vor.u32 $0x18, v2;
	v16 =	vld.idx.msk [tilespmem:v19+s2+$0x0], $0xffff  }
0xff: {  	v32 =	vadd.s32 $0x4, v0;
	[tilespmem:v22+s10+$0x0] =	vst.idx.msk $0xffff, v12  }
0x100: {  	v12 =	vor.u32 $0x17, v3;
	v14 =	vld.idx.msk [tilespmem:v14+s2+$0x0], $0xffff;
	[tilespmem:v11+s10+$0x0] =	vst.idx.msk $0xffff, v15  }
0x101: {  	v11 =	vor.u32 $0x18, v5;
	v15 =	vadd.s32 $0x3, v9;
	v13 =	vld.idx.msk [tilespmem:v13+s2+$0x0], $0xffff;
	[tilespmem:v6+s10+$0x0] =	vst.idx.msk $0xffff, v8  }
0x102: {  	v6 =	vor.u32 $0x18, v4;
	v8 =	vadd.s32 $0x4, v1;
	v10 =	vld.idx.msk [tilespmem:v10+s2+$0x0], $0xffff  }
0x103: {  	v33 =	vadd.s32 $0x4, v7;
	[tilespmem:v23+s10+$0x0] =	vst.idx.msk $0xffff, v16  }
0x104: {  	v35 =	vor.u32 $0x19, v2;
	v34 =	vld.idx.msk [tilespmem:v32+s2+$0x0], $0xffff  }
0x105: {  	v0 =	vadd.s32 $0x5, v0;
	[tilespmem:v12+s10+$0x0] =	vst.idx.msk $0xffff, v14  }
0x106: {  	v12 =	vor.u32 $0x18, v3;
	v14 =	vld.idx.msk [tilespmem:v15+s2+$0x0], $0xffff;
	[tilespmem:v11+s10+$0x0] =	vst.idx.msk $0xffff, v13  }
0x107: {  	v11 =	vor.u32 $0x19, v5;
	v13 =	vadd.s32 $0x4, v9;
	v8 =	vld.idx.msk [tilespmem:v8+s2+$0x0], $0xffff;
	[tilespmem:v6+s10+$0x0] =	vst.idx.msk $0xffff, v10  }
0x108: {  	v1 =	vadd.s32 $0x5, v1;
	v6 =	vor.u32 $0x19, v4;
	v10 =	vld.idx.msk [tilespmem:v33+s2+$0x0], $0xffff  }
0x109: {  	[tilespmem:v35+s10+$0x0] =	vst.idx.msk $0xffff, v34  }
0x10a: {  	v7 =	vadd.s32 $0x5, v7;
	v15 =	vor.u32 $0x1A, v2;
	v0 =	vld.idx.msk [tilespmem:v0+s2+$0x0], $0xffff  }
0x10b: {  	s29 =	sand.u32 $0x7, s14;
	[tilespmem:v12+s10+$0x0] =	vst.idx.msk $0xffff, v14  }
0x10c: {  	s0 =	sshll.u32 s29, $0x4;
	v12 =	vld.idx.msk [tilespmem:v13+s2+$0x0], $0xffff;
	[tilespmem:v11+s10+$0x0] =	vst.idx.msk $0xffff, v8;
	v11 =	vor.u32 $0x19, v3  }
0x10d: {  	s0 =	sadd.s32 $0x0, s0;
	v1 =	vld.idx.msk [tilespmem:v1+s2+$0x0], $0xffff;
	[tilespmem:v6+s10+$0x0] =	vst.idx.msk $0xffff, v10;
	v6 =	vor.u32 $0x1A, v5  }
0x10e: {  	s15 =	simm.s32 $0x70;
	s3 =	sadd.s32 $0x30, s0  }
0x10f: {  	s18 =	simm.s32 $0x50;
	s16 =	sor.u32 $0x100, s3;
	v9 =	vadd.s32 $0x5, v9;
	v10 =	vld.idx.msk [tilespmem:v7+s2+$0x0], $0xffff;
	v7 =	vmov s15;
	[tilespmem:v15+s10+$0x0] =	vst.idx.msk $0xffff, v0  }
0x110: {  	s17 =	sand.u32 $0x3, s14;
	v13 =	vmov s18;
	v0 =	vor.u32 $0x1A, v4;
	v7 =	vshll.u32 v7, $0x7;
	v8 =	vld [tilespmem:s16+$0x10300]  }
0x111: {  	s16 =	sshll.u32 s17, $0x5;
	s17 =	simm.s32 $0x60;
	v16 =	vor.u32 v52, v7;
	[tilespmem:v11+s10+$0x0] =	vst.idx.msk $0xffff, v12;
	v11 =	vshll.u32 v13, $0x7  }
0x112: {  	s22 =	sadd.s32 $0x0, s16;
	s16 =	simm.s32 $0x40;
	v7 =	vmov s17;
	[tilespmem:v6+s10+$0x0] =	vst.idx.msk $0xffff, v1;
	v6 =	vor.u32 v52, v11  }
0x113: {  	s0 =	sadd.s32 $0x10, s0;
	v12 =	vmov s16;
	v7 =	vshll.u32 v7, $0x7  }
0x114: {  	s0 =	sor.u32 $0x100, s0;
	v9 =	vld.idx.msk [tilespmem:v9+s2+$0x0], $0xffff;
	v1 =	vshll.u32 v12, $0x7;
	v13 =	vor.u32 v52, v7  }
0x115: {  	v7 =	vld [tilespmem:s0+$0x10300];
	[tilespmem:v0+s10+$0x0] =	vst.idx.msk $0xffff, v10;
	v10 =	vor.u32 $0x1A, v3;
	v17 =	vor.u32 v52, v1  }
0x116: {  	v11 =	vld.idx.msk [tilespmem:v16+s9+$0x0], $0xffff  }
0x117: {  	v14 =	vor.u32 $0x1, v16;
	v36 =	vld.idx.msk [tilespmem:v6+s9+$0x0], $0xffff  }
0x118: {  	v15 =	vor.u32 $0x1B, v2;
	v20 =	vor.u32 $0x1, v6;
	v12 =	vld.idx.msk [tilespmem:v8+s2+$0x0], $0xffff  }
0x119: {  	s22 =	sadd.s32 $0x20, s22;
	v37 =	vadd.s32 $0x1, v8;
	v21 =	vld.idx.msk [tilespmem:v13+s9+$0x0], $0xffff  }
0x11a: {  	s22 =	sor.u32 $0x100, s22;
	v22 =	vor.u32 $0x1, v13;
	[tilespmem:v10+s10+$0x0] =	vst.idx.msk $0xffff, v9;
	v9 =	vld.idx.msk [tilespmem:v17+s9+$0x0], $0xffff  }
0x11b: {  	v0 =	vld [tilespmem:s22+$0x10300];
	v10 =	vor.u32 $0x1, v17;
	[tilespmem:v16+s10+$0x0] =	vst.idx.msk $0xffff, v11  }
0x11c: {  	s0 =	simm.s32 $0x1;
	v11 =	vld.idx.msk [tilespmem:v14+s9+$0x0], $0xffff;
	[tilespmem:v6+s10+$0x0] =	vst.idx.msk $0xffff, v36  }
0x11d: {  	s0 =	simm.s32 @!p0 $0x0;
	[tilespmem:v15+s10+$0x0] =	vst.idx.msk $0xffff, v12;
	v15 =	vor.u32 $0x2, v16;
	v39 =	vld.idx.msk [tilespmem:v20+s9+$0x0], $0xffff  }
0x11e: {  	v38 =	vor.u32 $0x1C, v2;
	v23 =	vor.u32 $0x2, v6;
	s0 =	sshll.u32 s0, $0x6;
	[tilespmem:v13+s10+$0x0] =	vst.idx.msk $0xffff, v21;
	v12 =	vld.idx.msk [tilespmem:v37+s2+$0x0], $0xffff  }
0x11f: {  	v40 =	vadd.s32 $0x2, v8;
	s0 =	sadd.s32 $0x0, s0;
	[tilespmem:v17+s10+$0x0] =	vst.idx.msk $0xffff, v9;
	v9 =	vld.idx.msk [tilespmem:v22+s9+$0x0], $0xffff  }
0x120: {  	v24 =	vor.u32 $0x2, v13;
	s0 =	sor.u32 $0x100, s0;
	v25 =	vld.idx.msk [tilespmem:v10+s9+$0x0], $0xffff  }
0x121: {  	v1 =	vld [tilespmem:s0+$0x10300];
	[tilespmem:v14+s10+$0x0] =	vst.idx.msk $0xffff, v11  }
0x122: {  	v26 =	vor.u32 $0x2, v17;
	v11 =	vld.idx.msk [tilespmem:v15+s9+$0x0], $0xffff;
	[tilespmem:v20+s10+$0x0] =	vst.idx.msk $0xffff, v39  }
0x123: {  	v14 =	vor.u32 $0x3, v16;
	[tilespmem:v38+s10+$0x0] =	vst.idx.msk $0xffff, v12;
	v19 =	vld.idx.msk [tilespmem:v23+s9+$0x0], $0xffff  }
0x124: {  	v41 =	vor.u32 $0x1D, v2;
	v42 =	vor.u32 $0x3, v6;
	[tilespmem:v22+s10+$0x0] =	vst.idx.msk $0xffff, v9;
	v12 =	vld.idx.msk [tilespmem:v40+s2+$0x0], $0xffff  }
0x125: {  	v9 =	vadd.s32 $0x3, v8;
	[tilespmem:v10+s10+$0x0] =	vst.idx.msk $0xffff, v25;
	v10 =	vld.idx.msk [tilespmem:v24+s9+$0x0], $0xffff  }
0x126: {  	v43 =	vor.u32 $0x3, v13;
	v27 =	vld.idx.msk [tilespmem:v7+s2+$0x0], $0xffff  }
0x127: {  	v44 =	vld.idx.msk [tilespmem:v26+s9+$0x0], $0xffff;
	[tilespmem:v15+s10+$0x0] =	vst.idx.msk $0xffff, v11  }
0x128: {  	v25 =	vor.u32 $0x3, v17;
	v11 =	vld.idx.msk [tilespmem:v14+s9+$0x0], $0xffff;
	[tilespmem:v23+s10+$0x0] =	vst.idx.msk $0xffff, v19  }
0x129: {  	[tilespmem:v41+s10+$0x0] =	vst.idx.msk $0xffff, v12;
	v45 =	vld.idx.msk [tilespmem:v42+s9+$0x0], $0xffff  }
0x12a: {  	v15 =	vor.u32 $0x1E, v2;
	v12 =	vor.u32 $0x4, v16;
	[tilespmem:v24+s10+$0x0] =	vst.idx.msk $0xffff, v10;
	v9 =	vld.idx.msk [tilespmem:v9+s2+$0x0], $0xffff  }
0x12b: {  	v46 =	vor.u32 $0x4, v6;
	v47 =	vld.idx.msk [tilespmem:v43+s9+$0x0], $0xffff  }
0x12c: {  	v28 =	vld.idx.msk [tilespmem:v0+s2+$0x0], $0xffff;
	v10 =	vadd.s32 $0x4, v8;
	[tilespmem:v26+s10+$0x0] =	vst.idx.msk $0xffff, v44;
	v26 =	vor.u32 $0x1B, v5  }
0x12d: {  	v48 =	vor.u32 $0x4, v13;
	v24 =	vld.idx.msk [tilespmem:v25+s9+$0x0], $0xffff;
	[tilespmem:v14+s10+$0x0] =	vst.idx.msk $0xffff, v11  }
0x12e: {  	v29 =	vor.u32 $0x4, v17;
	v30 =	vld.idx.msk [tilespmem:v1+s2+$0x0], $0xffff;
	v11 =	vor.u32 $0x1B, v4;
	[tilespmem:v42+s10+$0x0] =	vst.idx.msk $0xffff, v45  }
0x12f: {  	v31 =	vadd.s32 $0x1, v7;
	v14 =	vld.idx.msk [tilespmem:v12+s9+$0x0], $0xffff;
	[tilespmem:v15+s10+$0x0] =	vst.idx.msk $0xffff, v9  }
0x130: {  	v9 =	vadd.s32 $0x1, v0;
	v15 =	vld.idx.msk [tilespmem:v46+s9+$0x0], $0xffff;
	[tilespmem:v43+s10+$0x0] =	vst.idx.msk $0xffff, v47  }
0x131: {  	v49 =	vor.u32 $0x5, v16;
	[tilespmem:v26+s10+$0x0] =	vst.idx.msk $0xffff, v27;
	v27 =	vor.u32 $0x1B, v3;
	v10 =	vld.idx.msk [tilespmem:v10+s2+$0x0], $0xffff  }
0x132: {  	v50 =	vor.u32 $0x1F, v2;
	[tilespmem:v25+s10+$0x0] =	vst.idx.msk $0xffff, v24;
	v21 =	vld.idx.msk [tilespmem:v48+s9+$0x0], $0xffff;
	v24 =	vor.u32 $0x5, v6  }
0x133: {  	v51 =	vadd.s32 $0x5, v8;
	v25 =	vld.idx.msk [tilespmem:v29+s9+$0x0], $0xffff;
	[tilespmem:v11+s10+$0x0] =	vst.idx.msk $0xffff, v28  }
0x134: {  	v26 =	vor.u32 $0x5, v13;
	v11 =	vld.idx.msk [tilespmem:v31+s2+$0x0], $0xffff;
	[tilespmem:v12+s10+$0x0] =	vst.idx.msk $0xffff, v14  }
0x135: {  	v28 =	vor.u32 $0x5, v17;
	v12 =	vor.u32 $0x1C, v5;
	v9 =	vld.idx.msk [tilespmem:v9+s2+$0x0], $0xffff;
	[tilespmem:v46+s10+$0x0] =	vst.idx.msk $0xffff, v15  }
0x136: {  	v14 =	vadd.s32 $0x1, v1;
	v31 =	vld.idx.msk [tilespmem:v49+s9+$0x0], $0xffff;
	[tilespmem:v27+s10+$0x0] =	vst.idx.msk $0xffff, v30  }
0x137: {  	[tilespmem:v50+s10+$0x0] =	vst.idx.msk $0xffff, v10;
	v10 =	vadd.s32 $0x2, v7;
	v19 =	vld.idx.msk [tilespmem:v24+s9+$0x0], $0xffff  }
0x138: {  	v54 =	vor.u32 $0x20, v2;
	v53 =	vor.u32 $0x6, v16;
	[tilespmem:v48+s10+$0x0] =	vst.idx.msk $0xffff, v21;
	v15 =	vld.idx.msk [tilespmem:v51+s2+$0x0], $0xffff  }
0x139: {  	[tilespmem:v29+s10+$0x0] =	vst.idx.msk $0xffff, v25;
	v55 =	vld.idx.msk [tilespmem:v26+s9+$0x0], $0xffff;
	v25 =	vor.u32 $0x6, v6  }
0x13a: {  	v56 =	vadd.s32 $0x6, v8;
	v27 =	vld.idx.msk [tilespmem:v28+s9+$0x0], $0xffff;
	[tilespmem:v12+s10+$0x0] =	vst.idx.msk $0xffff, v11  }
0x13b: {  	v29 =	vor.u32 $0x6, v13;
	v11 =	vld.idx.msk [tilespmem:v14+s2+$0x0], $0xffff;
	v12 =	vor.u32 $0x1C, v4;
	[tilespmem:v49+s10+$0x0] =	vst.idx.msk $0xffff, v31  }
0x13c: {  	v57 =	vor.u32 $0x1C, v3;
	v14 =	vor.u32 $0x6, v17;
	v10 =	vld.idx.msk [tilespmem:v10+s2+$0x0], $0xffff;
	[tilespmem:v24+s10+$0x0] =	vst.idx.msk $0xffff, v19  }
0x13d: {  	v30 =	vadd.s32 $0x2, v0;
	v31 =	vld.idx.msk [tilespmem:v53+s9+$0x0], $0xffff;
	[tilespmem:v54+s10+$0x0] =	vst.idx.msk $0xffff, v15  }
0x13e: {  	v62 =	vor.u32 $0x1D, v5;
	v15 =	vadd.s32 $0x2, v1;
	v59 =	vld.idx.msk [tilespmem:v25+s9+$0x0], $0xffff;
	[tilespmem:v26+s10+$0x0] =	vst.idx.msk $0xffff, v55  }
0x13f: {  	v60 =	vor.u32 $0x7, v16;
	v58 =	vld.idx.msk [tilespmem:v56+s2+$0x0], $0xffff;
	[tilespmem:v28+s10+$0x0] =	vst.idx.msk $0xffff, v27  }
0x140: {  	v61 =	vor.u32 $0x21, v2;
	v24 =	vld.idx.msk [tilespmem:v29+s9+$0x0], $0xffff;
	v27 =	vor.u32 $0x7, v6;
	[tilespmem:v12+s10+$0x0] =	vst.idx.msk $0xffff, v9  }
0x141: {  	v26 =	vadd.s32 $0x7, v8;
	v9 =	vld.idx.msk [tilespmem:v14+s9+$0x0], $0xffff;
	[tilespmem:v57+s10+$0x0] =	vst.idx.msk $0xffff, v11  }
0x142: {  	v12 =	vor.u32 $0x7, v13;
	v11 =	vld.idx.msk [tilespmem:v30+s2+$0x0], $0xffff;
	[tilespmem:v53+s10+$0x0] =	vst.idx.msk $0xffff, v31  }
0x143: {  	v63 =	vor.u32 $0x1D, v4;
	v28 =	vor.u32 $0x7, v17;
	[tilespmem:v62+s10+$0x0] =	vst.idx.msk $0xffff, v10;
	v15 =	vld.idx.msk [tilespmem:v15+s2+$0x0], $0xffff  }
0x144: {  	v30 =	vadd.s32 $0x3, v7;
	v31 =	vld.idx.msk [tilespmem:v60+s9+$0x0], $0xffff;
	[tilespmem:v25+s10+$0x0] =	vst.idx.msk $0xffff, v59  }
0x145: {  	v32 =	vadd.s32 $0x3, v0;
	v36 =	vor.u32 $0x1D, v3;
	[tilespmem:v61+s10+$0x0] =	vst.idx.msk $0xffff, v58;
	v34 =	vld.idx.msk [tilespmem:v27+s9+$0x0], $0xffff  }
0x146: {  	[tilespmem:v29+s10+$0x0] =	vst.idx.msk $0xffff, v24;
	v24 =	vor.u32 $0x8, v16;
	v33 =	vld.idx.msk [tilespmem:v26+s2+$0x0], $0xffff  }
0x147: {  	v25 =	vor.u32 $0x22, v2;
	[tilespmem:v14+s10+$0x0] =	vst.idx.msk $0xffff, v9;
	v9 =	vld.idx.msk [tilespmem:v12+s9+$0x0], $0xffff;
	v26 =	vor.u32 $0x8, v6  }
0x148: {  	v14 =	vadd.s32 $0x8, v8;
	v10 =	vld.idx.msk [tilespmem:v28+s9+$0x0], $0xffff;
	[tilespmem:v63+s10+$0x0] =	vst.idx.msk $0xffff, v11  }
0x149: {  	v35 =	vor.u32 $0x8, v13;
	v11 =	vld.idx.msk [tilespmem:v30+s2+$0x0], $0xffff;
	[tilespmem:v60+s10+$0x0] =	vst.idx.msk $0xffff, v31  }
0x14a: {  	v37 =	vor.u32 $0x1E, v5;
	v30 =	vadd.s32 $0x3, v1;
	v19 =	vld.idx.msk [tilespmem:v32+s2+$0x0], $0xffff;
	[tilespmem:v36+s10+$0x0] =	vst.idx.msk $0xffff, v15  }
0x14b: {  	v40 =	vor.u32 $0x1E, v4;
	v29 =	vor.u32 $0x8, v17;
	v31 =	vld.idx.msk [tilespmem:v24+s9+$0x0], $0xffff;
	[tilespmem:v27+s10+$0x0] =	vst.idx.msk $0xffff, v34  }
0x14c: {  	v38 =	vadd.s32 $0x4, v7;
	[tilespmem:v25+s10+$0x0] =	vst.idx.msk $0xffff, v33;
	v23 =	vld.idx.msk [tilespmem:v26+s9+$0x0], $0xffff  }
0x14d: {  	[tilespmem:v12+s10+$0x0] =	vst.idx.msk $0xffff, v9;
	v9 =	vor.u32 $0x9, v16;
	v14 =	vld.idx.msk [tilespmem:v14+s2+$0x0], $0xffff  }
0x14e: {  	v27 =	vor.u32 $0x9, v6;
	v12 =	vor.u32 $0x23, v2;
	[tilespmem:v28+s10+$0x0] =	vst.idx.msk $0xffff, v10;
	v10 =	vld.idx.msk [tilespmem:v35+s9+$0x0], $0xffff  }
0x14f: {  	v25 =	vadd.s32 $0x9, v8;
	[tilespmem:v37+s10+$0x0] =	vst.idx.msk $0xffff, v11;
	v11 =	vld.idx.msk [tilespmem:v30+s2+$0x0], $0xffff  }
0x150: {  	v39 =	vor.u32 $0x9, v13;
	v15 =	vld.idx.msk [tilespmem:v29+s9+$0x0], $0xffff;
	[tilespmem:v40+s10+$0x0] =	vst.idx.msk $0xffff, v19  }
0x151: {  	v28 =	vor.u32 $0x9, v17;
	v21 =	vld.idx.msk [tilespmem:v38+s2+$0x0], $0xffff;
	[tilespmem:v24+s10+$0x0] =	vst.idx.msk $0xffff, v31;
	v24 =	vor.u32 $0x1E, v3  }
0x152: {  	v30 =	vadd.s32 $0x4, v0;
	v31 =	vld.idx.msk [tilespmem:v9+s9+$0x0], $0xffff;
	[tilespmem:v26+s10+$0x0] =	vst.idx.msk $0xffff, v23  }
0x153: {  	[tilespmem:v12+s10+$0x0] =	vst.idx.msk $0xffff, v14;
	v12 =	vadd.s32 $0x4, v1;
	v23 =	vld.idx.msk [tilespmem:v27+s9+$0x0], $0xffff  }
0x154: {  	v41 =	vor.u32 $0x24, v2;
	[tilespmem:v35+s10+$0x0] =	vst.idx.msk $0xffff, v10;
	v10 =	vor.u32 $0xA, v16;
	v14 =	vld.idx.msk [tilespmem:v25+s2+$0x0], $0xffff  }
0x155: {  	v26 =	vor.u32 $0xA, v6;
	[tilespmem:v29+s10+$0x0] =	vst.idx.msk $0xffff, v15;
	v15 =	vld.idx.msk [tilespmem:v39+s9+$0x0], $0xffff  }
0x156: {  	v25 =	vadd.s32 $0xA, v8;
	v42 =	vld.idx.msk [tilespmem:v28+s9+$0x0], $0xffff;
	[tilespmem:v24+s10+$0x0] =	vst.idx.msk $0xffff, v11  }
0x157: {  	v43 =	vor.u32 $0xA, v13;
	v11 =	vld.idx.msk [tilespmem:v30+s2+$0x0], $0xffff;
	v24 =	vor.u32 $0x1F, v5;
	[tilespmem:v9+s10+$0x0] =	vst.idx.msk $0xffff, v31  }
0x158: {  	v29 =	vor.u32 $0xA, v17;
	v9 =	vld.idx.msk [tilespmem:v12+s2+$0x0], $0xffff;
	v12 =	vor.u32 $0x1F, v4;
	[tilespmem:v27+s10+$0x0] =	vst.idx.msk $0xffff, v23  }
0x159: {  	v30 =	vadd.s32 $0x5, v7;
	v31 =	vld.idx.msk [tilespmem:v10+s9+$0x0], $0xffff;
	[tilespmem:v41+s10+$0x0] =	vst.idx.msk $0xffff, v14  }
0x15a: {  	v14 =	vadd.s32 $0x5, v0;
	v23 =	vld.idx.msk [tilespmem:v26+s9+$0x0], $0xffff;
	[tilespmem:v39+s10+$0x0] =	vst.idx.msk $0xffff, v15  }
0x15b: {  	v44 =	vor.u32 $0x25, v2;
	v15 =	vor.u32 $0xB, v16;
	v18 =	vld.idx.msk [tilespmem:v25+s2+$0x0], $0xffff;
	[tilespmem:v28+s10+$0x0] =	vst.idx.msk $0xffff, v42  }
0x15c: {  	v45 =	vld.idx.msk [tilespmem:v43+s9+$0x0], $0xffff;
	v25 =	vor.u32 $0xB, v6;
	[tilespmem:v24+s10+$0x0] =	vst.idx.msk $0xffff, v21  }
0x15d: {  	v8 =	vadd.s32 $0xB, v8;
	v46 =	vld.idx.msk [tilespmem:v29+s9+$0x0], $0xffff;
	[tilespmem:v12+s10+$0x0] =	vst.idx.msk $0xffff, v11  }
0x15e: {  	v24 =	vor.u32 $0xB, v13;
	v11 =	vld.idx.msk [tilespmem:v30+s2+$0x0], $0xffff;
	v12 =	vor.u32 $0x1F, v3;
	[tilespmem:v10+s10+$0x0] =	vst.idx.msk $0xffff, v31  }
0x15f: {  	v27 =	vor.u32 $0xB, v17;
	v10 =	vld.idx.msk [tilespmem:v14+s2+$0x0], $0xffff;
	v14 =	vor.u32 $0x20, v5;
	[tilespmem:v26+s10+$0x0] =	vst.idx.msk $0xffff, v23  }
0x160: {  	v28 =	vadd.s32 $0x5, v1;
	v30 =	vld.idx.msk [tilespmem:v15+s9+$0x0], $0xffff;
	[tilespmem:v44+s10+$0x0] =	vst.idx.msk $0xffff, v18  }
0x161: {  	v47 =	vadd.s32 $0x6, v7;
	v48 =	vld.idx.msk [tilespmem:v25+s9+$0x0], $0xffff;
	[tilespmem:v43+s10+$0x0] =	vst.idx.msk $0xffff, v45  }
0x162: {  	v50 =	vor.u32 $0x26, v2;
	v49 =	vor.u32 $0xC, v16;
	v8 =	vld.idx.msk [tilespmem:v8+s2+$0x0], $0xffff;
	[tilespmem:v29+s10+$0x0] =	vst.idx.msk $0xffff, v46  }
0x163: {  	v53 =	vor.u32 $0xC, v6;
	v51 =	vld.idx.msk [tilespmem:v24+s9+$0x0], $0xffff;
	[tilespmem:v12+s10+$0x0] =	vst.idx.msk $0xffff, v9  }
0x164: {  	v9 =	vld.idx.msk [tilespmem:v27+s9+$0x0], $0xffff;
	[tilespmem:v14+s10+$0x0] =	vst.idx.msk $0xffff, v11  }
0x165: {  	v12 =	vor.u32 $0xC, v13;
	v11 =	vld.idx.msk [tilespmem:v28+s2+$0x0], $0xffff;
	v14 =	vor.u32 $0x20, v4;
	[tilespmem:v15+s10+$0x0] =	vst.idx.msk $0xffff, v30  }
0x166: {  	v54 =	vor.u32 $0x20, v3;
	v26 =	vor.u32 $0xC, v17;
	v15 =	vld.idx.msk [tilespmem:v47+s2+$0x0], $0xffff;
	[tilespmem:v25+s10+$0x0] =	vst.idx.msk $0xffff, v48  }
0x167: {  	s22 =	sor.u32 s21, s14;
	v28 =	vadd.s32 $0x6, v0;
	v29 =	vld.idx.msk [tilespmem:v49+s9+$0x0], $0xffff;
	[tilespmem:v50+s10+$0x0] =	vst.idx.msk $0xffff, v8  }
0x168: {  	s0 =	sor.u32 $0x180, s22;
	v55 =	vadd.s32 $0x6, v1;
	v56 =	vor.u32 $0x21, v5;
	v25 =	vld.idx.msk [tilespmem:v53+s9+$0x0], $0xffff;
	[tilespmem:v24+s10+$0x0] =	vst.idx.msk $0xffff, v51  }
0x169: {  	v57 =	vor.u32 $0xD, v16;
	v8 =	vld [tilespmem:s0+$0x10300];
	[tilespmem:v27+s10+$0x0] =	vst.idx.msk $0xffff, v9  }
0x16a: {  	v9 =	vld.idx.msk [tilespmem:v12+s9+$0x0], $0xffff;
	[tilespmem:v14+s10+$0x0] =	vst.idx.msk $0xffff, v10;
	v14 =	vor.u32 $0xD, v6  }
0x16b: {  	v58 =	vor.u32 $0xD, v13;
	v10 =	vld.idx.msk [tilespmem:v26+s9+$0x0], $0xffff;
	[tilespmem:v54+s10+$0x0] =	vst.idx.msk $0xffff, v11  }
0x16c: {  	v60 =	vor.u32 $0x21, v4;
	v11 =	vld.idx.msk [tilespmem:v28+s2+$0x0], $0xffff;
	[tilespmem:v49+s10+$0x0] =	vst.idx.msk $0xffff, v29  }
0x16d: {  	v27 =	vor.u32 $0xD, v17;
	v59 =	vld.idx.msk [tilespmem:v55+s2+$0x0], $0xffff;
	[tilespmem:v56+s10+$0x0] =	vst.idx.msk $0xffff, v15;
	v28 =	vor.u32 $0x21, v3  }
0x16e: {  	v24 =	vadd.s32 $0x7, v7;
	v15 =	vld.idx.msk [tilespmem:v57+s9+$0x0], $0xffff;
	[tilespmem:v53+s10+$0x0] =	vst.idx.msk $0xffff, v25  }
0x16f: {  	v61 =	vadd.s32 $0x7, v0;
	[tilespmem:v12+s10+$0x0] =	vst.idx.msk $0xffff, v9;
	v9 =	vld.idx.msk [tilespmem:v14+s9+$0x0], $0xffff  }
0x170: {  	v62 =	vor.u32 $0xE, v16;
	[tilespmem:v26+s10+$0x0] =	vst.idx.msk $0xffff, v10;
	v10 =	vld.idx.msk [tilespmem:v58+s9+$0x0], $0xffff  }
0x171: {  	v29 =	vadd.s32 $0x7, v1;
	v12 =	vor.u32 $0x27, v2;
	v25 =	vld.idx.msk [tilespmem:v8+s2+$0x0], $0xffff;
	[tilespmem:v60+s10+$0x0] =	vst.idx.msk $0xffff, v11  }
0x172: {  	v63 =	vor.u32 $0xE, v13;
	v11 =	vld.idx.msk [tilespmem:v27+s9+$0x0], $0xffff;
	[tilespmem:v28+s10+$0x0] =	vst.idx.msk $0xffff, v59  }
0x173: {  	v33 =	vor.u32 $0x22, v5;
	v24 =	vld.idx.msk [tilespmem:v24+s2+$0x0], $0xffff;
	v26 =	vadd.s32 $0x1, v8;
	[tilespmem:v57+s10+$0x0] =	vst.idx.msk $0xffff, v15  }
0x174: {  	v28 =	vadd.s32 $0x8, v7;
	v15 =	vld.idx.msk [tilespmem:v61+s2+$0x0], $0xffff;
	[tilespmem:v14+s10+$0x0] =	vst.idx.msk $0xffff, v9  }
0x175: {  	v30 =	vor.u32 $0xE, v6;
	v35 =	vld.idx.msk [tilespmem:v62+s9+$0x0], $0xffff;
	[tilespmem:v58+s10+$0x0] =	vst.idx.msk $0xffff, v10  }
0x176: {  	v34 =	vor.u32 $0xE, v17;
	v29 =	vld.idx.msk [tilespmem:v29+s2+$0x0], $0xffff;
	[tilespmem:v12+s10+$0x0] =	vst.idx.msk $0xffff, v25;
	v12 =	vor.u32 $0x22, v4  }
0x177: {  	v9 =	vor.u32 $0xF, v16;
	[tilespmem:v27+s10+$0x0] =	vst.idx.msk $0xffff, v11;
	v11 =	vld.idx.msk [tilespmem:v63+s9+$0x0], $0xffff  }
0x178: {  	[tilespmem:v33+s10+$0x0] =	vst.idx.msk $0xffff, v24;
	v10 =	vor.u32 $0x28, v2;
	v25 =	vadd.s32 $0x8, v0;
	v14 =	vld.idx.msk [tilespmem:v26+s2+$0x0], $0xffff  }
0x179: {  	v39 =	vor.u32 $0x22, v3;
	v24 =	vor.u32 $0xF, v13;
	v38 =	vld.idx.msk [tilespmem:v28+s2+$0x0], $0xffff  }
0x17a: {  	v36 =	vadd.s32 $0x2, v8;
	v26 =	vld.idx.msk [tilespmem:v30+s9+$0x0], $0xffff;
	[tilespmem:v62+s10+$0x0] =	vst.idx.msk $0xffff, v35  }
0x17b: {  	v27 =	vor.u32 $0xF, v6;
	v37 =	vld.idx.msk [tilespmem:v34+s9+$0x0], $0xffff;
	[tilespmem:v12+s10+$0x0] =	vst.idx.msk $0xffff, v15  }
0x17c: {  	v28 =	vor.u32 $0xF, v17;
	v12 =	vld.idx.msk [tilespmem:v9+s9+$0x0], $0xffff;
	[tilespmem:v63+s10+$0x0] =	vst.idx.msk $0xffff, v11  }
0x17d: {  	v15 =	vadd.s32 $0x8, v1;
	v25 =	vld.idx.msk [tilespmem:v25+s2+$0x0], $0xffff;
	[tilespmem:v10+s10+$0x0] =	vst.idx.msk $0xffff, v14;
	v10 =	vor.u32 $0x23, v5  }
0x17e: {  	[tilespmem:v39+s10+$0x0] =	vst.idx.msk $0xffff, v29;
	v14 =	vor.u32 $0x10, v16;
	v40 =	vld.idx.msk [tilespmem:v24+s9+$0x0], $0xffff  }
0x17f: {  	v11 =	vor.u32 $0x29, v2;
	[tilespmem:v30+s10+$0x0] =	vst.idx.msk $0xffff, v26;
	v26 =	vadd.s32 $0x9, v7;
	v18 =	vld.idx.msk [tilespmem:v36+s2+$0x0], $0xffff  }
0x180: {  	v29 =	vor.u32 $0x10, v13;
	[tilespmem:v34+s10+$0x0] =	vst.idx.msk $0xffff, v37;
	v30 =	vld.idx.msk [tilespmem:v27+s9+$0x0], $0xffff  }
0x181: {  	v41 =	vadd.s32 $0x3, v8;
	v43 =	vld.idx.msk [tilespmem:v28+s9+$0x0], $0xffff;
	[tilespmem:v9+s10+$0x0] =	vst.idx.msk $0xffff, v12  }
0x182: {  	v42 =	vor.u32 $0x10, v6;
	v9 =	vld.idx.msk [tilespmem:v15+s2+$0x0], $0xffff;
	v12 =	vor.u32 $0x23, v4;
	[tilespmem:v10+s10+$0x0] =	vst.idx.msk $0xffff, v38  }
0x183: {  	v15 =	vor.u32 $0x10, v17;
	v10 =	vld.idx.msk [tilespmem:v14+s9+$0x0], $0xffff;
	[tilespmem:v24+s10+$0x0] =	vst.idx.msk $0xffff, v40  }
0x184: {  	v44 =	vadd.s32 $0x9, v0;
	v26 =	vld.idx.msk [tilespmem:v26+s2+$0x0], $0xffff;
	[tilespmem:v11+s10+$0x0] =	vst.idx.msk $0xffff, v18;
	v11 =	vor.u32 $0x23, v3  }
0x185: {  	v45 =	vor.u32 $0x11, v16;
	[tilespmem:v27+s10+$0x0] =	vst.idx.msk $0xffff, v30;
	v47 =	vld.idx.msk [tilespmem:v29+s9+$0x0], $0xffff  }
0x186: {  	v46 =	vor.u32 $0x2A, v2;
	v27 =	vadd.s32 $0x9, v1;
	[tilespmem:v28+s10+$0x0] =	vst.idx.msk $0xffff, v43;
	v21 =	vld.idx.msk [tilespmem:v41+s2+$0x0], $0xffff  }
0x187: {  	v24 =	vadd.s32 $0x4, v8;
	v30 =	vld.idx.msk [tilespmem:v42+s9+$0x0], $0xffff;
	[tilespmem:v12+s10+$0x0] =	vst.idx.msk $0xffff, v25  }
0x188: {  	v28 =	vor.u32 $0x11, v6;
	v12 =	vld.idx.msk [tilespmem:v15+s9+$0x0], $0xffff;
	[tilespmem:v14+s10+$0x0] =	vst.idx.msk $0xffff, v10  }
0x189: {  	v25 =	vor.u32 $0x11, v13;
	v10 =	vld.idx.msk [tilespmem:v44+s2+$0x0], $0xffff;
	v14 =	vor.u32 $0x24, v5;
	[tilespmem:v11+s10+$0x0] =	vst.idx.msk $0xffff, v9  }
0x18a: {  	v48 =	vor.u32 $0x11, v17;
	v49 =	vor.u32 $0x24, v4;
	v9 =	vld.idx.msk [tilespmem:v45+s9+$0x0], $0xffff;
	[tilespmem:v29+s10+$0x0] =	vst.idx.msk $0xffff, v47  }
0x18b: {  	v11 =	vadd.s32 $0xA, v7;
	v27 =	vld.idx.msk [tilespmem:v27+s2+$0x0], $0xffff;
	[tilespmem:v46+s10+$0x0] =	vst.idx.msk $0xffff, v21  }
0x18c: {  	v50 =	vor.u32 $0x12, v16;
	v53 =	vor.u32 $0x2B, v2;
	[tilespmem:v42+s10+$0x0] =	vst.idx.msk $0xffff, v30;
	v51 =	vld.idx.msk [tilespmem:v24+s2+$0x0], $0xffff  }
0x18d: {  	v24 =	vadd.s32 $0xA, v0;
	v30 =	vld.idx.msk [tilespmem:v28+s9+$0x0], $0xffff;
	[tilespmem:v15+s10+$0x0] =	vst.idx.msk $0xffff, v12  }
0x18e: {  	v12 =	vld.idx.msk [tilespmem:v25+s9+$0x0], $0xffff;
	v15 =	vadd.s32 $0x5, v8;
	[tilespmem:v14+s10+$0x0] =	vst.idx.msk $0xffff, v26  }
0x18f: {  	v29 =	vor.u32 $0x12, v6;
	v14 =	vld.idx.msk [tilespmem:v48+s9+$0x0], $0xffff;
	[tilespmem:v49+s10+$0x0] =	vst.idx.msk $0xffff, v10  }
0x190: {  	v26 =	vor.u32 $0x12, v13;
	[tilespmem:v45+s10+$0x0] =	vst.idx.msk $0xffff, v9;
	v9 =	vld.idx.msk [tilespmem:v11+s2+$0x0], $0xffff;
	v11 =	vor.u32 $0x24, v3  }
0x191: {  	v54 =	vor.u32 $0x12, v17;
	v56 =	vor.u32 $0x25, v5;
	v10 =	vld.idx.msk [tilespmem:v50+s9+$0x0], $0xffff;
	[tilespmem:v53+s10+$0x0] =	vst.idx.msk $0xffff, v51  }
0x192: {  	v55 =	vadd.s32 $0xA, v1;
	v24 =	vld.idx.msk [tilespmem:v24+s2+$0x0], $0xffff;
	[tilespmem:v28+s10+$0x0] =	vst.idx.msk $0xffff, v30  }
0x193: {  	v59 =	vor.u32 $0x25, v4;
	v7 =	vadd.s32 $0xB, v7;
	v15 =	vld.idx.msk [tilespmem:v15+s2+$0x0], $0xffff;
	[tilespmem:v25+s10+$0x0] =	vst.idx.msk $0xffff, v12  }
0x194: {  	v57 =	vor.u32 $0x13, v16;
	v28 =	vld.idx.msk [tilespmem:v29+s9+$0x0], $0xffff;
	v12 =	vor.u32 $0x2C, v2;
	[tilespmem:v48+s10+$0x0] =	vst.idx.msk $0xffff, v14  }
0x195: {  	v0 =	vadd.s32 $0xB, v0;
	v14 =	vld.idx.msk [tilespmem:v26+s9+$0x0], $0xffff;
	[tilespmem:v11+s10+$0x0] =	vst.idx.msk $0xffff, v27  }
0x196: {  	v58 =	vadd.s32 $0x6, v8;
	v11 =	vld.idx.msk [tilespmem:v54+s9+$0x0], $0xffff;
	[tilespmem:v56+s10+$0x0] =	vst.idx.msk $0xffff, v9  }
0x197: {  	v25 =	vor.u32 $0x13, v6;
	[tilespmem:v50+s10+$0x0] =	vst.idx.msk $0xffff, v10;
	v10 =	vld.idx.msk [tilespmem:v55+s2+$0x0], $0xffff  }
0x198: {  	v27 =	vor.u32 $0x13, v13;
	v7 =	vld.idx.msk [tilespmem:v7+s2+$0x0], $0xffff;
	[tilespmem:v59+s10+$0x0] =	vst.idx.msk $0xffff, v24  }
0x199: {  	v60 =	vor.u32 $0x13, v17;
	v9 =	vld.idx.msk [tilespmem:v57+s9+$0x0], $0xffff;
	[tilespmem:v12+s10+$0x0] =	vst.idx.msk $0xffff, v15  }
0x19a: {  	v12 =	vor.u32 $0x25, v3;
	[tilespmem:v29+s10+$0x0] =	vst.idx.msk $0xffff, v28;
	v0 =	vld.idx.msk [tilespmem:v0+s2+$0x0], $0xffff  }
0x19b: {  	s21 =	simm.s32 $0x100;
	v1 =	vadd.s32 $0xB, v1;
	v15 =	vld.idx.msk [tilespmem:v58+s2+$0x0], $0xffff;
	[tilespmem:v26+s10+$0x0] =	vst.idx.msk $0xffff, v14;
	v14 =	vor.u32 $0x2D, v2  }
0x19c: {  	s23 =	sand.u32 $0x200, s21;
	v62 =	vadd.s32 $0x7, v8;
	v61 =	vld.idx.msk [tilespmem:v25+s9+$0x0], $0xffff  }
0x19d: {  	s24 =	sand.u32 $0x70, s15;
	s0 =	sadd.s32 $0x10300, s23;
	[tilespmem:v54+s10+$0x0] =	vst.idx.msk $0xffff, v11;
	v11 =	vld.idx.msk [tilespmem:v27+s9+$0x0], $0xffff  }
0x19e: {  	s22 =	sor.u32 s24, s0;
	v63 =	vld.idx.msk [tilespmem:v60+s9+$0x0], $0xffff;
	[tilespmem:v57+s10+$0x0] =	vst.idx.msk $0xffff, v9  }
0x19f: {  	v9 =	vor.u32 $0x26, v5;
	[tilespmem:v12+s10+$0x0] =	vst.idx.msk $0xffff, v10;
	v10 =	vld [tilespmem:s22+$0x0]  }
0x1a0: {  	s23 =	sand.u32 $0x50, s18;
	v12 =	vor.u32 $0x26, v4;
	v1 =	vld.idx.msk [tilespmem:v1+s2+$0x0], $0xffff;
	[tilespmem:v14+s10+$0x0] =	vst.idx.msk $0xffff, v15  }
0x1a1: {  	v32 =	vor.u32 $0x26, v3;
	s24 =	sand.u32 $0x60, s17;
	s23 =	sor.u32 s23, s0;
	[tilespmem:v25+s10+$0x0] =	vst.idx.msk $0xffff, v61;
	v14 =	vld.idx.msk [tilespmem:v62+s2+$0x0], $0xffff  }
0x1a2: {  	s25 =	sand.u32 $0x40, s16;
	s24 =	sor.u32 s24, s0;
	v15 =	vld [tilespmem:s23+$0x0];
	[tilespmem:v27+s10+$0x0] =	vst.idx.msk $0xffff, v11  }
0x1a3: {  	s20 =	sor.u32 s20, s14;
	s0 =	sor.u32 s25, s0;
	v11 =	vor.u32 $0x2E, v2;
	[tilespmem:v60+s10+$0x0] =	vst.idx.msk $0xffff, v63;
	v33 =	vld [tilespmem:s24+$0x0]  }
0x1a4: {  	s20 =	sor.u32 $0x180, s20;
	s19 =	sor.u32 s19, s14;
	v34 =	vadd.s32 $0x8, v8;
	[tilespmem:v9+s10+$0x0] =	vst.idx.msk $0xffff, v7;
	v9 =	vld [tilespmem:s0+$0x0]  }
0x1a5: {  	s19 =	sor.u32 $0x180, s19;
	s25 =	sor.u32 s14, s14;
	[tilespmem:v12+s10+$0x0] =	vst.idx.msk $0xffff, v0;
	v12 =	vld [tilespmem:s20+$0x10300]  }
0x1a6: {  	s14 =	sor.u32 $0x180, s25;
	v0 =	vld [tilespmem:s19+$0x10300];
	[tilespmem:v32+s10+$0x0] =	vst.idx.msk $0xffff, v1  }
0x1a7: {  	v7 =	vld [tilespmem:s14+$0x10300]  }
0x1a8: {  	v1 =	vor.u32 $0x14, v16;
	[tilespmem:v11+s10+$0x0] =	vst.idx.msk $0xffff, v14;
	v10 =	vld.idx.msk [tilespmem:v10+s2+$0x0], $0xffff  }
0x1a9: {  	v14 =	vld.idx.msk [tilespmem:v34+s2+$0x0], $0xffff  }
0x1aa: {  	v35 =	vor.u32 $0x14, v6;
	v15 =	vld.idx.msk [tilespmem:v15+s2+$0x0], $0xffff  }
0x1ab: {  	v36 =	vor.u32 $0x14, v13;
	v19 =	vld.idx.msk [tilespmem:v33+s2+$0x0], $0xffff  }
0x1ac: {  	v37 =	vor.u32 $0x14, v17;
	v9 =	vld.idx.msk [tilespmem:v9+s2+$0x0], $0xffff  }
0x1ad: {  	v38 =	vor.u32 $0x2F, v2;
	[tilespmem:v1+s10+$0x0] =	vst.idx.msk $0xffff, v10;
	v39 =	vld.idx.msk [tilespmem:v12+s2+$0x0], $0xffff  }
0x1ae: {  	v8 =	vadd.s32 $0x9, v8;
	v11 =	vld [tilespmem:s22+$0x80]  }
0x1af: {  	v24 =	vor.u32 $0x27, v5;
	[tilespmem:v35+s10+$0x0] =	vst.idx.msk $0xffff, v15;
	v15 =	vld.idx.msk [tilespmem:v0+s2+$0x0], $0xffff  }
0x1b0: {  	v40 =	vadd.s32 $0x1, v12;
	v1 =	vld [tilespmem:s23+$0x80];
	[tilespmem:v36+s10+$0x0] =	vst.idx.msk $0xffff, v19  }
0x1b1: {  	v41 =	vor.u32 $0x27, v4;
	[tilespmem:v37+s10+$0x0] =	vst.idx.msk $0xffff, v9;
	v9 =	vld [tilespmem:s24+$0x80]  }
0x1b2: {  	v42 =	vadd.s32 $0x1, v0;
	[tilespmem:v38+s10+$0x0] =	vst.idx.msk $0xffff, v14;
	v10 =	vld [tilespmem:s0+$0x80]  }
0x1b3: {  	v8 =	vld.idx.msk [tilespmem:v8+s2+$0x0], $0xffff  }
0x1b4: {  	v43 =	vor.u32 $0x27, v3;
	v14 =	vld.idx.msk [tilespmem:v7+s2+$0x0], $0xffff;
	[tilespmem:v24+s10+$0x0] =	vst.idx.msk $0xffff, v39  }
0x1b5: {  	v46 =	vor.u32 $0x28, v5;
	v18 =	vld.idx.msk [tilespmem:v40+s2+$0x0], $0xffff  }
0x1b6: {  	v44 =	vadd.s32 $0x1, v7;
	[tilespmem:v41+s10+$0x0] =	vst.idx.msk $0xffff, v15;
	v15 =	vor.u32 $0x15, v16;
	v45 =	vld.idx.msk [tilespmem:v11+s2+$0x0], $0xffff  }
0x1b7: {  	v25 =	vor.u32 $0x28, v4;
	v24 =	vadd.s32 $0x1, v11;
	v20 =	vld.idx.msk [tilespmem:v42+s2+$0x0], $0xffff  }
0x1b8: {  	v28 =	vor.u32 $0x15, v6;
	v26 =	vadd.s32 $0x2, v12;
	v27 =	vld.idx.msk [tilespmem:v1+s2+$0x0], $0xffff  }
0x1b9: {  	v31 =	vor.u32 $0x15, v13;
	v29 =	vadd.s32 $0x2, v0;
	[tilespmem:v43+s10+$0x0] =	vst.idx.msk $0xffff, v14;
	v30 =	vld.idx.msk [tilespmem:v9+s2+$0x0], $0xffff  }
0x1ba: {  	v47 =	vor.u32 $0x15, v17;
	v32 =	vadd.s32 $0x1, v1;
	[tilespmem:v46+s10+$0x0] =	vst.idx.msk $0xffff, v18;
	v14 =	vld.idx.msk [tilespmem:v10+s2+$0x0], $0xffff  }
0x1bb: {  	v48 =	vor.u32 $0x28, v3;
	v33 =	vadd.s32 $0x1, v9;
	[tilespmem:v15+s10+$0x0] =	vst.idx.msk $0xffff, v45;
	v15 =	vld.idx.msk [tilespmem:v44+s2+$0x0], $0xffff  }
0x1bc: {  	v53 =	vor.u32 $0x16, v16;
	v49 =	vadd.s32 $0x1, v10;
	[tilespmem:v25+s10+$0x0] =	vst.idx.msk $0xffff, v20;
	v50 =	vld.idx.msk [tilespmem:v24+s2+$0x0], $0xffff  }
0x1bd: {  	v51 =	vadd.s32 $0x2, v7;
	v25 =	vor.u32 $0x29, v5;
	v24 =	vld.idx.msk [tilespmem:v26+s2+$0x0], $0xffff;
	[tilespmem:v28+s10+$0x0] =	vst.idx.msk $0xffff, v27  }
0x1be: {  	v26 =	vadd.s32 $0x2, v11;
	v27 =	vld.idx.msk [tilespmem:v29+s2+$0x0], $0xffff;
	v28 =	vor.u32 $0x29, v4;
	[tilespmem:v31+s10+$0x0] =	vst.idx.msk $0xffff, v30  }
0x1bf: {  	v29 =	vadd.s32 $0x3, v12;
	v32 =	vld.idx.msk [tilespmem:v32+s2+$0x0], $0xffff;
	v30 =	vor.u32 $0x16, v6;
	[tilespmem:v47+s10+$0x0] =	vst.idx.msk $0xffff, v14  }
0x1c0: {  	v54 =	vor.u32 $0x16, v13;
	v31 =	vadd.s32 $0x3, v0;
	v14 =	vld.idx.msk [tilespmem:v33+s2+$0x0], $0xffff;
	[tilespmem:v48+s10+$0x0] =	vst.idx.msk $0xffff, v15  }
0x1c1: {  	v55 =	vadd.s32 $0x2, v1;
	v23 =	vld.idx.msk [tilespmem:v49+s2+$0x0], $0xffff;
	v15 =	vor.u32 $0x16, v17;
	[tilespmem:v53+s10+$0x0] =	vst.idx.msk $0xffff, v50  }
0x1c2: {  	v58 =	vor.u32 $0x29, v3;
	v56 =	vadd.s32 $0x2, v9;
	v57 =	vld.idx.msk [tilespmem:v51+s2+$0x0], $0xffff;
	[tilespmem:v25+s10+$0x0] =	vst.idx.msk $0xffff, v24  }
0x1c3: {  	v59 =	vadd.s32 $0x2, v10;
	v25 =	vor.u32 $0x17, v16;
	v26 =	vld.idx.msk [tilespmem:v26+s2+$0x0], $0xffff;
	[tilespmem:v28+s10+$0x0] =	vst.idx.msk $0xffff, v27  }
0x1c4: {  	v24 =	vadd.s32 $0x3, v7;
	v29 =	vld.idx.msk [tilespmem:v29+s2+$0x0], $0xffff;
	[tilespmem:v30+s10+$0x0] =	vst.idx.msk $0xffff, v32  }
0x1c5: {  	v27 =	vor.u32 $0x2A, v5;
	v28 =	vadd.s32 $0x3, v11;
	v30 =	vld.idx.msk [tilespmem:v31+s2+$0x0], $0xffff;
	[tilespmem:v54+s10+$0x0] =	vst.idx.msk $0xffff, v14  }
0x1c6: {  	v60 =	vadd.s32 $0x4, v12;
	v31 =	vor.u32 $0x2A, v4;
	v33 =	vld.idx.msk [tilespmem:v55+s2+$0x0], $0xffff;
	[tilespmem:v15+s10+$0x0] =	vst.idx.msk $0xffff, v23  }
0x1c7: {  	v61 =	vadd.s32 $0x4, v0;
	v14 =	vor.u32 $0x17, v6;
	v15 =	vld.idx.msk [tilespmem:v56+s2+$0x0], $0xffff;
	[tilespmem:v58+s10+$0x0] =	vst.idx.msk $0xffff, v57  }
0x1c8: {  	v62 =	vor.u32 $0x17, v13;
	v63 =	vadd.s32 $0x3, v1;
	v20 =	vld.idx.msk [tilespmem:v59+s2+$0x0], $0xffff;
	[tilespmem:v25+s10+$0x0] =	vst.idx.msk $0xffff, v26  }
0x1c9: {  	v36 =	vor.u32 $0x17, v17;
	v37 =	vadd.s32 $0x3, v9;
	v24 =	vld.idx.msk [tilespmem:v24+s2+$0x0], $0xffff  }
0x1ca: {  	v25 =	vor.u32 $0x2A, v3;
	v26 =	vadd.s32 $0x3, v10;
	v28 =	vld.idx.msk [tilespmem:v28+s2+$0x0], $0xffff;
	[tilespmem:v27+s10+$0x0] =	vst.idx.msk $0xffff, v29  }
0x1cb: {  	v27 =	vadd.s32 $0x4, v7;
	v29 =	vor.u32 $0x18, v16;
	[tilespmem:v31+s10+$0x0] =	vst.idx.msk $0xffff, v30;
	v32 =	vld.idx.msk [tilespmem:v60+s2+$0x0], $0xffff  }
0x1cc: {  	v30 =	vor.u32 $0x2B, v5;
	[tilespmem:v14+s10+$0x0] =	vst.idx.msk $0xffff, v33;
	v14 =	vadd.s32 $0x4, v11;
	v21 =	vld.idx.msk [tilespmem:v61+s2+$0x0], $0xffff  }
0x1cd: {  	v38 =	vadd.s32 $0x5, v12;
	v31 =	vor.u32 $0x2B, v4;
	v23 =	vld.idx.msk [tilespmem:v63+s2+$0x0], $0xffff;
	[tilespmem:v62+s10+$0x0] =	vst.idx.msk $0xffff, v15  }
0x1ce: {  	v39 =	vadd.s32 $0x5, v0;
	v15 =	vor.u32 $0x18, v6;
	[tilespmem:v36+s10+$0x0] =	vst.idx.msk $0xffff, v20;
	v40 =	vld.idx.msk [tilespmem:v37+s2+$0x0], $0xffff  }
0x1cf: {  	v41 =	vor.u32 $0x18, v13;
	v42 =	vadd.s32 $0x4, v1;
	v26 =	vld.idx.msk [tilespmem:v26+s2+$0x0], $0xffff;
	[tilespmem:v25+s10+$0x0] =	vst.idx.msk $0xffff, v24  }
0x1d0: {  	v24 =	vor.u32 $0x18, v17;
	v25 =	vadd.s32 $0x4, v9;
	[tilespmem:v29+s10+$0x0] =	vst.idx.msk $0xffff, v28;
	v27 =	vld.idx.msk [tilespmem:v27+s2+$0x0], $0xffff  }
0x1d1: {  	v28 =	vor.u32 $0x2B, v3;
	v29 =	vadd.s32 $0x4, v10;
	v14 =	vld.idx.msk [tilespmem:v14+s2+$0x0], $0xffff;
	[tilespmem:v30+s10+$0x0] =	vst.idx.msk $0xffff, v32  }
0x1d2: {  	v43 =	vor.u32 $0x19, v16;
	v30 =	vadd.s32 $0x5, v7;
	[tilespmem:v31+s10+$0x0] =	vst.idx.msk $0xffff, v21;
	v33 =	vld.idx.msk [tilespmem:v38+s2+$0x0], $0xffff  }
0x1d3: {  	v44 =	vor.u32 $0x2C, v5;
	v11 =	vadd.s32 $0x5, v11;
	[tilespmem:v15+s10+$0x0] =	vst.idx.msk $0xffff, v23;
	v15 =	vld.idx.msk [tilespmem:v39+s2+$0x0], $0xffff  }
0x1d4: {  	v46 =	vadd.s32 $0x6, v12;
	v45 =	vor.u32 $0x2C, v4;
	v20 =	vld.idx.msk [tilespmem:v42+s2+$0x0], $0xffff;
	[tilespmem:v41+s10+$0x0] =	vst.idx.msk $0xffff, v40  }
0x1d5: {  	v47 =	vor.u32 $0x19, v6;
	v48 =	vadd.s32 $0x6, v0;
	[tilespmem:v24+s10+$0x0] =	vst.idx.msk $0xffff, v26;
	v24 =	vld.idx.msk [tilespmem:v25+s2+$0x0], $0xffff  }
0x1d6: {  	v1 =	vadd.s32 $0x5, v1;
	v25 =	vor.u32 $0x19, v13;
	v26 =	vld.idx.msk [tilespmem:v29+s2+$0x0], $0xffff;
	[tilespmem:v28+s10+$0x0] =	vst.idx.msk $0xffff, v27  }
0x1d7: {  	v9 =	vadd.s32 $0x5, v9;
	v27 =	vor.u32 $0x19, v17;
	[tilespmem:v43+s10+$0x0] =	vst.idx.msk $0xffff, v14;
	v14 =	vld.idx.msk [tilespmem:v30+s2+$0x0], $0xffff  }
0x1d8: {  	s26 =	simm.s32 $0x4;
	v49 =	vor.u32 $0x1A, v16;
	v10 =	vadd.s32 $0x5, v10;
	v11 =	vld.idx.msk [tilespmem:v11+s2+$0x0], $0xffff;
	[tilespmem:v44+s10+$0x0] =	vst.idx.msk $0xffff, v33  }
0x1d9: {  	s0 =	sand.u32 $0x7, s26;
	v28 =	vor.u32 $0x2C, v3;
	[tilespmem:v45+s10+$0x0] =	vst.idx.msk $0xffff, v15;
	v23 =	vld.idx.msk [tilespmem:v46+s2+$0x0], $0xffff  }
0x1da: {  	s0 =	sshll.u32 s0, $0x4;
	v50 =	vadd.s32 $0x6, v7;
	v15 =	vor.u32 $0x2D, v5;
	[tilespmem:v47+s10+$0x0] =	vst.idx.msk $0xffff, v20;
	v51 =	vld.idx.msk [tilespmem:v48+s2+$0x0], $0xffff  }
0x1db: {  	s0 =	sadd.s32 $0x100, s0;
	v53 =	vor.u32 $0x2D, v4;
	v29 =	vadd.s32 $0x7, v12;
	v30 =	vld.idx.msk [tilespmem:v1+s2+$0x0], $0xffff;
	[tilespmem:v25+s10+$0x0] =	vst.idx.msk $0xffff, v24  }
0x1dc: {  	s28 =	simm.s32 $0x2;
	s14 =	simm.s32 $0xB0;
	s29 =	sadd.s32 $0x30, s0;
	v24 =	vor.u32 $0x1A, v6;
	v25 =	vadd.s32 $0x7, v0;
	[tilespmem:v27+s10+$0x0] =	vst.idx.msk $0xffff, v26;
	v9 =	vld.idx.msk [tilespmem:v9+s2+$0x0], $0xffff  }
0x1dd: {  	p0 =	por !p0, !p0;
	s22 =	simm.s32 $0x1;
	s20 =	sor.u32 $0x100, s29;
	v1 =	vmov s14;
	v26 =	vor.u32 $0x1A, v13;
	v27 =	vld.idx.msk [tilespmem:v10+s2+$0x0], $0xffff;
	[tilespmem:v49+s10+$0x0] =	vst.idx.msk $0xffff, v11  }
0x1de: {  	s19 =	sand.u32 $0x3, s28;
	s22 =	simm.s32 @!p0 $0x0;
	s23 =	simm.s32 $0x90;
	v1 =	vshll.u32 v1, $0x7;
	[tilespmem:v28+s10+$0x0] =	vst.idx.msk $0xffff, v14;
	v20 =	vld [tilespmem:s20+$0x10300]  }
0x1df: {  	s19 =	sshll.u32 s19, $0x5;
	s3 =	sshll.u32 s22, $0x6;
	s22 =	simm.s32 $0xA0;
	v43 =	vor.u32 v52, v1;
	v11 =	vor.u32 $0x1A, v17;
	v10 =	vmov s23;
	v14 =	vld.idx.msk [tilespmem:v50+s2+$0x0], $0xffff;
	[tilespmem:v15+s10+$0x0] =	vst.idx.msk $0xffff, v23  }
0x1e0: {  	s19 =	sadd.s32 $0x100, s19;
	s0 =	sadd.s32 $0x10, s0;
	[tilespmem:v53+s10+$0x0] =	vst.idx.msk $0xffff, v51;
	v15 =	vmov s22;
	v10 =	vshll.u32 v10, $0x7;
	v54 =	vld.idx.msk [tilespmem:v29+s2+$0x0], $0xffff  }
0x1e1: {  	s19 =	sadd.s32 $0x20, s19;
	s24 =	simm.s32 $0x80;
	s0 =	sor.u32 $0x100, s0;
	v15 =	vshll.u32 v15, $0x7;
	v10 =	vor.u32 v52, v10;
	[tilespmem:v24+s10+$0x0] =	vst.idx.msk $0xffff, v30;
	v55 =	vld.idx.msk [tilespmem:v25+s2+$0x0], $0xffff  }
0x1e2: {  	s19 =	sor.u32 $0x100, s19;
	v56 =	vmov s24;
	v23 =	vor.u32 v52, v15;
	v19 =	vld [tilespmem:s0+$0x10300];
	[tilespmem:v26+s10+$0x0] =	vst.idx.msk $0xffff, v9  }
0x1e3: {  	s20 =	sadd.s32 $0x100, s3;
	v9 =	vshll.u32 v56, $0x7;
	v18 =	vld [tilespmem:s19+$0x10300]  }
0x1e4: {  	s20 =	sor.u32 $0x100, s20;
	[tilespmem:v11+s10+$0x0] =	vst.idx.msk $0xffff, v27;
	v9 =	vor.u32 v52, v9;
	v11 =	vld.idx.msk [tilespmem:v43+s9+$0x0], $0xffff  }
0x1e5: {  	v26 =	vor.u32 $0x1, v43;
	v15 =	vld [tilespmem:s20+$0x10300]  }
0x1e6: {  	v25 =	vld.idx.msk [tilespmem:v10+s9+$0x0], $0xffff  }
0x1e7: {  	v28 =	vld.idx.msk [tilespmem:v23+s9+$0x0], $0xffff  }
0x1e8: {  	v30 =	vor.u32 $0x1, v10;
	v27 =	vor.u32 $0x1B, v16;
	v24 =	vld.idx.msk [tilespmem:v20+s2+$0x0], $0xffff  }
0x1e9: {  	v31 =	vld.idx.msk [tilespmem:v9+s9+$0x0], $0xffff;
	[tilespmem:v43+s10+$0x0] =	vst.idx.msk $0xffff, v11  }
0x1ea: {  	v29 =	vadd.s32 $0x1, v20;
	v36 =	vld.idx.msk [tilespmem:v26+s9+$0x0], $0xffff  }
0x1eb: {  	v57 =	vor.u32 $0x1, v23;
	v11 =	vor.u32 $0x2D, v3;
	v58 =	vld.idx.msk [tilespmem:v19+s2+$0x0], $0xffff;
	[tilespmem:v10+s10+$0x0] =	vst.idx.msk $0xffff, v25  }
0x1ec: {  	v34 =	vor.u32 $0x1, v9;
	v35 =	vld.idx.msk [tilespmem:v18+s2+$0x0], $0xffff;
	[tilespmem:v23+s10+$0x0] =	vst.idx.msk $0xffff, v28  }
0x1ed: {  	v50 =	vor.u32 $0x1B, v6;
	v28 =	vor.u32 $0x2, v43;
	[tilespmem:v27+s10+$0x0] =	vst.idx.msk $0xffff, v24;
	v27 =	vld.idx.msk [tilespmem:v30+s9+$0x0], $0xffff  }
0x1ee: {  	v24 =	vadd.s32 $0x7, v7;
	v42 =	vld.idx.msk [tilespmem:v15+s2+$0x0], $0xffff  }
0x1ef: {  	v38 =	vor.u32 $0x2, v10;
	v25 =	vld.idx.msk [tilespmem:v29+s2+$0x0], $0xffff;
	v29 =	vor.u32 $0x1C, v16;
	[tilespmem:v9+s10+$0x0] =	vst.idx.msk $0xffff, v31  }
0x1f0: {  	v37 =	vadd.s32 $0x2, v20;
	v31 =	vld.idx.msk [tilespmem:v57+s9+$0x0], $0xffff;
	[tilespmem:v11+s10+$0x0] =	vst.idx.msk $0xffff, v14  }
0x1f1: {  	v40 =	vor.u32 $0x2, v23;
	v11 =	vor.u32 $0x2E, v5;
	v39 =	vld.idx.msk [tilespmem:v34+s9+$0x0], $0xffff;
	[tilespmem:v26+s10+$0x0] =	vst.idx.msk $0xffff, v36  }
0x1f2: {  	v59 =	vadd.s32 $0x8, v12;
	[tilespmem:v50+s10+$0x0] =	vst.idx.msk $0xffff, v58;
	v1 =	vld.idx.msk [tilespmem:v28+s9+$0x0], $0xffff  }
0x1f3: {  	v14 =	vor.u32 $0x2, v9;
	v24 =	vld.idx.msk [tilespmem:v24+s2+$0x0], $0xffff;
	[tilespmem:v30+s10+$0x0] =	vst.idx.msk $0xffff, v27  }
0x1f4: {  	v26 =	vor.u32 $0x2E, v4;
	v30 =	vor.u32 $0x3, v43;
	[tilespmem:v29+s10+$0x0] =	vst.idx.msk $0xffff, v25;
	v29 =	vld.idx.msk [tilespmem:v38+s9+$0x0], $0xffff  }
0x1f5: {  	v25 =	vadd.s32 $0x8, v0;
	[tilespmem:v57+s10+$0x0] =	vst.idx.msk $0xffff, v31;
	v27 =	vld.idx.msk [tilespmem:v37+s2+$0x0], $0xffff  }
0x1f6: {  	v61 =	vor.u32 $0x3, v10;
	v31 =	vor.u32 $0x1D, v16;
	[tilespmem:v11+s10+$0x0] =	vst.idx.msk $0xffff, v54;
	v32 =	vld.idx.msk [tilespmem:v40+s9+$0x0], $0xffff  }
0x1f7: {  	v60 =	vadd.s32 $0x3, v20;
	[tilespmem:v34+s10+$0x0] =	vst.idx.msk $0xffff, v39;
	v44 =	vld.idx.msk [tilespmem:v59+s2+$0x0], $0xffff  }
0x1f8: {  	v63 =	vor.u32 $0x3, v23;
	v62 =	vld.idx.msk [tilespmem:v14+s9+$0x0], $0xffff;
	[tilespmem:v28+s10+$0x0] =	vst.idx.msk $0xffff, v1  }
0x1f9: {  	v45 =	vor.u32 $0x3, v9;
	[tilespmem:v26+s10+$0x0] =	vst.idx.msk $0xffff, v55;
	v26 =	vor.u32 $0x2E, v3;
	v1 =	vld.idx.msk [tilespmem:v30+s9+$0x0], $0xffff  }
0x1fa: {  	v28 =	vadd.s32 $0x8, v7;
	v11 =	vld.idx.msk [tilespmem:v25+s2+$0x0], $0xffff;
	v25 =	vor.u32 $0x2F, v5;
	[tilespmem:v38+s10+$0x0] =	vst.idx.msk $0xffff, v29  }
0x1fb: {  	v12 =	vadd.s32 $0x9, v12;
	[tilespmem:v31+s10+$0x0] =	vst.idx.msk $0xffff, v27;
	v29 =	vld.idx.msk [tilespmem:v61+s9+$0x0], $0xffff  }
0x1fc: {  	[tilespmem:v40+s10+$0x0] =	vst.idx.msk $0xffff, v32;
	v31 =	vor.u32 $0x4, v43;
	v27 =	vld.idx.msk [tilespmem:v60+s2+$0x0], $0xffff  }
0x1fd: {  	v46 =	vor.u32 $0x1E, v16;
	v49 =	vor.u32 $0x4, v10;
	[tilespmem:v14+s10+$0x0] =	vst.idx.msk $0xffff, v62;
	v47 =	vld.idx.msk [tilespmem:v63+s9+$0x0], $0xffff  }
0x1fe: {  	v48 =	vadd.s32 $0x4, v20;
	[tilespmem:v26+s10+$0x0] =	vst.idx.msk $0xffff, v24;
	v24 =	vld.idx.msk [tilespmem:v45+s9+$0x0], $0xffff  }
0x1ff: {  	v26 =	vor.u32 $0x4, v23;
	v14 =	vld.idx.msk [tilespmem:v28+s2+$0x0], $0xffff;
	[tilespmem:v25+s10+$0x0] =	vst.idx.msk $0xffff, v44  }
0x200: {  	v51 =	vadd.s32 $0x1, v19;
	v28 =	vor.u32 $0x1B, v13;
	[tilespmem:v30+s10+$0x0] =	vst.idx.msk $0xffff, v1;
	v12 =	vld.idx.msk [tilespmem:v12+s2+$0x0], $0xffff  }
0x201: {  	v25 =	vor.u32 $0x4, v9;
	v30 =	vld.idx.msk [tilespmem:v31+s9+$0x0], $0xffff;
	[tilespmem:v61+s10+$0x0] =	vst.idx.msk $0xffff, v29  }
0x202: {  	[tilespmem:v46+s10+$0x0] =	vst.idx.msk $0xffff, v27;
	v27 =	vadd.s32 $0x1, v18;
	v53 =	vld.idx.msk [tilespmem:v49+s9+$0x0], $0xffff  }
0x203: {  	v54 =	vor.u32 $0x5, v43;
	[tilespmem:v63+s10+$0x0] =	vst.idx.msk $0xffff, v47;
	v29 =	vld.idx.msk [tilespmem:v48+s2+$0x0], $0xffff  }
0x204: {  	v57 =	vor.u32 $0x5, v10;
	v55 =	vor.u32 $0x1F, v16;
	[tilespmem:v45+s10+$0x0] =	vst.idx.msk $0xffff, v24;
	v24 =	vld.idx.msk [tilespmem:v26+s9+$0x0], $0xffff  }
0x205: {  	v56 =	vadd.s32 $0x5, v20;
	[tilespmem:v28+s10+$0x0] =	vst.idx.msk $0xffff, v35;
	v28 =	vld.idx.msk [tilespmem:v51+s2+$0x0], $0xffff  }
0x206: {  	v59 =	vor.u32 $0x5, v23;
	v58 =	vld.idx.msk [tilespmem:v25+s9+$0x0], $0xffff  }
0x207: {  	v60 =	vor.u32 $0x1B, v17;
	v61 =	vor.u32 $0x5, v9;
	[tilespmem:v31+s10+$0x0] =	vst.idx.msk $0xffff, v30;
	v27 =	vld.idx.msk [tilespmem:v27+s2+$0x0], $0xffff  }
0x208: {  	v30 =	vor.u32 $0x1C, v6;
	v31 =	vadd.s32 $0x1, v15;
	v62 =	vld.idx.msk [tilespmem:v54+s9+$0x0], $0xffff;
	[tilespmem:v49+s10+$0x0] =	vst.idx.msk $0xffff, v53  }
0x209: {  	[tilespmem:v55+s10+$0x0] =	vst.idx.msk $0xffff, v29;
	v29 =	vadd.s32 $0x2, v19;
	v44 =	vld.idx.msk [tilespmem:v57+s9+$0x0], $0xffff  }
0x20a: {  	[tilespmem:v26+s10+$0x0] =	vst.idx.msk $0xffff, v24;
	v24 =	vor.u32 $0x6, v43;
	v63 =	vld.idx.msk [tilespmem:v56+s2+$0x0], $0xffff  }
0x20b: {  	v46 =	vor.u32 $0x6, v10;
	v26 =	vor.u32 $0x20, v16;
	v45 =	vld.idx.msk [tilespmem:v59+s9+$0x0], $0xffff;
	[tilespmem:v25+s10+$0x0] =	vst.idx.msk $0xffff, v58  }
0x20c: {  	[tilespmem:v60+s10+$0x0] =	vst.idx.msk $0xffff, v42;
	v25 =	vadd.s32 $0x6, v20;
	v47 =	vld.idx.msk [tilespmem:v61+s9+$0x0], $0xffff  }
0x20d: {  	v48 =	vor.u32 $0x6, v23;
	[tilespmem:v30+s10+$0x0] =	vst.idx.msk $0xffff, v28;
	v28 =	vld.idx.msk [tilespmem:v31+s2+$0x0], $0xffff  }
0x20e: {  	v30 =	vor.u32 $0x1C, v13;
	v31 =	vor.u32 $0x6, v9;
	[tilespmem:v54+s10+$0x0] =	vst.idx.msk $0xffff, v62;
	v49 =	vld.idx.msk [tilespmem:v29+s2+$0x0], $0xffff  }
0x20f: {  	v50 =	vadd.s32 $0x2, v18;
	v29 =	vor.u32 $0x1C, v17;
	v1 =	vld.idx.msk [tilespmem:v24+s9+$0x0], $0xffff;
	[tilespmem:v57+s10+$0x0] =	vst.idx.msk $0xffff, v44  }
0x210: {  	[tilespmem:v26+s10+$0x0] =	vst.idx.msk $0xffff, v63;
	v26 =	vadd.s32 $0x2, v15;
	v51 =	vld.idx.msk [tilespmem:v46+s9+$0x0], $0xffff  }
0x211: {  	v53 =	vor.u32 $0x7, v43;
	[tilespmem:v59+s10+$0x0] =	vst.idx.msk $0xffff, v45;
	v25 =	vld.idx.msk [tilespmem:v25+s2+$0x0], $0xffff  }
0x212: {  	v54 =	vor.u32 $0x21, v16;
	v57 =	vor.u32 $0x7, v10;
	v55 =	vld.idx.msk [tilespmem:v48+s9+$0x0], $0xffff;
	[tilespmem:v61+s10+$0x0] =	vst.idx.msk $0xffff, v47  }
0x213: {  	v56 =	vadd.s32 $0x7, v20;
	[tilespmem:v30+s10+$0x0] =	vst.idx.msk $0xffff, v27;
	v27 =	vld.idx.msk [tilespmem:v31+s9+$0x0], $0xffff  }
0x214: {  	v30 =	vor.u32 $0x7, v23;
	[tilespmem:v29+s10+$0x0] =	vst.idx.msk $0xffff, v28;
	v28 =	vld.idx.msk [tilespmem:v50+s2+$0x0], $0xffff  }
0x215: {  	v58 =	vor.u32 $0x7, v9;
	v29 =	vor.u32 $0x1D, v6;
	[tilespmem:v24+s10+$0x0] =	vst.idx.msk $0xffff, v1;
	v24 =	vld.idx.msk [tilespmem:v26+s2+$0x0], $0xffff  }
0x216: {  	v59 =	vadd.s32 $0x3, v19;
	v26 =	vor.u32 $0x1D, v13;
	v1 =	vld.idx.msk [tilespmem:v53+s9+$0x0], $0xffff;
	[tilespmem:v46+s10+$0x0] =	vst.idx.msk $0xffff, v51  }
0x217: {  	[tilespmem:v54+s10+$0x0] =	vst.idx.msk $0xffff, v25;
	v25 =	vadd.s32 $0x3, v18;
	v61 =	vld.idx.msk [tilespmem:v57+s9+$0x0], $0xffff  }
0x218: {  	v62 =	vor.u32 $0x8, v43;
	[tilespmem:v48+s10+$0x0] =	vst.idx.msk $0xffff, v55;
	v60 =	vld.idx.msk [tilespmem:v56+s2+$0x0], $0xffff  }
0x219: {  	v44 =	vor.u32 $0x8, v10;
	v63 =	vor.u32 $0x22, v16;
	[tilespmem:v31+s10+$0x0] =	vst.idx.msk $0xffff, v27;
	v27 =	vld.idx.msk [tilespmem:v30+s9+$0x0], $0xffff  }
0x21a: {  	v31 =	vadd.s32 $0x8, v20;
	[tilespmem:v29+s10+$0x0] =	vst.idx.msk $0xffff, v49;
	v45 =	vld.idx.msk [tilespmem:v58+s9+$0x0], $0xffff  }
0x21b: {  	v29 =	vor.u32 $0x8, v23;
	[tilespmem:v26+s10+$0x0] =	vst.idx.msk $0xffff, v28;
	v26 =	vld.idx.msk [tilespmem:v59+s2+$0x0], $0xffff  }
0x21c: {  	v46 =	vor.u32 $0x8, v9;
	v28 =	vor.u32 $0x1D, v17;
	[tilespmem:v53+s10+$0x0] =	vst.idx.msk $0xffff, v1;
	v47 =	vld.idx.msk [tilespmem:v25+s2+$0x0], $0xffff  }
0x21d: {  	v48 =	vadd.s32 $0x3, v15;
	v25 =	vor.u32 $0x1E, v6;
	v1 =	vld.idx.msk [tilespmem:v62+s9+$0x0], $0xffff;
	[tilespmem:v57+s10+$0x0] =	vst.idx.msk $0xffff, v61  }
0x21e: {  	v49 =	vadd.s32 $0x4, v19;
	[tilespmem:v63+s10+$0x0] =	vst.idx.msk $0xffff, v60;
	v33 =	vld.idx.msk [tilespmem:v44+s9+$0x0], $0xffff  }
0x21f: {  	v31 =	vld.idx.msk [tilespmem:v31+s2+$0x0], $0xffff;
	[tilespmem:v30+s10+$0x0] =	vst.idx.msk $0xffff, v27;
	v27 =	vor.u32 $0x9, v43  }
0x220: {  	v53 =	vor.u32 $0x9, v10;
	v30 =	vor.u32 $0x23, v16;
	[tilespmem:v58+s10+$0x0] =	vst.idx.msk $0xffff, v45;
	v50 =	vld.idx.msk [tilespmem:v29+s9+$0x0], $0xffff  }
0x221: {  	v51 =	vadd.s32 $0x9, v20;
	[tilespmem:v28+s10+$0x0] =	vst.idx.msk $0xffff, v24;
	v24 =	vld.idx.msk [tilespmem:v46+s9+$0x0], $0xffff  }
0x222: {  	v28 =	vor.u32 $0x9, v23;
	[tilespmem:v25+s10+$0x0] =	vst.idx.msk $0xffff, v26;
	v25 =	vld.idx.msk [tilespmem:v48+s2+$0x0], $0xffff  }
0x223: {  	v54 =	vor.u32 $0x9, v9;
	v26 =	vor.u32 $0x1E, v13;
	[tilespmem:v62+s10+$0x0] =	vst.idx.msk $0xffff, v1;
	v32 =	vld.idx.msk [tilespmem:v49+s2+$0x0], $0xffff  }
0x224: {  	v55 =	vor.u32 $0x1E, v17;
	v56 =	vadd.s32 $0x4, v18;
	[tilespmem:v44+s10+$0x0] =	vst.idx.msk $0xffff, v33;
	v1 =	vld.idx.msk [tilespmem:v27+s9+$0x0], $0xffff  }
0x225: {  	[tilespmem:v30+s10+$0x0] =	vst.idx.msk $0xffff, v31;
	v30 =	vadd.s32 $0x4, v15;
	v33 =	vld.idx.msk [tilespmem:v53+s9+$0x0], $0xffff  }
0x226: {  	v57 =	vor.u32 $0xA, v43;
	v31 =	vld.idx.msk [tilespmem:v51+s2+$0x0], $0xffff;
	[tilespmem:v29+s10+$0x0] =	vst.idx.msk $0xffff, v50  }
0x227: {  	v59 =	vor.u32 $0xA, v10;
	v29 =	vor.u32 $0x24, v16;
	[tilespmem:v46+s10+$0x0] =	vst.idx.msk $0xffff, v24;
	v24 =	vld.idx.msk [tilespmem:v28+s9+$0x0], $0xffff  }
0x228: {  	v58 =	vadd.s32 $0xA, v20;
	[tilespmem:v26+s10+$0x0] =	vst.idx.msk $0xffff, v47;
	v60 =	vld.idx.msk [tilespmem:v54+s9+$0x0], $0xffff  }
0x229: {  	v26 =	vor.u32 $0xA, v23;
	[tilespmem:v55+s10+$0x0] =	vst.idx.msk $0xffff, v25;
	v25 =	vld.idx.msk [tilespmem:v56+s2+$0x0], $0xffff  }
0x22a: {  	v61 =	vor.u32 $0x1F, v6;
	v62 =	vor.u32 $0xA, v9;
	[tilespmem:v27+s10+$0x0] =	vst.idx.msk $0xffff, v1;
	v27 =	vld.idx.msk [tilespmem:v30+s2+$0x0], $0xffff  }
0x22b: {  	v63 =	vadd.s32 $0x5, v19;
	v30 =	vor.u32 $0x1F, v13;
	[tilespmem:v53+s10+$0x0] =	vst.idx.msk $0xffff, v33;
	v1 =	vld.idx.msk [tilespmem:v57+s9+$0x0], $0xffff  }
0x22c: {  	[tilespmem:v29+s10+$0x0] =	vst.idx.msk $0xffff, v31;
	v29 =	vadd.s32 $0x5, v18;
	v33 =	vld.idx.msk [tilespmem:v59+s9+$0x0], $0xffff  }
0x22d: {  	v31 =	vld.idx.msk [tilespmem:v58+s2+$0x0], $0xffff;
	[tilespmem:v28+s10+$0x0] =	vst.idx.msk $0xffff, v24;
	v24 =	vor.u32 $0xB, v43  }
0x22e: {  	v45 =	vor.u32 $0xB, v10;
	v28 =	vor.u32 $0x25, v16;
	[tilespmem:v54+s10+$0x0] =	vst.idx.msk $0xffff, v60;
	v44 =	vld.idx.msk [tilespmem:v26+s9+$0x0], $0xffff  }
0x22f: {  	v20 =	vadd.s32 $0xB, v20;
	[tilespmem:v61+s10+$0x0] =	vst.idx.msk $0xffff, v32;
	v46 =	vld.idx.msk [tilespmem:v62+s9+$0x0], $0xffff  }
0x230: {  	v47 =	vor.u32 $0xB, v23;
	[tilespmem:v30+s10+$0x0] =	vst.idx.msk $0xffff, v25;
	v25 =	vld.idx.msk [tilespmem:v63+s2+$0x0], $0xffff  }
0x231: {  	v48 =	vor.u32 $0xB, v9;
	v30 =	vor.u32 $0x1F, v17;
	[tilespmem:v57+s10+$0x0] =	vst.idx.msk $0xffff, v1;
	v49 =	vld.idx.msk [tilespmem:v29+s2+$0x0], $0xffff  }
0x232: {  	v50 =	vadd.s32 $0x5, v15;
	v29 =	vor.u32 $0x20, v6;
	[tilespmem:v59+s10+$0x0] =	vst.idx.msk $0xffff, v33;
	v51 =	vld.idx.msk [tilespmem:v24+s9+$0x0], $0xffff  }
0x233: {  	[tilespmem:v28+s10+$0x0] =	vst.idx.msk $0xffff, v31;
	v28 =	vadd.s32 $0x6, v19;
	v31 =	vld.idx.msk [tilespmem:v45+s9+$0x0], $0xffff  }
0x234: {  	v53 =	vor.u32 $0xC, v43;
	v20 =	vld.idx.msk [tilespmem:v20+s2+$0x0], $0xffff;
	[tilespmem:v26+s10+$0x0] =	vst.idx.msk $0xffff, v44  }
0x235: {  	v55 =	vor.u32 $0xC, v10;
	v26 =	vor.u32 $0x26, v16;
	[tilespmem:v62+s10+$0x0] =	vst.idx.msk $0xffff, v46;
	v54 =	vld.idx.msk [tilespmem:v47+s9+$0x0], $0xffff  }
0x236: {  	[tilespmem:v30+s10+$0x0] =	vst.idx.msk $0xffff, v27;
	v27 =	vld.idx.msk [tilespmem:v48+s9+$0x0], $0xffff  }
0x237: {  	v30 =	vor.u32 $0xC, v23;
	[tilespmem:v29+s10+$0x0] =	vst.idx.msk $0xffff, v25;
	v25 =	vld.idx.msk [tilespmem:v50+s2+$0x0], $0xffff  }
0x238: {  	v56 =	vor.u32 $0xC, v9;
	v29 =	vor.u32 $0x20, v13;
	[tilespmem:v24+s10+$0x0] =	vst.idx.msk $0xffff, v51;
	v24 =	vld.idx.msk [tilespmem:v28+s2+$0x0], $0xffff  }
0x239: {  	s25 =	sor.u32 s15, s21;
	v57 =	vadd.s32 $0x6, v18;
	v28 =	vor.u32 $0x20, v17;
	[tilespmem:v45+s10+$0x0] =	vst.idx.msk $0xffff, v31;
	v58 =	vld.idx.msk [tilespmem:v53+s9+$0x0], $0xffff  }
0x23a: {  	s0 =	sor.u32 $0x180, s25;
	v31 =	vor.u32 $0x21, v6;
	[tilespmem:v26+s10+$0x0] =	vst.idx.msk $0xffff, v20;
	v26 =	vadd.s32 $0x6, v15;
	v35 =	vld.idx.msk [tilespmem:v55+s9+$0x0], $0xffff  }
0x23b: {  	v60 =	vadd.s32 $0x7, v19;
	v20 =	vld [tilespmem:s0+$0x10300];
	[tilespmem:v47+s10+$0x0] =	vst.idx.msk $0xffff, v54  }
0x23c: {  	v59 =	vor.u32 $0xD, v43;
	[tilespmem:v48+s10+$0x0] =	vst.idx.msk $0xffff, v27;
	v27 =	vld.idx.msk [tilespmem:v30+s9+$0x0], $0xffff  }
0x23d: {  	[tilespmem:v29+s10+$0x0] =	vst.idx.msk $0xffff, v49;
	v61 =	vld.idx.msk [tilespmem:v56+s9+$0x0], $0xffff;
	v29 =	vor.u32 $0xD, v10  }
0x23e: {  	[tilespmem:v28+s10+$0x0] =	vst.idx.msk $0xffff, v25;
	v25 =	vld.idx.msk [tilespmem:v57+s2+$0x0], $0xffff  }
0x23f: {  	v28 =	vor.u32 $0xD, v23;
	[tilespmem:v31+s10+$0x0] =	vst.idx.msk $0xffff, v24;
	v62 =	vld.idx.msk [tilespmem:v26+s2+$0x0], $0xffff;
	v26 =	vor.u32 $0x21, v13  }
0x240: {  	v63 =	vor.u32 $0xD, v9;
	v44 =	vor.u32 $0x21, v17;
	[tilespmem:v53+s10+$0x0] =	vst.idx.msk $0xffff, v58;
	v34 =	vld.idx.msk [tilespmem:v60+s2+$0x0], $0xffff  }
0x241: {  	v31 =	vadd.s32 $0x7, v18;
	[tilespmem:v55+s10+$0x0] =	vst.idx.msk $0xffff, v35;
	v24 =	vld.idx.msk [tilespmem:v59+s9+$0x0], $0xffff  }
0x242: {  	v47 =	vadd.s32 $0x7, v15;
	[tilespmem:v30+s10+$0x0] =	vst.idx.msk $0xffff, v27;
	v27 =	vld.idx.msk [tilespmem:v29+s9+$0x0], $0xffff  }
0x243: {  	v45 =	vor.u32 $0xE, v43;
	[tilespmem:v56+s10+$0x0] =	vst.idx.msk $0xffff, v61;
	v46 =	vld.idx.msk [tilespmem:v20+s2+$0x0], $0xffff  }
0x244: {  	v50 =	vor.u32 $0xE, v10;
	v30 =	vor.u32 $0x27, v16;
	v48 =	vld.idx.msk [tilespmem:v28+s9+$0x0], $0xffff;
	[tilespmem:v26+s10+$0x0] =	vst.idx.msk $0xffff, v25  }
0x245: {  	v49 =	vadd.s32 $0x1, v20;
	v25 =	vld.idx.msk [tilespmem:v63+s9+$0x0], $0xffff;
	[tilespmem:v44+s10+$0x0] =	vst.idx.msk $0xffff, v62  }
0x246: {  	v26 =	vor.u32 $0xE, v23;
	[tilespmem:v59+s10+$0x0] =	vst.idx.msk $0xffff, v24;
	v24 =	vld.idx.msk [tilespmem:v31+s2+$0x0], $0xffff  }
0x247: {  	v51 =	vor.u32 $0xE, v9;
	v31 =	vor.u32 $0x22, v6;
	v39 =	vld.idx.msk [tilespmem:v47+s2+$0x0], $0xffff  }
0x248: {  	v54 =	vadd.s32 $0x8, v19;
	v53 =	vld.idx.msk [tilespmem:v45+s9+$0x0], $0xffff;
	[tilespmem:v29+s10+$0x0] =	vst.idx.msk $0xffff, v27  }
0x249: {  	v27 =	vor.u32 $0xF, v43;
	[tilespmem:v30+s10+$0x0] =	vst.idx.msk $0xffff, v46;
	v30 =	vor.u32 $0x22, v13;
	v56 =	vld.idx.msk [tilespmem:v50+s9+$0x0], $0xffff  }
0x24a: {  	v55 =	vadd.s32 $0x8, v18;
	[tilespmem:v28+s10+$0x0] =	vst.idx.msk $0xffff, v48;
	v29 =	vld.idx.msk [tilespmem:v49+s2+$0x0], $0xffff  }
0x24b: {  	v57 =	vor.u32 $0x28, v16;
	v58 =	vor.u32 $0xF, v10;
	[tilespmem:v63+s10+$0x0] =	vst.idx.msk $0xffff, v25;
	v25 =	vld.idx.msk [tilespmem:v26+s9+$0x0], $0xffff  }
0x24c: {  	v28 =	vadd.s32 $0x2, v20;
	[tilespmem:v31+s10+$0x0] =	vst.idx.msk $0xffff, v34;
	v31 =	vld.idx.msk [tilespmem:v51+s9+$0x0], $0xffff  }
0x24d: {  	v59 =	vor.u32 $0xF, v23;
	[tilespmem:v45+s10+$0x0] =	vst.idx.msk $0xffff, v53;
	v60 =	vld.idx.msk [tilespmem:v54+s2+$0x0], $0xffff  }
0x24e: {  	v62 =	vor.u32 $0xF, v9;
	v63 =	vor.u32 $0x23, v6;
	[tilespmem:v30+s10+$0x0] =	vst.idx.msk $0xffff, v24;
	v24 =	vld.idx.msk [tilespmem:v27+s9+$0x0], $0xffff  }
0x24f: {  	v61 =	vor.u32 $0x22, v17;
	v44 =	vadd.s32 $0x9, v19;
	[tilespmem:v50+s10+$0x0] =	vst.idx.msk $0xffff, v56;
	v35 =	vld.idx.msk [tilespmem:v55+s2+$0x0], $0xffff  }
0x250: {  	v30 =	vadd.s32 $0x8, v15;
	[tilespmem:v57+s10+$0x0] =	vst.idx.msk $0xffff, v29;
	v40 =	vld.idx.msk [tilespmem:v58+s9+$0x0], $0xffff  }
0x251: {  	v29 =	vor.u32 $0x10, v43;
	[tilespmem:v26+s10+$0x0] =	vst.idx.msk $0xffff, v25;
	v28 =	vld.idx.msk [tilespmem:v28+s2+$0x0], $0xffff  }
0x252: {  	v45 =	vor.u32 $0x10, v10;
	v25 =	vor.u32 $0x29, v16;
	[tilespmem:v51+s10+$0x0] =	vst.idx.msk $0xffff, v31;
	v26 =	vld.idx.msk [tilespmem:v59+s9+$0x0], $0xffff  }
0x253: {  	v31 =	vadd.s32 $0x3, v20;
	v46 =	vld.idx.msk [tilespmem:v62+s9+$0x0], $0xffff;
	[tilespmem:v63+s10+$0x0] =	vst.idx.msk $0xffff, v60  }
0x254: {  	v47 =	vor.u32 $0x10, v23;
	[tilespmem:v61+s10+$0x0] =	vst.idx.msk $0xffff, v39;
	v36 =	vld.idx.msk [tilespmem:v44+s2+$0x0], $0xffff  }
0x255: {  	[tilespmem:v27+s10+$0x0] =	vst.idx.msk $0xffff, v24;
	v24 =	vld.idx.msk [tilespmem:v30+s2+$0x0], $0xffff;
	v27 =	vor.u32 $0x23, v13;
	v30 =	vor.u32 $0x10, v9  }
0x256: {  	v49 =	vadd.s32 $0x9, v18;
	v48 =	vld.idx.msk [tilespmem:v29+s9+$0x0], $0xffff;
	[tilespmem:v58+s10+$0x0] =	vst.idx.msk $0xffff, v40  }
0x257: {  	[tilespmem:v25+s10+$0x0] =	vst.idx.msk $0xffff, v28;
	v25 =	vor.u32 $0x23, v17;
	v28 =	vor.u32 $0x11, v43;
	v40 =	vld.idx.msk [tilespmem:v45+s9+$0x0], $0xffff  }
0x258: {  	v50 =	vadd.s32 $0x9, v15;
	[tilespmem:v59+s10+$0x0] =	vst.idx.msk $0xffff, v26;
	v31 =	vld.idx.msk [tilespmem:v31+s2+$0x0], $0xffff  }
0x259: {  	v54 =	vor.u32 $0x11, v10;
	v26 =	vor.u32 $0x2A, v16;
	[tilespmem:v62+s10+$0x0] =	vst.idx.msk $0xffff, v46;
	v51 =	vld.idx.msk [tilespmem:v47+s9+$0x0], $0xffff  }
0x25a: {  	v53 =	vadd.s32 $0x4, v20;
	[tilespmem:v27+s10+$0x0] =	vst.idx.msk $0xffff, v35;
	v27 =	vld.idx.msk [tilespmem:v30+s9+$0x0], $0xffff  }
0x25b: {  	v55 =	vor.u32 $0x11, v23;
	[tilespmem:v29+s10+$0x0] =	vst.idx.msk $0xffff, v48;
	v56 =	vld.idx.msk [tilespmem:v49+s2+$0x0], $0xffff  }
0x25c: {  	v57 =	vor.u32 $0x24, v6;
	v29 =	vor.u32 $0x11, v9;
	[tilespmem:v25+s10+$0x0] =	vst.idx.msk $0xffff, v24;
	v24 =	vld.idx.msk [tilespmem:v28+s9+$0x0], $0xffff  }
0x25d: {  	v25 =	vadd.s32 $0xA, v19;
	[tilespmem:v45+s10+$0x0] =	vst.idx.msk $0xffff, v40;
	v37 =	vld.idx.msk [tilespmem:v50+s2+$0x0], $0xffff  }
0x25e: {  	[tilespmem:v26+s10+$0x0] =	vst.idx.msk $0xffff, v31;
	v26 =	vor.u32 $0x24, v13;
	v31 =	vor.u32 $0x12, v43;
	v40 =	vld.idx.msk [tilespmem:v54+s9+$0x0], $0xffff  }
0x25f: {  	v59 =	vadd.s32 $0xA, v18;
	[tilespmem:v47+s10+$0x0] =	vst.idx.msk $0xffff, v51;
	v58 =	vld.idx.msk [tilespmem:v53+s2+$0x0], $0xffff  }
0x260: {  	v61 =	vor.u32 $0x12, v10;
	v60 =	vor.u32 $0x2B, v16;
	[tilespmem:v30+s10+$0x0] =	vst.idx.msk $0xffff, v27;
	v27 =	vld.idx.msk [tilespmem:v55+s9+$0x0], $0xffff  }
0x261: {  	[tilespmem:v57+s10+$0x0] =	vst.idx.msk $0xffff, v36;
	v30 =	vadd.s32 $0x5, v20;
	v62 =	vld.idx.msk [tilespmem:v29+s9+$0x0], $0xffff  }
0x262: {  	v63 =	vor.u32 $0x12, v23;
	[tilespmem:v28+s10+$0x0] =	vst.idx.msk $0xffff, v24;
	v24 =	vld.idx.msk [tilespmem:v25+s2+$0x0], $0xffff  }
0x263: {  	v25 =	vor.u32 $0x24, v17;
	v28 =	vor.u32 $0x12, v9;
	[tilespmem:v26+s10+$0x0] =	vst.idx.msk $0xffff, v56;
	v41 =	vld.idx.msk [tilespmem:v31+s9+$0x0], $0xffff  }
0x264: {  	v42 =	vor.u32 $0x25, v6;
	v26 =	vadd.s32 $0xA, v15;
	[tilespmem:v54+s10+$0x0] =	vst.idx.msk $0xffff, v40;
	v34 =	vld.idx.msk [tilespmem:v59+s2+$0x0], $0xffff  }
0x265: {  	v19 =	vadd.s32 $0xB, v19;
	[tilespmem:v60+s10+$0x0] =	vst.idx.msk $0xffff, v58;
	v38 =	vld.idx.msk [tilespmem:v61+s9+$0x0], $0xffff  }
0x266: {  	v44 =	vor.u32 $0x13, v43;
	v30 =	vld.idx.msk [tilespmem:v30+s2+$0x0], $0xffff;
	[tilespmem:v55+s10+$0x0] =	vst.idx.msk $0xffff, v27  }
0x267: {  	v46 =	vor.u32 $0x13, v10;
	v27 =	vor.u32 $0x2C, v16;
	[tilespmem:v29+s10+$0x0] =	vst.idx.msk $0xffff, v62;
	v45 =	vld.idx.msk [tilespmem:v63+s9+$0x0], $0xffff  }
0x268: {  	v29 =	vadd.s32 $0x6, v20;
	[tilespmem:v25+s10+$0x0] =	vst.idx.msk $0xffff, v37;
	v25 =	vld.idx.msk [tilespmem:v28+s9+$0x0], $0xffff  }
0x269: {  	v47 =	vor.u32 $0x13, v23;
	[tilespmem:v42+s10+$0x0] =	vst.idx.msk $0xffff, v24;
	v48 =	vld.idx.msk [tilespmem:v26+s2+$0x0], $0xffff  }
0x26a: {  	[tilespmem:v31+s10+$0x0] =	vst.idx.msk $0xffff, v41;
	v26 =	vor.u32 $0x25, v13;
	v31 =	vor.u32 $0x13, v9;
	v19 =	vld.idx.msk [tilespmem:v19+s2+$0x0], $0xffff  }
0x26b: {  	v18 =	vadd.s32 $0xB, v18;
	v24 =	vld.idx.msk [tilespmem:v44+s9+$0x0], $0xffff;
	[tilespmem:v61+s10+$0x0] =	vst.idx.msk $0xffff, v38  }
0x26c: {  	[tilespmem:v27+s10+$0x0] =	vst.idx.msk $0xffff, v30;
	v27 =	vor.u32 $0x25, v17;
	v30 =	vld.idx.msk [tilespmem:v46+s9+$0x0], $0xffff  }
0x26d: {  	s15 =	simm.s32 $0x200;
	v15 =	vadd.s32 $0xB, v15;
	v29 =	vld.idx.msk [tilespmem:v29+s2+$0x0], $0xffff;
	[tilespmem:v63+s10+$0x0] =	vst.idx.msk $0xffff, v45  }
0x26e: {  	s26 =	sand.u32 $0x200, s15;
	v49 =	vor.u32 $0x2D, v16;
	[tilespmem:v28+s10+$0x0] =	vst.idx.msk $0xffff, v25;
	v25 =	vld.idx.msk [tilespmem:v47+s9+$0x0], $0xffff  }
0x26f: {  	s28 =	sand.u32 $0x70, s14;
	s0 =	sadd.s32 $0x10300, s26;
	v28 =	vadd.s32 $0x7, v20;
	[tilespmem:v26+s10+$0x0] =	vst.idx.msk $0xffff, v34;
	v26 =	vld.idx.msk [tilespmem:v31+s9+$0x0], $0xffff  }
0x270: {  	s25 =	sor.u32 s28, s0;
	[tilespmem:v44+s10+$0x0] =	vst.idx.msk $0xffff, v24;
	v18 =	vld.idx.msk [tilespmem:v18+s2+$0x0], $0xffff  }
0x271: {  	s29 =	sand.u32 $0x50, s23;
	v24 =	vor.u32 $0x26, v6;
	[tilespmem:v27+s10+$0x0] =	vst.idx.msk $0xffff, v48;
	v50 =	vld [tilespmem:s25+$0x0]  }
0x272: {  	s19 =	sor.u32 s29, s0;
	v27 =	vor.u32 $0x26, v13;
	[tilespmem:v46+s10+$0x0] =	vst.idx.msk $0xffff, v30;
	v15 =	vld.idx.msk [tilespmem:v15+s2+$0x0], $0xffff  }
0x273: {  	s3 =	sand.u32 $0x60, s22;
	v32 =	vor.u32 $0x30, v4;
	v34 =	vor.u32 $0x2F, v4;
	v4 =	vor.u32 $0x26, v17;
	[tilespmem:v49+s10+$0x0] =	vst.idx.msk $0xffff, v29;
	v55 =	vld [tilespmem:s19+$0x0]  }
0x274: {  	s26 =	sand.u32 $0x40, s24;
	s20 =	sor.u32 s3, s0;
	v22 =	vld.idx.msk [tilespmem:v28+s2+$0x0], $0xffff;
	[tilespmem:v47+s10+$0x0] =	vst.idx.msk $0xffff, v25  }
0x275: {  	s28 =	sor.u32 s18, s21;
	s26 =	sor.u32 s26, s0;
	v25 =	vor.u32 $0x2E, v16;
	[tilespmem:v31+s10+$0x0] =	vst.idx.msk $0xffff, v26;
	v37 =	vld [tilespmem:s20+$0x0]  }
0x276: {  	s29 =	sor.u32 s17, s21;
	s3 =	sor.u32 $0x180, s28;
	v56 =	vadd.s32 $0x8, v20;
	[tilespmem:v24+s10+$0x0] =	vst.idx.msk $0xffff, v19;
	v1 =	vld [tilespmem:s26+$0x0]  }
0x277: {  	s17 =	sor.u32 s16, s21;
	s0 =	sor.u32 $0x180, s29;
	v35 =	vor.u32 $0x30, v5;
	[tilespmem:v27+s10+$0x0] =	vst.idx.msk $0xffff, v18;
	v5 =	vld [tilespmem:s3+$0x10300]  }
0x278: {  	v33 =	vor.u32 $0x2F, v3;
	v53 =	vor.u32 $0x30, v3;
	v3 =	vld [tilespmem:s0+$0x10300];
	s0 =	sor.u32 $0x180, s17;
	[tilespmem:v4+s10+$0x0] =	vst.idx.msk $0xffff, v15  }
0x279: {  	v18 =	vld [tilespmem:s0+$0x10300]  }
0x27a: {  	[tilespmem:v25+s10+$0x0] =	vst.idx.msk $0xffff, v22;
	v45 =	vld.idx.msk [tilespmem:v50+s2+$0x0], $0xffff  }
0x27b: {  	v48 =	vor.u32 $0x2D, v6;
	v38 =	vld.idx.msk [tilespmem:v56+s2+$0x0], $0xffff  }
0x27c: {  	v46 =	vor.u32 $0x14, v43;
	v49 =	vor.u32 $0x2D, v13;
	v36 =	vld.idx.msk [tilespmem:v55+s2+$0x0], $0xffff;
	[tilespmem:$0x1FCB0] =	vst v48  }
0x27d: {  	v37 =	vld.idx.msk [tilespmem:v37+s2+$0x0], $0xffff;
	[tilespmem:$0x1FCC0] =	vst v49  }
0x27e: {  	v50 =	vld.idx.msk [tilespmem:v1+s2+$0x0], $0xffff;
	v1 =	vor.u32 $0x2E, v6  }
0x27f: {  	v47 =	vor.u32 $0x2F, v16;
	[tilespmem:$0x1FCD0] =	vst v1;
	v1 =	vor.u32 $0x2E, v13  }
0x280: {  	[tilespmem:$0x1FCE0] =	vst v1  }
0x281: {  	v1 =	vor.u32 $0x2F, v17;
	[tilespmem:v46+s10+$0x0] =	vst.idx.msk $0xffff, v45  }
0x282: {  	v61 =	vld.idx.msk [tilespmem:v5+s2+$0x0], $0xffff;
	[tilespmem:$0x1FCF0] =	vst v1;
	v1 =	vor.u32 $0x2F, v6  }
0x283: {  	v20 =	vadd.s32 $0x9, v20;
	[tilespmem:$0x1FD00] =	vst v1  }
0x284: {  	v58 =	vor.u32 $0x14, v10;
	v1 =	vor.u32 $0x2F, v13;
	[tilespmem:v47+s10+$0x0] =	vst.idx.msk $0xffff, v38  }
0x285: {  	v51 =	vor.u32 $0x30, v2;
	v59 =	vor.u32 $0x14, v23;
	v2 =	vld [tilespmem:s25+$0x80];
	[tilespmem:$0x1FD10] =	vst v1;
	v1 =	vor.u32 $0x30, v17  }
0x286: {  	v21 =	vor.u32 $0x2C, v6;
	v39 =	vor.u32 $0x27, v17;
	[tilespmem:$0x1FD20] =	vst v1;
	v1 =	vor.u32 $0x30, v6  }
0x287: {  	v57 =	vor.u32 $0x27, v6;
	v62 =	vor.u32 $0x14, v9;
	[tilespmem:$0x1FD30] =	vst v1;
	v1 =	vadd.s32 $0x9, v7  }
0x288: {  	v54 =	vor.u32 $0x30, v13;
	v60 =	vor.u32 $0x2E, v17;
	v42 =	vor.u32 $0x27, v13;
	v20 =	vld.idx.msk [tilespmem:v20+s2+$0x0], $0xffff;
	[tilespmem:$0x1FD40] =	vst v1  }
0x289: {  	v41 =	vor.u32 $0x28, v13;
	v63 =	vor.u32 $0x2D, v17;
	v44 =	vor.u32 $0x28, v6;
	[tilespmem:v58+s10+$0x0] =	vst.idx.msk $0xffff, v36;
	v55 =	vld.idx.msk [tilespmem:v3+s2+$0x0], $0xffff  }
0x28a: {  	v30 =	vor.u32 $0x29, v6;
	v29 =	vor.u32 $0x29, v13;
	v38 =	vadd.s32 $0x1, v5;
	[tilespmem:v59+s10+$0x0] =	vst.idx.msk $0xffff, v37  }
0x28b: {  	v28 =	vor.u32 $0x29, v17;
	v31 =	vor.u32 $0x28, v17;
	v19 =	vor.u32 $0x2A, v13;
	[tilespmem:v51+s10+$0x0] =	vst.idx.msk $0xffff, v8;
	v46 =	vld.idx.msk [tilespmem:v18+s2+$0x0], $0xffff  }
0x28c: {  	v4 =	vor.u32 $0x2C, v13;
	v25 =	vor.u32 $0x2B, v13;
	v1 =	vadd.s32 $0x1, v3;
	[tilespmem:v62+s10+$0x0] =	vst.idx.msk $0xffff, v50;
	v13 =	vld [tilespmem:s19+$0x80]  }
0x28d: {  	v26 =	vor.u32 $0x2A, v17;
	v24 =	vor.u32 $0x2B, v6;
	v27 =	vor.u32 $0x2A, v6;
	[tilespmem:v57+s10+$0x0] =	vst.idx.msk $0xffff, v61;
	v6 =	vld [tilespmem:s20+$0x80]  }
0x28e: {  	v15 =	vor.u32 $0x2C, v17;
	v22 =	vor.u32 $0x2B, v17;
	v56 =	vor.u32 $0x1C, v9;
	v17 =	vld [tilespmem:s26+$0x80];
	[tilespmem:v42+s10+$0x0] =	vst.idx.msk $0xffff, v55  }
0x28f: {  	v57 =	vor.u32 $0x1D, v9;
	v55 =	vld.idx.msk [tilespmem:v38+s2+$0x0], $0xffff;
	[tilespmem:$0x1FD50] =	vst v56  }
0x290: {  	[tilespmem:$0x1FD60] =	vst v57  }
0x291: {  	[tilespmem:v34+s10+$0x0] =	vst.idx.msk $0xffff, v11;
	v11 =	vld.idx.msk [tilespmem:v1+s2+$0x0], $0xffff;
	v1 =	vor.u32 $0x1E, v9  }
0x292: {  	[tilespmem:$0x1FD70] =	vst v1;
	v1 =	vor.u32 $0x1F, v9  }
0x293: {  	[tilespmem:$0x1FD80] =	vst v1;
	v1 =	vor.u32 $0x20, v9  }
0x294: {  	v47 =	vadd.s32 $0x9, v0;
	[tilespmem:$0x1FD90] =	vst v1  }
0x295: {  	v1 =	vor.u32 $0x21, v9;
	[tilespmem:v33+s10+$0x0] =	vst.idx.msk $0xffff, v14  }
0x296: {  	[tilespmem:$0x1FDA0] =	vst v1;
	v1 =	vor.u32 $0x22, v9  }
0x297: {  	v50 =	vadd.s32 $0x1, v18;
	[tilespmem:$0x1FDB0] =	vst v1  }
0x298: {  	v1 =	vor.u32 $0x23, v9;
	v14 =	vld.idx.msk [tilespmem:v2+s2+$0x0], $0xffff;
	[tilespmem:v39+s10+$0x0] =	vst.idx.msk $0xffff, v46  }
0x299: {  	v16 =	vor.u32 $0x30, v16;
	v34 =	vld.idx.msk [tilespmem:v47+s2+$0x0], $0xffff;
	[tilespmem:$0x1FDC0] =	vst v1;
	v1 =	vor.u32 $0x24, v9  }
0x29a: {  	[tilespmem:$0x1FDD0] =	vst v1  }
0x29b: {  	v1 =	vor.u32 $0x25, v9;
	[tilespmem:v35+s10+$0x0] =	vst.idx.msk $0xffff, v12  }
0x29c: {  	v12 =	vld.idx.msk [tilespmem:v50+s2+$0x0], $0xffff;
	[tilespmem:$0x1FDE0] =	vst v1;
	v1 =	vor.u32 $0x26, v9  }
0x29d: {  	[tilespmem:$0x1FDF0] =	vst v1  }
0x29e: {  	v59 =	vor.u32 $0x15, v43;
	v1 =	vor.u32 $0x27, v9;
	[tilespmem:v16+s10+$0x0] =	vst.idx.msk $0xffff, v20  }
0x29f: {  	[tilespmem:$0x1FE00] =	vst v1;
	v1 =	vor.u32 $0x28, v9  }
0x2a0: {  	v61 =	vadd.s32 $0x1, v2;
	[tilespmem:$0x1FE10] =	vst v1  }
0x2a1: {  	v50 =	vadd.s32 $0x2, v5;
	v1 =	vor.u32 $0x29, v9;
	[tilespmem:v44+s10+$0x0] =	vst.idx.msk $0xffff, v55  }
0x2a2: {  	v37 =	vor.u32 $0x15, v10;
	v16 =	vadd.s32 $0x2, v3;
	v20 =	vld.idx.msk [tilespmem:v13+s2+$0x0], $0xffff;
	[tilespmem:$0x1FE20] =	vst v1  }
0x2a3: {  	v49 =	vor.u32 $0x15, v23;
	v36 =	vadd.s32 $0x1, v13;
	v39 =	vld.idx.msk [tilespmem:v6+s2+$0x0], $0xffff;
	[tilespmem:v59+s10+$0x0] =	vst.idx.msk $0xffff, v14  }
0x2a4: {  	v48 =	vor.u32 $0x15, v9;
	v14 =	vadd.s32 $0x1, v6;
	v33 =	vld.idx.msk [tilespmem:v17+s2+$0x0], $0xffff;
	[tilespmem:v41+s10+$0x0] =	vst.idx.msk $0xffff, v11  }
0x2a5: {  	v38 =	vadd.s32 $0x1, v17;
	[tilespmem:v32+s10+$0x0] =	vst.idx.msk $0xffff, v34;
	v11 =	vld.idx.msk [tilespmem:v61+s2+$0x0], $0xffff;
	v61 =	vor.u32 $0x16, v43  }
0x2a6: {  	v32 =	vld.idx.msk [tilespmem:v50+s2+$0x0], $0xffff;
	v34 =	vadd.s32 $0x2, v18;
	[tilespmem:v31+s10+$0x0] =	vst.idx.msk $0xffff, v12  }
0x2a7: {  	v16 =	vld.idx.msk [tilespmem:v16+s2+$0x0], $0xffff;
	[tilespmem:v37+s10+$0x0] =	vst.idx.msk $0xffff, v20;
	v37 =	vadd.s32 $0x2, v2  }
0x2a8: {  	v36 =	vld.idx.msk [tilespmem:v36+s2+$0x0], $0xffff;
	[tilespmem:v49+s10+$0x0] =	vst.idx.msk $0xffff, v39  }
0x2a9: {  	[tilespmem:v48+s10+$0x0] =	vst.idx.msk $0xffff, v33;
	v14 =	vld.idx.msk [tilespmem:v14+s2+$0x0], $0xffff  }
0x2aa: {  	v59 =	vor.u32 $0x1C, v10;
	v12 =	vld.idx.msk [tilespmem:v38+s2+$0x0], $0xffff;
	[tilespmem:v61+s10+$0x0] =	vst.idx.msk $0xffff, v11  }
0x2ab: {  	v42 =	vadd.s32 $0x3, v5;
	v11 =	vld.idx.msk [tilespmem:v34+s2+$0x0], $0xffff;
	[tilespmem:$0x1FE30] =	vst v59  }
0x2ac: {  	v20 =	vor.u32 $0x16, v10;
	[tilespmem:v30+s10+$0x0] =	vst.idx.msk $0xffff, v32;
	v30 =	vld.idx.msk [tilespmem:v37+s2+$0x0], $0xffff;
	v37 =	vor.u32 $0x1D, v10  }
0x2ad: {  	v55 =	vadd.s32 $0x3, v3;
	v38 =	vor.u32 $0x1E, v10;
	[tilespmem:$0x1FE40] =	vst v37  }
0x2ae: {  	[tilespmem:$0x1FE50] =	vst v38  }
0x2af: {  	v31 =	vadd.s32 $0x2, v13;
	v39 =	vor.u32 $0x16, v23;
	[tilespmem:v29+s10+$0x0] =	vst.idx.msk $0xffff, v16;
	v29 =	vor.u32 $0x1F, v10  }
0x2b0: {  	v16 =	vld.idx.msk [tilespmem:v42+s2+$0x0], $0xffff;
	[tilespmem:$0x1FE60] =	vst v29  }
0x2b1: {  	v49 =	vor.u32 $0x20, v10;
	[tilespmem:v20+s10+$0x0] =	vst.idx.msk $0xffff, v36  }
0x2b2: {  	v51 =	vor.u32 $0x16, v9;
	v20 =	vld.idx.msk [tilespmem:v55+s2+$0x0], $0xffff;
	v55 =	vor.u32 $0x21, v10;
	[tilespmem:$0x1FE70] =	vst v49  }
0x2b3: {  	v34 =	vadd.s32 $0x2, v6;
	[tilespmem:$0x1FE80] =	vst v55  }
0x2b4: {  	[tilespmem:v39+s10+$0x0] =	vst.idx.msk $0xffff, v14;
	v14 =	vld.idx.msk [tilespmem:v31+s2+$0x0], $0xffff;
	v31 =	vor.u32 $0x22, v10  }
0x2b5: {  	v40 =	vor.u32 $0x17, v10;
	[tilespmem:$0x1FE90] =	vst v31;
	v31 =	vor.u32 $0x23, v10  }
0x2b6: {  	v45 =	vor.u32 $0x2B, v9;
	v0 =	vor.u32 $0x18, v9;
	v32 =	vadd.s32 $0x2, v17;
	[tilespmem:$0x1FEA0] =	vst v31  }
0x2b7: {  	v7 =	vor.u32 $0x19, v9;
	v8 =	vor.u32 $0x17, v9;
	v42 =	vor.u32 $0x24, v10;
	[tilespmem:v51+s10+$0x0] =	vst.idx.msk $0xffff, v12  }
0x2b8: {  	v62 =	vor.u32 $0x1A, v9;
	v35 =	vor.u32 $0x17, v43;
	v49 =	vor.u32 $0x25, v10;
	v12 =	vld.idx.msk [tilespmem:v34+s2+$0x0], $0xffff;
	[tilespmem:$0x1FEB0] =	vst v42  }
0x2b9: {  	v58 =	vor.u32 $0x1B, v9;
	v56 =	vor.u32 $0x2E, v9;
	v29 =	vadd.s32 $0x3, v18;
	[tilespmem:$0x1FEC0] =	vst v49  }
0x2ba: {  	v57 =	vor.u32 $0x30, v9;
	v59 =	vadd.s32 $0x3, v2;
	[tilespmem:v28+s10+$0x0] =	vst.idx.msk $0xffff, v11;
	v28 =	vor.u32 $0x26, v10  }
0x2bb: {  	v46 =	vor.u32 $0x2A, v9;
	v31 =	vadd.s32 $0x4, v5;
	v11 =	vld.idx.msk [tilespmem:v32+s2+$0x0], $0xffff;
	[tilespmem:$0x1FED0] =	vst v28;
	v28 =	vor.u32 $0x27, v10  }
0x2bc: {  	v47 =	vor.u32 $0x2D, v9;
	v44 =	vor.u32 $0x2C, v9;
	v1 =	vor.u32 $0x18, v10;
	[tilespmem:$0x1FEE0] =	vst v28  }
0x2bd: {  	v33 =	vor.u32 $0x17, v23;
	v51 =	vadd.s32 $0x4, v3;
	[tilespmem:v35+s10+$0x0] =	vst.idx.msk $0xffff, v30;
	v30 =	vor.u32 $0x28, v10  }
0x2be: {  	v50 =	vor.u32 $0x2F, v9;
	v9 =	vor.u32 $0x19, v10;
	v28 =	vadd.s32 $0x3, v13;
	v29 =	vld.idx.msk [tilespmem:v29+s2+$0x0], $0xffff;
	[tilespmem:$0x1FEF0] =	vst v30  }
0x2bf: {  	v41 =	vor.u32 $0x29, v10;
	v48 =	vor.u32 $0x1A, v10;
	v30 =	vadd.s32 $0x3, v6;
	[tilespmem:v27+s10+$0x0] =	vst.idx.msk $0xffff, v16;
	v55 =	vld.idx.msk [tilespmem:v59+s2+$0x0], $0xffff  }
0x2c0: {  	v61 =	vor.u32 $0x1B, v10;
	v27 =	vadd.s32 $0x3, v17;
	[tilespmem:v19+s10+$0x0] =	vst.idx.msk $0xffff, v20;
	v19 =	vld.idx.msk [tilespmem:v31+s2+$0x0], $0xffff;
	v31 =	vor.u32 $0x18, v43  }
0x2c1: {  	v38 =	vor.u32 $0x2A, v10;
	v37 =	vor.u32 $0x2D, v10;
	v20 =	vadd.s32 $0x4, v18;
	[tilespmem:v40+s10+$0x0] =	vst.idx.msk $0xffff, v14  }
0x2c2: {  	v36 =	vor.u32 $0x2B, v10;
	v34 =	vor.u32 $0x2E, v10;
	v42 =	vadd.s32 $0x4, v2;
	[tilespmem:v33+s10+$0x0] =	vst.idx.msk $0xffff, v12;
	v14 =	vld.idx.msk [tilespmem:v51+s2+$0x0], $0xffff  }
0x2c3: {  	v35 =	vor.u32 $0x2C, v10;
	v59 =	vor.u32 $0x2F, v10;
	[tilespmem:v8+s10+$0x0] =	vst.idx.msk $0xffff, v11;
	v51 =	vor.u32 $0x30, v10;
	v10 =	vld.idx.msk [tilespmem:v28+s2+$0x0], $0xffff  }
0x2c4: {  	v12 =	vadd.s32 $0x5, v5;
	v8 =	vadd.s32 $0x4, v13;
	v11 =	vadd.s32 $0x5, v13;
	[tilespmem:v26+s10+$0x0] =	vst.idx.msk $0xffff, v29;
	v13 =	vld.idx.msk [tilespmem:v30+s2+$0x0], $0xffff  }
0x2c5: {  	v28 =	vadd.s32 $0x5, v3;
	v27 =	vld.idx.msk [tilespmem:v27+s2+$0x0], $0xffff;
	[tilespmem:v31+s10+$0x0] =	vst.idx.msk $0xffff, v55  }
0x2c6: {  	v30 =	vadd.s32 $0x5, v6;
	v55 =	vadd.s32 $0x4, v6;
	v6 =	vld.idx.msk [tilespmem:v20+s2+$0x0], $0xffff;
	[tilespmem:v24+s10+$0x0] =	vst.idx.msk $0xffff, v19;
	v24 =	vor.u32 $0x1B, v23  }
0x2c7: {  	v33 =	vld.idx.msk [tilespmem:v42+s2+$0x0], $0xffff;
	[tilespmem:$0x1FF00] =	vst v24  }
0x2c8: {  	[tilespmem:v25+s10+$0x0] =	vst.idx.msk $0xffff, v14;
	v14 =	vor.u32 $0x1C, v23  }
0x2c9: {  	v29 =	vor.u32 $0x18, v23;
	v12 =	vld.idx.msk [tilespmem:v12+s2+$0x0], $0xffff;
	[tilespmem:$0x1FF10] =	vst v14  }
0x2ca: {  	[tilespmem:v1+s10+$0x0] =	vst.idx.msk $0xffff, v10;
	v1 =	vor.u32 $0x1D, v23  }
0x2cb: {  	v25 =	vld.idx.msk [tilespmem:v28+s2+$0x0], $0xffff;
	[tilespmem:$0x1FF20] =	vst v1;
	v1 =	vor.u32 $0x1E, v23  }
0x2cc: {  	[tilespmem:$0x1FF30] =	vst v1;
	v1 =	vor.u32 $0x1F, v23  }
0x2cd: {  	[tilespmem:$0x1FF40] =	vst v1  }
0x2ce: {  	v1 =	vor.u32 $0x20, v23;
	[tilespmem:v29+s10+$0x0] =	vst.idx.msk $0xffff, v13  }
0x2cf: {  	v8 =	vld.idx.msk [tilespmem:v8+s2+$0x0], $0xffff;
	[tilespmem:$0x1FF50] =	vst v1;
	v1 =	vor.u32 $0x21, v23  }
0x2d0: {  	v26 =	vadd.s32 $0x4, v17;
	[tilespmem:$0x1FF60] =	vst v1  }
0x2d1: {  	v1 =	vor.u32 $0x22, v23;
	[tilespmem:v0+s10+$0x0] =	vst.idx.msk $0xffff, v27  }
0x2d2: {  	v0 =	vld.idx.msk [tilespmem:v55+s2+$0x0], $0xffff;
	[tilespmem:$0x1FF70] =	vst v1;
	v1 =	vor.u32 $0x23, v23  }
0x2d3: {  	v24 =	vor.u32 $0x19, v43;
	[tilespmem:$0x1FF80] =	vst v1  }
0x2d4: {  	v14 =	vadd.s32 $0x5, v18;
	v1 =	vor.u32 $0x24, v23;
	[tilespmem:v22+s10+$0x0] =	vst.idx.msk $0xffff, v6  }
0x2d5: {  	v49 =	vld.idx.msk [tilespmem:v26+s2+$0x0], $0xffff;
	[tilespmem:$0x1FF90] =	vst v1;
	v1 =	vor.u32 $0x25, v23  }
0x2d6: {  	[tilespmem:$0x1FFA0] =	vst v1;
	v1 =	vor.u32 $0x26, v23  }
0x2d7: {  	[tilespmem:$0x1FFB0] =	vst v1  }
0x2d8: {  	v2 =	vadd.s32 $0x5, v2;
	v1 =	vor.u32 $0x27, v23;
	[tilespmem:v24+s10+$0x0] =	vst.idx.msk $0xffff, v33  }
0x2d9: {  	v20 =	vor.u32 $0x19, v23;
	v13 =	vadd.s32 $0x6, v5;
	v14 =	vld.idx.msk [tilespmem:v14+s2+$0x0], $0xffff;
	[tilespmem:$0x1FFC0] =	vst v1;
	v1 =	vor.u32 $0x28, v23  }
0x2da: {  	p0 =	por !p0, !p0;
	s16 =	simm.s32 $0x1;
	v16 =	vadd.s32 $0x6, v3;
	[tilespmem:$0x1FFD0] =	vst v1  }
0x2db: {  	s22 =	sor.u32 s22, s15;
	s24 =	sor.u32 s24, s15;
	s16 =	simm.s32 @!p0 $0x0;
	[tilespmem:v21+s10+$0x0] =	vst.idx.msk $0xffff, v12  }
0x2dc: {  	s18 =	sor.u32 $0x180, s22;
	s16 =	sshll.u32 s16, $0x6;
	s19 =	simm.s32 $0x4;
	v39 =	vor.u32 $0x30, v23;
	v32 =	vadd.s32 $0x7, v3;
	v40 =	vor.u32 $0x1A, v23;
	[tilespmem:v4+s10+$0x0] =	vst.idx.msk $0xffff, v25  }
0x2dd: {  	s22 =	simm.s32 $0xC0;
	s16 =	sadd.s32 $0x200, s16;
	s21 =	sand.u32 $0x3, s19;
	v17 =	vadd.s32 $0x5, v17;
	v31 =	vadd.s32 $0x7, v5;
	v42 =	vor.u32 $0x29, v23;
	v10 =	vld.idx.msk [tilespmem:v2+s2+$0x0], $0xffff;
	[tilespmem:v9+s10+$0x0] =	vst.idx.msk $0xffff, v8  }
0x2de: {  	s30 =	sor.u32 $0x100, s16;
	s0 =	sshll.u32 s21, $0x5;
	s21 =	simm.s32 $0x8;
	v29 =	vadd.s32 $0x9, v18;
	v27 =	vor.u32 $0x2B, v23;
	v55 =	vor.u32 $0x2F, v23;
	[tilespmem:v20+s10+$0x0] =	vst.idx.msk $0xffff, v0;
	v4 =	vld.idx.msk [tilespmem:v13+s2+$0x0], $0xffff  }
0x2df: {  	s16 =	sor.u32 $0x180, s24;
	s25 =	sor.u32 s23, s15;
	s26 =	sand.u32 $0x7, s21;
	v6 =	vadd.s32 $0x9, v5;
	v33 =	vor.u32 $0x2A, v23;
	v24 =	vor.u32 $0x2C, v23;
	[tilespmem:v7+s10+$0x0] =	vst.idx.msk $0xffff, v49;
	v2 =	vld.idx.msk [tilespmem:v16+s2+$0x0], $0xffff  }
0x2e0: {  	s17 =	sor.u32 $0x180, s25;
	s0 =	sadd.s32 $0x200, s0;
	s28 =	sshll.u32 s26, $0x4;
	v8 =	vadd.s32 $0x8, v5;
	v5 =	vld.idx.msk [tilespmem:v11+s2+$0x0], $0xffff;
	v11 =	vadd.s32 $0x8, v3;
	v3 =	vadd.s32 $0x9, v3;
	[tilespmem:v15+s10+$0x0] =	vst.idx.msk $0xffff, v14  }
0x2e1: {  	s20 =	simm.s32 $0x8;
	s0 =	sadd.s32 $0x20, s0;
	s29 =	sadd.s32 $0x200, s28;
	v1 =	vor.u32 $0x2D, v23;
	v25 =	vor.u32 $0x2E, v23;
	v0 =	vadd.s32 $0x6, v18;
	v13 =	vld.idx.msk [tilespmem:v30+s2+$0x0], $0xffff;
	[tilespmem:$0x1FFE0] =	vst v3  }
0x2e2: {  	s31 =	sor.u32 $0x100, s0;
	s0 =	sadd.s32 $0x10, s29;
	s23 =	sadd.s32 $0x30, s29;
	v12 =	vadd.s32 $0x7, v18;
	v7 =	vadd.s32 $0x8, v18;
	v9 =	vor.u32 $0x1A, v43;
	v3 =	vld.idx.msk [tilespmem:v17+s2+$0x0], $0xffff  }
.LBB2_5:
0x2e3: {  	v15 =	vld [tilespmem:$0x1FCC0];
	_ =	sdelay $0x6  }
0x2e4: {  	[tilespmem:$0x1FA20] =	vst v41  }
0x2e5: {  	[tilespmem:v15+s10+$0x0] =	vst.idx.msk $0xffff, v2;
	v2 =	vmov v1;
	v1 =	vld [tilespmem:$0x1FD40]  }
0x2e6: {  	[tilespmem:$0x1F9A0] =	vst v54  }
0x2e7: {  	[tilespmem:$0x1FA40] =	vst v42;
	v14 =	vmov s22  }
0x2e8: {  	[tilespmem:v9+s10+$0x0] =	vst.idx.msk $0xffff, v10;
	v9 =	vshll.u32 v14, $0x7;
	v14 =	vld [tilespmem:$0x1FCB0]  }
0x2e9: {  	[tilespmem:$0x1FC90] =	vst v44  }
0x2ea: {  	[tilespmem:$0x1FAB0] =	vst v38  }
0x2eb: {  	[tilespmem:$0x1F9B0] =	vst v39  }
0x2ec: {  	[tilespmem:$0x1FAD0] =	vst v33  }
0x2ed: {  	[tilespmem:$0x1FB50] =	vst v46;
	v54 =	vld.idx.msk [tilespmem:v1+s2+$0x0], $0xffff;
	v1 =	vmov v47  }
0x2ee: {  	[tilespmem:$0x1F790] =	vst v1;
	v1 =	vld [tilespmem:$0x1FCD0]  }
0x2ef: {  	[tilespmem:$0x1FB70] =	vst v36  }
0x2f0: {  	[tilespmem:v14+s10+$0x0] =	vst.idx.msk $0xffff, v4  }
0x2f1: {  	[tilespmem:$0x1FC00] =	vst v45;
	v20 =	vld.idx.msk [tilespmem:v31+s2+$0x0], $0xffff  }
0x2f2: {  	[tilespmem:$0x1FC20] =	vst v35  }
0x2f3: {  	s25 =	sor.u32 $0x100, s23;
	s23 =	sadd.s32 $0x10, s22;
	[tilespmem:$0x1FCC0] =	vst v2;
	v4 =	vmov v37  }
0x2f4: {  	[tilespmem:$0x1FCB0] =	vst v4;
	v4 =	vmov s23  }
0x2f5: {  	s29 =	sadd.s32 $0x30, s22;
	s0 =	sor.u32 $0x100, s0;
	[tilespmem:v48+s10+$0x0] =	vst.idx.msk $0xffff, v5;
	v2 =	vshll.u32 v4, $0x7  }
0x2f6: {  	v10 =	vmov s29;
	v5 =	vor.u32 v52, v2;
	v2 =	vld [tilespmem:s0+$0x10300];
	[tilespmem:v1+s10+$0x0] =	vst.idx.msk $0xffff, v20;
	v1 =	vmov v34  }
0x2f7: {  	v10 =	vshll.u32 v10, $0x7;
	[tilespmem:$0x1FCD0] =	vst v1;
	v1 =	vld [tilespmem:$0x1FCE0]  }
0x2f8: {  	[tilespmem:$0x1FC40] =	vst v24;
	v23 =	vor.u32 v52, v10  }
0x2f9: {  	[tilespmem:$0x1FB90] =	vst v27;
	v17 =	vld.idx.msk [tilespmem:v0+s2+$0x0], $0xffff  }
0x2fa: {  	v10 =	vor.u32 v52, v9;
	v27 =	vld.idx.msk [tilespmem:v32+s2+$0x0], $0xffff;
	[tilespmem:v40+s10+$0x0] =	vst.idx.msk $0xffff, v13;
	v13 =	vmov v29  }
0x2fb: {  	v0 =	vld [tilespmem:s25+$0x10300];
	[tilespmem:$0x1FD40] =	vst v13;
	v48 =	vor.u32 $0x12, v10  }
0x2fc: {  	s24 =	sadd.s32 $0x20, s22;
	v15 =	vld [tilespmem:s31+$0x10300];
	[tilespmem:$0x1F8A0] =	vst v48  }
0x2fd: {  	v14 =	vmov s24;
	[tilespmem:v62+s10+$0x0] =	vst.idx.msk $0xffff, v3;
	v3 =	vld.idx.msk [tilespmem:v23+s9+$0x0], $0xffff  }
0x2fe: {  	v4 =	vshll.u32 v14, $0x7;
	v22 =	vld [tilespmem:s30+$0x10300];
	[tilespmem:v63+s10+$0x0] =	vst.idx.msk $0xffff, v17  }
0x2ff: {  	v9 =	vor.u32 v52, v4;
	v29 =	vld.idx.msk [tilespmem:v5+s9+$0x0], $0xffff;
	[tilespmem:v1+s10+$0x0] =	vst.idx.msk $0xffff, v27;
	v1 =	vmov v25  }
0x300: {  	v44 =	vor.u32 $0x14, v9;
	[tilespmem:$0x1FCE0] =	vst v1;
	v1 =	vld [tilespmem:$0x1FD20]  }
0x301: {  	[tilespmem:$0x1F930] =	vst v44  }
0x302: {  	[tilespmem:v53+s10+$0x0] =	vst.idx.msk $0xffff, v54;
	v53 =	vor.u32 $0x12, v9  }
0x303: {  	[tilespmem:$0x1F890] =	vst v53  }
0x304: {  	v20 =	vld.idx.msk [tilespmem:v0+s2+$0x0], $0xffff;
	[tilespmem:v23+s10+$0x0] =	vst.idx.msk $0xffff, v3  }
0x305: {  	v45 =	vld.idx.msk [tilespmem:v2+s2+$0x0], $0xffff;
	[tilespmem:v5+s10+$0x0] =	vst.idx.msk $0xffff, v29;
	v27 =	vmov v1;
	v1 =	vmov v57  }
0x306: {  	[tilespmem:$0x1FD20] =	vst v1;
	v1 =	vor.u32 $0x8, v10  }
0x307: {  	[tilespmem:$0x1F5C0] =	vst v1;
	v1 =	vor.u32 $0x8, v5  }
0x308: {  	[tilespmem:$0x1F5A0] =	vst v1;
	v1 =	vor.u32 $0x8, v9  }
0x309: {  	[tilespmem:$0x1F5B0] =	vst v1;
	v1 =	vor.u32 $0x9, v10  }
0x30a: {  	[tilespmem:$0x1F5F0] =	vst v1;
	v1 =	vor.u32 $0x9, v5  }
0x30b: {  	[tilespmem:$0x1F5D0] =	vst v1;
	v1 =	vor.u32 $0x9, v9  }
0x30c: {  	[tilespmem:$0x1F5E0] =	vst v1;
	v1 =	vor.u32 $0xA, v10  }
0x30d: {  	[tilespmem:$0x1F620] =	vst v1;
	v1 =	vor.u32 $0xA, v5  }
0x30e: {  	[tilespmem:$0x1F600] =	vst v1;
	v1 =	vor.u32 $0xA, v9  }
0x30f: {  	[tilespmem:$0x1F610] =	vst v1;
	v1 =	vor.u32 $0xB, v10  }
0x310: {  	[tilespmem:$0x1F650] =	vst v1;
	v1 =	vor.u32 $0xB, v5  }
0x311: {  	[tilespmem:$0x1F630] =	vst v1;
	v1 =	vor.u32 $0xB, v9  }
0x312: {  	[tilespmem:$0x1F640] =	vst v1;
	v1 =	vor.u32 $0xC, v5  }
0x313: {  	[tilespmem:$0x1F660] =	vst v1;
	v1 =	vor.u32 $0xC, v10  }
0x314: {  	[tilespmem:$0x1F680] =	vst v1;
	v1 =	vor.u32 $0xC, v9  }
0x315: {  	v30 =	vor.u32 $0x1, v5;
	[tilespmem:$0x1F670] =	vst v1;
	v1 =	vor.u32 $0xD, v10  }
0x316: {  	[tilespmem:$0x1F6D0] =	vst v1;
	v1 =	vor.u32 $0xD, v5  }
0x317: {  	v54 =	vld.idx.msk [tilespmem:v10+s9+$0x0], $0xffff;
	[tilespmem:$0x1F6B0] =	vst v1;
	v1 =	vor.u32 $0xD, v9  }
0x318: {  	v33 =	vor.u32 $0x1, v23;
	[tilespmem:$0x1F6C0] =	vst v1;
	v1 =	vor.u32 $0xE, v10  }
0x319: {  	v62 =	vor.u32 $0x1B, v43;
	[tilespmem:$0x1F710] =	vst v1;
	v1 =	vor.u32 $0xE, v5  }
0x31a: {  	v52 =	vadd.s32 $0x1, v0;
	v29 =	vld.idx.msk [tilespmem:v30+s9+$0x0], $0xffff;
	[tilespmem:$0x1F6F0] =	vst v1;
	v1 =	vor.u32 $0xE, v9  }
0x31b: {  	v28 =	vor.u32 $0x1, v10;
	[tilespmem:$0x1F700] =	vst v1;
	v1 =	vld [tilespmem:$0x1FF00]  }
0x31c: {  	[tilespmem:v10+s10+$0x0] =	vst.idx.msk $0xffff, v54;
	v63 =	vld.idx.msk [tilespmem:v9+s9+$0x0], $0xffff  }
0x31d: {  	v31 =	vor.u32 $0x1, v9;
	[tilespmem:v61+s10+$0x0] =	vst.idx.msk $0xffff, v45;
	v57 =	vld.idx.msk [tilespmem:v33+s9+$0x0], $0xffff  }
0x31e: {  	v61 =	vor.u32 $0x13, v10;
	v3 =	vld.idx.msk [tilespmem:v15+s2+$0x0], $0xffff;
	[tilespmem:v62+s10+$0x0] =	vst.idx.msk $0xffff, v20  }
0x31f: {  	v35 =	vor.u32 $0x2, v23;
	[tilespmem:$0x1F8F0] =	vst v61;
	v62 =	vor.u32 $0x1C, v43;
	v20 =	vld.idx.msk [tilespmem:v52+s2+$0x0], $0xffff  }
0x320: {  	v42 =	vld.idx.msk [tilespmem:v28+s9+$0x0], $0xffff;
	[tilespmem:v30+s10+$0x0] =	vst.idx.msk $0xffff, v29  }
0x321: {  	v45 =	vld.idx.msk [tilespmem:v22+s2+$0x0], $0xffff;
	[tilespmem:v9+s10+$0x0] =	vst.idx.msk $0xffff, v63  }
0x322: {  	v63 =	vld.idx.msk [tilespmem:v31+s9+$0x0], $0xffff;
	[tilespmem:v33+s10+$0x0] =	vst.idx.msk $0xffff, v57  }
0x323: {  	v4 =	vor.u32 $0x2, v10;
	[tilespmem:v1+s10+$0x0] =	vst.idx.msk $0xffff, v3;
	v3 =	vld.idx.msk [tilespmem:v12+s2+$0x0], $0xffff  }
0x324: {  	v12 =	vld.idx.msk [tilespmem:v35+s9+$0x0], $0xffff;
	[tilespmem:v62+s10+$0x0] =	vst.idx.msk $0xffff, v20  }
0x325: {  	v1 =	vor.u32 $0xF, v10;
	[tilespmem:v28+s10+$0x0] =	vst.idx.msk $0xffff, v42  }
0x326: {  	[tilespmem:$0x1F750] =	vst v1  }
0x327: {  	[tilespmem:v31+s10+$0x0] =	vst.idx.msk $0xffff, v63  }
0x328: {  	v1 =	vor.u32 $0xF, v5;
	v57 =	vld.idx.msk [tilespmem:v4+s9+$0x0], $0xffff;
	[tilespmem:v58+s10+$0x0] =	vst.idx.msk $0xffff, v45  }
0x329: {  	[tilespmem:$0x1F730] =	vst v1;
	v1 =	vor.u32 $0xF, v9  }
0x32a: {  	[tilespmem:$0x1F740] =	vst v1;
	v1 =	vor.u32 $0x10, v10  }
0x32b: {  	[tilespmem:$0x1F7C0] =	vst v1;
	v1 =	vor.u32 $0x10, v5  }
0x32c: {  	[tilespmem:$0x1F7A0] =	vst v1;
	v1 =	vor.u32 $0x10, v9  }
0x32d: {  	v38 =	vadd.s32 $0x2, v0;
	[tilespmem:$0x1F7B0] =	vst v1;
	v1 =	vor.u32 $0x11, v10  }
0x32e: {  	[tilespmem:$0x1F830] =	vst v1;
	v1 =	vor.u32 $0x11, v5  }
0x32f: {  	[tilespmem:$0x1F810] =	vst v1;
	v1 =	vor.u32 $0x11, v9  }
0x330: {  	[tilespmem:$0x1F820] =	vst v1;
	v1 =	vor.u32 $0x12, v5  }
0x331: {  	[tilespmem:v60+s10+$0x0] =	vst.idx.msk $0xffff, v3  }
0x332: {  	v20 =	vld.idx.msk [tilespmem:v38+s2+$0x0], $0xffff;
	[tilespmem:v35+s10+$0x0] =	vst.idx.msk $0xffff, v12  }
0x333: {  	[tilespmem:$0x1F880] =	vst v1;
	v1 =	vmov v56  }
0x334: {  	[tilespmem:$0x1F6A0] =	vst v1;
	v1 =	vor.u32 $0x15, v10  }
0x335: {  	[tilespmem:$0x1F9F0] =	vst v1;
	v1 =	vor.u32 $0x15, v5  }
0x336: {  	[tilespmem:$0x1F9C0] =	vst v1;
	v1 =	vor.u32 $0x15, v9  }
0x337: {  	[tilespmem:$0x1F9E0] =	vst v1;
	v1 =	vor.u32 $0x16, v10  }
0x338: {  	[tilespmem:$0x1FA80] =	vst v1;
	v1 =	vor.u32 $0x16, v5  }
0x339: {  	[tilespmem:$0x1FA60] =	vst v1;
	v1 =	vor.u32 $0x16, v9  }
0x33a: {  	v26 =	vor.u32 $0x2, v5;
	[tilespmem:$0x1FA70] =	vst v1;
	v1 =	vor.u32 $0x17, v10  }
0x33b: {  	v19 =	vor.u32 $0x2, v9;
	[tilespmem:$0x1FB10] =	vst v1;
	v1 =	vor.u32 $0x17, v5  }
0x33c: {  	[tilespmem:$0x1FAF0] =	vst v1;
	v1 =	vor.u32 $0x17, v9  }
0x33d: {  	[tilespmem:$0x1FB00] =	vst v1;
	v1 =	vor.u32 $0x18, v5  }
0x33e: {  	[tilespmem:$0x1FBB0] =	vst v1;
	v1 =	vor.u32 $0x18, v10  }
0x33f: {  	v30 =	vor.u32 $0x3, v23;
	v29 =	vld.idx.msk [tilespmem:v26+s9+$0x0], $0xffff;
	v31 =	vor.u32 $0x1D, v43;
	[tilespmem:$0x1FBD0] =	vst v1;
	v1 =	vor.u32 $0x18, v9  }
0x340: {  	v54 =	vadd.s32 $0x3, v0;
	v28 =	vld.idx.msk [tilespmem:v19+s9+$0x0], $0xffff;
	[tilespmem:$0x1FBC0] =	vst v1;
	v1 =	vor.u32 $0x19, v10  }
0x341: {  	v3 =	vld.idx.msk [tilespmem:v8+s2+$0x0], $0xffff;
	[tilespmem:$0x1FC80] =	vst v1;
	v1 =	vor.u32 $0x19, v5  }
0x342: {  	v14 =	vor.u32 $0x3, v10;
	v8 =	vld.idx.msk [tilespmem:v11+s2+$0x0], $0xffff;
	[tilespmem:$0x1FC60] =	vst v1;
	v1 =	vor.u32 $0x19, v9  }
0x343: {  	[tilespmem:$0x1FC70] =	vst v1;
	v1 =	vld [tilespmem:$0x1FD00]  }
0x344: {  	v11 =	vld.idx.msk [tilespmem:v30+s9+$0x0], $0xffff;
	[tilespmem:v31+s10+$0x0] =	vst.idx.msk $0xffff, v20  }
0x345: {  	v48 =	vor.u32 $0x4, v23;
	[tilespmem:v26+s10+$0x0] =	vst.idx.msk $0xffff, v29;
	v26 =	vor.u32 $0x1E, v43;
	v12 =	vld.idx.msk [tilespmem:v54+s2+$0x0], $0xffff  }
0x346: {  	v21 =	vor.u32 $0x3, v5;
	[tilespmem:v4+s10+$0x0] =	vst.idx.msk $0xffff, v57  }
0x347: {  	[tilespmem:$0x1FA00] =	vst v27;
	v29 =	vld.idx.msk [tilespmem:v14+s9+$0x0], $0xffff  }
0x348: {  	[tilespmem:v19+s10+$0x0] =	vst.idx.msk $0xffff, v28  }
0x349: {  	[tilespmem:v30+s10+$0x0] =	vst.idx.msk $0xffff, v11  }
0x34a: {  	v11 =	vld.idx.msk [tilespmem:v48+s9+$0x0], $0xffff;
	[tilespmem:v26+s10+$0x0] =	vst.idx.msk $0xffff, v12  }
0x34b: {  	v45 =	vld.idx.msk [tilespmem:v21+s9+$0x0], $0xffff;
	[tilespmem:v1+s10+$0x0] =	vst.idx.msk $0xffff, v3  }
0x34c: {  	v28 =	vadd.s32 $0x4, v0;
	v1 =	vmov v59;
	v3 =	vld.idx.msk [tilespmem:v7+s2+$0x0], $0xffff;
	[tilespmem:v14+s10+$0x0] =	vst.idx.msk $0xffff, v29  }
0x34d: {  	[tilespmem:$0x1FD00] =	vst v1;
	v1 =	vor.u32 $0x1A, v10  }
0x34e: {  	[tilespmem:$0x1FB40] =	vst v1;
	v1 =	vor.u32 $0x1A, v5  }
0x34f: {  	v53 =	vor.u32 $0x5, v23;
	v14 =	vld [tilespmem:$0x1FCF0];
	[tilespmem:$0x1F9D0] =	vst v1;
	v1 =	vor.u32 $0x1A, v9  }
0x350: {  	v16 =	vor.u32 $0x3, v9;
	v62 =	vor.u32 $0x13, v5;
	[tilespmem:$0x1FA90] =	vst v1;
	v1 =	vld [tilespmem:$0x1FD10]  }
0x351: {  	v17 =	vor.u32 $0x4, v10;
	v42 =	vor.u32 $0x14, v5;
	[tilespmem:$0x1F8D0] =	vst v62;
	v26 =	vor.u32 $0x1F, v43;
	v44 =	vld.idx.msk [tilespmem:v28+s2+$0x0], $0xffff  }
0x352: {  	[tilespmem:$0x1F920] =	vst v42  }
0x353: {  	v63 =	vor.u32 $0x13, v9;
	[tilespmem:v48+s10+$0x0] =	vst.idx.msk $0xffff, v11  }
0x354: {  	v38 =	vor.u32 $0x14, v10;
	[tilespmem:$0x1F8E0] =	vst v63;
	v31 =	vadd.s32 $0x5, v0;
	v60 =	vld.idx.msk [tilespmem:v53+s9+$0x0], $0xffff  }
0x355: {  	[tilespmem:$0x1F940] =	vst v38;
	v4 =	vld.idx.msk [tilespmem:v16+s9+$0x0], $0xffff  }
0x356: {  	[tilespmem:v26+s10+$0x0] =	vst.idx.msk $0xffff, v44;
	v36 =	vld.idx.msk [tilespmem:v17+s9+$0x0], $0xffff  }
0x357: {  	v13 =	vor.u32 $0x4, v5;
	[tilespmem:v14+s10+$0x0] =	vst.idx.msk $0xffff, v3;
	v14 =	vld [tilespmem:$0x1FD30]  }
0x358: {  	[tilespmem:v1+s10+$0x0] =	vst.idx.msk $0xffff, v8;
	v8 =	vld.idx.msk [tilespmem:v6+s2+$0x0], $0xffff;
	v6 =	vadd.s32 $0x1, v2  }
0x359: {  	v59 =	vld.idx.msk [tilespmem:v31+s2+$0x0], $0xffff;
	[tilespmem:v53+s10+$0x0] =	vst.idx.msk $0xffff, v60;
	v3 =	vmov v50  }
0x35a: {  	v7 =	vld [tilespmem:$0x1FE30];
	[tilespmem:$0x1FCF0] =	vst v3  }
0x35b: {  	[tilespmem:v21+s10+$0x0] =	vst.idx.msk $0xffff, v45  }
0x35c: {  	[tilespmem:v17+s10+$0x0] =	vst.idx.msk $0xffff, v36;
	v1 =	vmov v55;
	v28 =	vld.idx.msk [tilespmem:v13+s9+$0x0], $0xffff  }
0x35d: {  	v37 =	vor.u32 $0x5, v5;
	[tilespmem:$0x1FD10] =	vst v1;
	v40 =	vld.idx.msk [tilespmem:v6+s2+$0x0], $0xffff  }
0x35e: {  	v18 =	vor.u32 $0x4, v9;
	v1 =	vor.u32 $0x1B, v10;
	[tilespmem:v16+s10+$0x0] =	vst.idx.msk $0xffff, v4  }
0x35f: {  	[tilespmem:$0x1FBF0] =	vst v1  }
0x360: {  	v47 =	vor.u32 $0x5, v10;
	[tilespmem:v14+s10+$0x0] =	vst.idx.msk $0xffff, v8  }
0x361: {  	v35 =	vor.u32 $0x1C, v5;
	v30 =	vadd.s32 $0x1, v15;
	[tilespmem:v13+s10+$0x0] =	vst.idx.msk $0xffff, v28  }
0x362: {  	v54 =	vor.u32 $0x20, v43;
	v55 =	vor.u32 $0x6, v23;
	v58 =	vld.idx.msk [tilespmem:v37+s9+$0x0], $0xffff;
	[tilespmem:v7+s10+$0x0] =	vst.idx.msk $0xffff, v40;
	v7 =	vmov v35  }
0x363: {  	v29 =	vld.idx.msk [tilespmem:v18+s9+$0x0], $0xffff;
	[tilespmem:$0x1FE30] =	vst v7;
	v7 =	vadd.s32 $0x6, v22  }
0x364: {  	v1 =	vor.u32 $0x1B, v5;
	[tilespmem:$0x1F690] =	vst v7;
	v7 =	vld [tilespmem:$0x1FF10]  }
0x365: {  	v42 =	vld.idx.msk [tilespmem:v47+s9+$0x0], $0xffff;
	[tilespmem:$0x1FB20] =	vst v1;
	v1 =	vor.u32 $0x1B, v9  }
0x366: {  	v33 =	vadd.s32 $0x1, v22;
	v48 =	vld.idx.msk [tilespmem:v30+s2+$0x0], $0xffff;
	[tilespmem:$0x1FF00] =	vst v1  }
0x367: {  	v24 =	vor.u32 $0x5, v9;
	v8 =	vmov v51;
	v41 =	vld.idx.msk [tilespmem:v55+s9+$0x0], $0xffff;
	[tilespmem:v54+s10+$0x0] =	vst.idx.msk $0xffff, v59  }
0x368: {  	[tilespmem:$0x1FD30] =	vst v8  }
0x369: {  	v8 =	vadd.s32 $0x9, v15;
	[tilespmem:v18+s10+$0x0] =	vst.idx.msk $0xffff, v29  }
0x36a: {  	[tilespmem:$0x1F7E0] =	vst v8  }
0x36b: {  	v45 =	vor.u32 $0x1C, v9;
	v35 =	vld.idx.msk [tilespmem:v33+s2+$0x0], $0xffff;
	[tilespmem:v47+s10+$0x0] =	vst.idx.msk $0xffff, v42  }
0x36c: {  	v51 =	vld.idx.msk [tilespmem:v24+s9+$0x0], $0xffff;
	[tilespmem:v7+s10+$0x0] =	vst.idx.msk $0xffff, v48;
	v7 =	vmov v45  }
0x36d: {  	[tilespmem:$0x1FF10] =	vst v7;
	v7 =	vor.u32 $0x21, v10  }
0x36e: {  	v50 =	vadd.s32 $0x6, v0;
	[tilespmem:$0x1F6E0] =	vst v7;
	v7 =	vor.u32 $0x22, v10  }
0x36f: {  	[tilespmem:$0x1F720] =	vst v7;
	v7 =	vadd.s32 $0x8, v22  }
0x370: {  	v25 =	vor.u32 $0x6, v10;
	v14 =	vld [tilespmem:$0x1FD50];
	[tilespmem:$0x1F770] =	vst v7;
	v7 =	vor.u32 $0x23, v10  }
0x371: {  	[tilespmem:$0x1F7D0] =	vst v7;
	v7 =	vor.u32 $0x23, v5  }
0x372: {  	v57 =	vadd.s32 $0x2, v2;
	[tilespmem:$0x1F760] =	vst v7;
	v7 =	vor.u32 $0x23, v9  }
0x373: {  	v49 =	vor.u32 $0x6, v9;
	v50 =	vld.idx.msk [tilespmem:v50+s2+$0x0], $0xffff;
	[tilespmem:$0x1F780] =	vst v7;
	v7 =	vadd.s32 $0x9, v22  }
0x374: {  	v46 =	vor.u32 $0x6, v5;
	[tilespmem:$0x1F800] =	vst v7;
	v7 =	vld [tilespmem:$0x1FE40]  }
0x375: {  	v1 =	vadd.s32 $0x2, v22;
	[tilespmem:v55+s10+$0x0] =	vst.idx.msk $0xffff, v41;
	v56 =	vld.idx.msk [tilespmem:v25+s9+$0x0], $0xffff  }
0x376: {  	v59 =	vor.u32 $0x21, v43;
	[tilespmem:v24+s10+$0x0] =	vst.idx.msk $0xffff, v51;
	v51 =	vor.u32 $0x7, v23  }
0x377: {  	v63 =	vor.u32 $0x1C, v10;
	v57 =	vld.idx.msk [tilespmem:v57+s2+$0x0], $0xffff;
	[tilespmem:v37+s10+$0x0] =	vst.idx.msk $0xffff, v58  }
0x378: {  	v62 =	vadd.s32 $0x2, v15;
	[tilespmem:v14+s10+$0x0] =	vst.idx.msk $0xffff, v35;
	v14 =	vmov v63;
	v42 =	vld.idx.msk [tilespmem:v49+s9+$0x0], $0xffff  }
0x379: {  	v58 =	vld.idx.msk [tilespmem:v46+s9+$0x0], $0xffff;
	[tilespmem:$0x1FD50] =	vst v14  }
0x37a: {  	v1 =	vld.idx.msk [tilespmem:v1+s2+$0x0], $0xffff;
	[tilespmem:v25+s10+$0x0] =	vst.idx.msk $0xffff, v56  }
0x37b: {  	v41 =	vld.idx.msk [tilespmem:v51+s9+$0x0], $0xffff;
	[tilespmem:v59+s10+$0x0] =	vst.idx.msk $0xffff, v50  }
0x37c: {  	v61 =	vor.u32 $0x1D, v5;
	[tilespmem:v7+s10+$0x0] =	vst.idx.msk $0xffff, v57  }
0x37d: {  	v57 =	vld.idx.msk [tilespmem:v62+s2+$0x0], $0xffff;
	v7 =	vmov v61;
	[tilespmem:v49+s10+$0x0] =	vst.idx.msk $0xffff, v42  }
0x37e: {  	[tilespmem:$0x1FE40] =	vst v7  }
0x37f: {  	v7 =	vor.u32 $0x24, v10;
	[tilespmem:v46+s10+$0x0] =	vst.idx.msk $0xffff, v58  }
0x380: {  	[tilespmem:$0x1F860] =	vst v7;
	v7 =	vor.u32 $0x24, v5  }
0x381: {  	v44 =	vadd.s32 $0x7, v0;
	[tilespmem:$0x1F7F0] =	vst v7;
	v7 =	vor.u32 $0x24, v9  }
0x382: {  	v32 =	vor.u32 $0x7, v5;
	[tilespmem:$0x1F840] =	vst v7;
	v7 =	vadd.s32 $0xA, v22  }
0x383: {  	v34 =	vor.u32 $0x7, v9;
	[tilespmem:$0x1F8B0] =	vst v7;
	v7 =	vadd.s32 $0xA, v2  }
0x384: {  	[tilespmem:$0x1F850] =	vst v7;
	v7 =	vadd.s32 $0xA, v15  }
0x385: {  	[tilespmem:$0x1F870] =	vst v7;
	v7 =	vor.u32 $0x25, v10  }
0x386: {  	v44 =	vld.idx.msk [tilespmem:v44+s2+$0x0], $0xffff;
	[tilespmem:$0x1F900] =	vst v7;
	v7 =	vor.u32 $0x25, v9  }
0x387: {  	v50 =	vld.idx.msk [tilespmem:v32+s9+$0x0], $0xffff;
	[tilespmem:$0x1F8C0] =	vst v7  }
0x388: {  	v7 =	vor.u32 $0x26, v10;
	v25 =	vld.idx.msk [tilespmem:v34+s9+$0x0], $0xffff  }
0x389: {  	[tilespmem:$0x1F910] =	vst v7;
	v7 =	vld [tilespmem:$0x1FF20];
	_ =	sdelay $0x6  }
0x38a: {  	v4 =	vor.u32 $0x1D, v9  }
0x38b: {  	[tilespmem:v7+s10+$0x0] =	vst.idx.msk $0xffff, v57;
	v7 =	vmov v4;
	v4 =	vor.u32 $0x27, v10  }
0x38c: {  	[tilespmem:$0x1F970] =	vst v4;
	v4 =	vor.u32 $0x27, v5  }
0x38d: {  	[tilespmem:$0x1F950] =	vst v4;
	v4 =	vor.u32 $0x27, v9  }
0x38e: {  	[tilespmem:$0x1F960] =	vst v4;
	v4 =	vld [tilespmem:$0x1FD60]  }
0x38f: {  	v8 =	vor.u32 $0x2B, v5;
	[tilespmem:v51+s10+$0x0] =	vst.idx.msk $0xffff, v41  }
0x390: {  	[tilespmem:$0x1FB80] =	vst v8;
	v8 =	vor.u32 $0x2B, v10  }
0x391: {  	v27 =	vor.u32 $0x7, v10;
	[tilespmem:$0x1FC10] =	vst v8;
	v8 =	vor.u32 $0x2B, v9  }
0x392: {  	v3 =	vadd.s32 $0x3, v2;
	[tilespmem:$0x1FBA0] =	vst v8;
	v8 =	vor.u32 $0x2C, v10  }
0x393: {  	[tilespmem:$0x1FCA0] =	vst v8;
	v8 =	vor.u32 $0x2C, v5  }
0x394: {  	[tilespmem:$0x1FC30] =	vst v8;
	v8 =	vor.u32 $0x2C, v9  }
0x395: {  	[tilespmem:$0x1FC50] =	vst v8  }
0x396: {  	v12 =	vor.u32 $0x1D, v10;
	v62 =	vld.idx.msk [tilespmem:v27+s9+$0x0], $0xffff;
	[tilespmem:v4+s10+$0x0] =	vst.idx.msk $0xffff, v1  }
0x397: {  	v1 =	vld.idx.msk [tilespmem:v3+s2+$0x0], $0xffff;
	v3 =	vmov v12;
	[tilespmem:v32+s10+$0x0] =	vst.idx.msk $0xffff, v50  }
0x398: {  	v4 =	vor.u32 $0x29, v10;
	[tilespmem:$0x1FD60] =	vst v3  }
0x399: {  	v55 =	vor.u32 $0x22, v43;
	v42 =	vor.u32 $0x8, v23;
	v3 =	vor.u32 $0x28, v10;
	[tilespmem:$0x1FAA0] =	vst v4  }
0x39a: {  	v6 =	vadd.s32 $0x3, v15;
	v4 =	vor.u32 $0x29, v5;
	[tilespmem:$0x1FA10] =	vst v3  }
0x39b: {  	v3 =	vor.u32 $0x28, v5;
	[tilespmem:$0x1FA30] =	vst v4  }
0x39c: {  	v51 =	vld [tilespmem:$0x1F5A0];
	v4 =	vor.u32 $0x29, v9;
	[tilespmem:$0x1F980] =	vst v3  }
0x39d: {  	v61 =	vadd.s32 $0x8, v0;
	v8 =	vld [tilespmem:$0x1FE50];
	[tilespmem:$0x1FA50] =	vst v4  }
0x39e: {  	v14 =	vmov v27;
	v3 =	vor.u32 $0x28, v9;
	v4 =	vld.idx.msk [tilespmem:v42+s9+$0x0], $0xffff;
	[tilespmem:v55+s10+$0x0] =	vst.idx.msk $0xffff, v44  }
0x39f: {  	[tilespmem:$0x1F990] =	vst v3;
	v3 =	vld.idx.msk [tilespmem:v6+s2+$0x0], $0xffff;
	v6 =	vor.u32 $0x2A, v10  }
0x3a0: {  	v38 =	vadd.s32 $0x3, v22;
	v50 =	vld [tilespmem:$0x1F5B0];
	[tilespmem:$0x1FB60] =	vst v6;
	v6 =	vor.u32 $0x2A, v5  }
0x3a1: {  	v12 =	vld [tilespmem:$0x1FF30];
	[tilespmem:$0x1FAC0] =	vst v6;
	v6 =	vor.u32 $0x2A, v9  }
0x3a2: {  	v27 =	vor.u32 $0x9, v23;
	v32 =	vor.u32 $0x23, v43;
	[tilespmem:$0x1FAE0] =	vst v6;
	v6 =	vld.idx.msk [tilespmem:v61+s2+$0x0], $0xffff  }
0x3a3: {  	v41 =	vadd.s32 $0x9, v0;
	[tilespmem:v14+s10+$0x0] =	vst.idx.msk $0xffff, v62;
	v14 =	vld [tilespmem:$0x1F5C0]  }
0x3a4: {  	[tilespmem:$0x1FF20] =	vst v7;
	v7 =	vld.idx.msk [tilespmem:v51+s9+$0x0], $0xffff  }
0x3a5: {  	[tilespmem:v8+s10+$0x0] =	vst.idx.msk $0xffff, v1;
	v8 =	vld.idx.msk [tilespmem:v38+s2+$0x0], $0xffff  }
0x3a6: {  	[tilespmem:v42+s10+$0x0] =	vst.idx.msk $0xffff, v4;
	v42 =	vld [tilespmem:$0x1FD70]  }
0x3a7: {  	v11 =	vadd.s32 $0x4, v2;
	v4 =	vld.idx.msk [tilespmem:v27+s9+$0x0], $0xffff;
	[tilespmem:v32+s10+$0x0] =	vst.idx.msk $0xffff, v6  }
0x3a8: {  	v6 =	vld.idx.msk [tilespmem:v41+s2+$0x0], $0xffff  }
0x3a9: {  	v39 =	vor.u32 $0x1E, v10;
	[tilespmem:v34+s10+$0x0] =	vst.idx.msk $0xffff, v25;
	v41 =	vld [tilespmem:$0x1F5F0]  }
0x3aa: {  	v52 =	vor.u32 $0x20, v10;
	v20 =	vor.u32 $0x1E, v9;
	v19 =	vadd.s32 $0x4, v15;
	v34 =	vld.idx.msk [tilespmem:v50+s9+$0x0], $0xffff  }
0x3ab: {  	v26 =	vor.u32 $0x1F, v10;
	v31 =	vor.u32 $0x20, v9;
	v53 =	vadd.s32 $0x7, v22;
	v44 =	vld.idx.msk [tilespmem:v14+s9+$0x0], $0xffff;
	[tilespmem:v12+s10+$0x0] =	vst.idx.msk $0xffff, v3;
	v3 =	vmovc v20  }
0x3ac: {  	v60 =	vadd.s32 $0x7, v2;
	v36 =	vadd.s32 $0x5, v22;
	v17 =	vadd.s32 $0x5, v15;
	[tilespmem:$0x1FF30] =	vst v3;
	v3 =	vld.idx.msk [tilespmem:v11+s2+$0x0], $0xffff  }
0x3ad: {  	v21 =	vor.u32 $0x1F, v9;
	v16 =	vor.u32 $0x1E, v5;
	v30 =	vadd.s32 $0x4, v22;
	[tilespmem:v51+s10+$0x0] =	vst.idx.msk $0xffff, v7;
	v51 =	vld [tilespmem:$0x1F5D0]  }
0x3ae: {  	v54 =	vor.u32 $0x22, v9;
	v13 =	vor.u32 $0x1F, v5;
	v29 =	vor.u32 $0x20, v5;
	v1 =	vmovc v16  }
0x3af: {  	v40 =	vadd.s32 $0x6, v15;
	v33 =	vor.u32 $0x21, v5;
	v47 =	vadd.s32 $0x8, v15;
	[tilespmem:$0x1FE50] =	vst v1  }
0x3b0: {  	v37 =	vor.u32 $0x22, v5;
	v35 =	vadd.s32 $0xB, v15;
	v45 =	vadd.s32 $0x7, v15;
	v38 =	vld [tilespmem:$0x1F5E0];
	[tilespmem:v14+s10+$0x0] =	vst.idx.msk $0xffff, v44  }
0x3b1: {  	v59 =	vor.u32 $0x2F, v5;
	v46 =	vor.u32 $0x25, v5;
	v15 =	vor.u32 $0x26, v5;
	v14 =	vld.idx.msk [tilespmem:v41+s9+$0x0], $0xffff;
	[tilespmem:v42+s10+$0x0] =	vst.idx.msk $0xffff, v8;
	v8 =	vmovc v39  }
0x3b2: {  	v62 =	vor.u32 $0x2D, v5;
	v55 =	vor.u32 $0x2E, v5;
	v5 =	vor.u32 $0x30, v5;
	[tilespmem:$0x1FD70] =	vst v8;
	v8 =	vld [tilespmem:$0x1FE60]  }
0x3b3: {  	v28 =	vadd.s32 $0x6, v2;
	v18 =	vadd.s32 $0x5, v2;
	v63 =	vadd.s32 $0x9, v2;
	[tilespmem:$0x1FBE0] =	vst v5  }
0x3b4: {  	v56 =	vor.u32 $0x2F, v10;
	v48 =	vor.u32 $0x21, v9;
	v1 =	vor.u32 $0x2D, v10;
	[tilespmem:v50+s10+$0x0] =	vst.idx.msk $0xffff, v34;
	v50 =	vld [tilespmem:$0x1F610]  }
0x3b5: {  	v24 =	vadd.s32 $0x8, v2;
	v49 =	vadd.s32 $0xB, v2;
	v58 =	vor.u32 $0x2F, v9;
	[tilespmem:$0x1FB30] =	vst v1;
	v7 =	vld.idx.msk [tilespmem:v51+s9+$0x0], $0xffff  }
0x3b6: {  	v2 =	vadd.s32 $0xB, v22;
	v22 =	vor.u32 $0x26, v9;
	v57 =	vor.u32 $0x30, v10;
	[tilespmem:v27+s10+$0x0] =	vst.idx.msk $0xffff, v4;
	v4 =	vld.idx.msk [tilespmem:v30+s2+$0x0], $0xffff  }
0x3b7: {  	v25 =	vor.u32 $0x2E, v9;
	v5 =	vor.u32 $0x30, v9;
	v1 =	vor.u32 $0x2D, v9;
	[tilespmem:v41+s10+$0x0] =	vst.idx.msk $0xffff, v14;
	v14 =	vld [tilespmem:$0x1FF40]  }
0x3b8: {  	v61 =	vor.u32 $0x2E, v10;
	v9 =	vor.u32 $0xA, v23;
	v10 =	vor.u32 $0x24, v43  }
0x3b9: {  	v12 =	vadd.s32 $0xA, v0;
	v11 =	vld.idx.msk [tilespmem:v38+s9+$0x0], $0xffff  }
0x3ba: {  	[tilespmem:v8+s10+$0x0] =	vst.idx.msk $0xffff, v3;
	v3 =	vld.idx.msk [tilespmem:v19+s2+$0x0], $0xffff;
	v8 =	vmov v13  }
0x3bb: {  	[tilespmem:$0x1FE60] =	vst v8  }
0x3bc: {  	[tilespmem:v51+s10+$0x0] =	vst.idx.msk $0xffff, v7;
	v51 =	vld [tilespmem:$0x1F620]  }
0x3bd: {  	v8 =	vld.idx.msk [tilespmem:v9+s9+$0x0], $0xffff;
	[tilespmem:v10+s10+$0x0] =	vst.idx.msk $0xffff, v6  }
0x3be: {  	[tilespmem:v38+s10+$0x0] =	vst.idx.msk $0xffff, v11;
	v6 =	vld.idx.msk [tilespmem:v12+s2+$0x0], $0xffff  }
0x3bf: {  	v12 =	vld.idx.msk [tilespmem:v50+s9+$0x0], $0xffff;
	[tilespmem:v14+s10+$0x0] =	vst.idx.msk $0xffff, v3;
	v3 =	vmov v21  }
0x3c0: {  	[tilespmem:$0x1FF40] =	vst v3;
	v3 =	vld [tilespmem:$0x1FD80];
	_ =	sdelay $0x1  }
0x3c1: {  	v44 =	vld [tilespmem:$0x1F600];
	_ =	sdelay $0x1  }
0x3c2: {  	v13 =	vld.idx.msk [tilespmem:v51+s9+$0x0], $0xffff;
	_ =	sdelay $0x3  }
0x3c3: {  	v14 =	vld [tilespmem:$0x1F630];
	[tilespmem:v3+s10+$0x0] =	vst.idx.msk $0xffff, v4  }
0x3c4: {  	[tilespmem:v51+s10+$0x0] =	vst.idx.msk $0xffff, v13;
	v13 =	vld [tilespmem:$0x1FE70]  }
0x3c5: {  	v10 =	vor.u32 $0xB, v23;
	v7 =	vld.idx.msk [tilespmem:v44+s9+$0x0], $0xffff  }
0x3c6: {  	v34 =	vld [tilespmem:$0x1F650];
	v11 =	vor.u32 $0x25, v43  }
0x3c7: {  	v3 =	vld.idx.msk [tilespmem:v18+s2+$0x0], $0xffff;
	_ =	sdelay $0x1  }
0x3c8: {  	v32 =	vld [tilespmem:$0x1F640];
	[tilespmem:v9+s10+$0x0] =	vst.idx.msk $0xffff, v8  }
0x3c9: {  	v8 =	vld.idx.msk [tilespmem:v10+s9+$0x0], $0xffff;
	[tilespmem:v44+s10+$0x0] =	vst.idx.msk $0xffff, v7  }
0x3ca: {  	[tilespmem:v11+s10+$0x0] =	vst.idx.msk $0xffff, v6;
	v6 =	vld.idx.msk [tilespmem:v14+s9+$0x0], $0xffff  }
0x3cb: {  	v4 =	vmov v26;
	[tilespmem:v13+s10+$0x0] =	vst.idx.msk $0xffff, v3;
	v13 =	vld [tilespmem:$0x1FF50]  }
0x3cc: {  	[tilespmem:$0x1FD80] =	vst v4;
	v4 =	vld.idx.msk [tilespmem:v17+s2+$0x0], $0xffff  }
0x3cd: {  	[tilespmem:v50+s10+$0x0] =	vst.idx.msk $0xffff, v12;
	v12 =	vld.idx.msk [tilespmem:v34+s9+$0x0], $0xffff;
	_ =	sdelay $0x2  }
0x3ce: {  	v11 =	vld.idx.msk [tilespmem:v32+s9+$0x0], $0xffff;
	v3 =	vmov v29  }
0x3cf: {  	[tilespmem:$0x1FE70] =	vst v3;
	v3 =	vld.idx.msk [tilespmem:v36+s2+$0x0], $0xffff  }
0x3d0: {  	v0 =	vadd.s32 $0xB, v0;
	[tilespmem:v34+s10+$0x0] =	vst.idx.msk $0xffff, v12;
	v12 =	vld [tilespmem:$0x1FD90]  }
0x3d1: {  	[tilespmem:v13+s10+$0x0] =	vst.idx.msk $0xffff, v4;
	v13 =	vld [tilespmem:$0x1F680];
	_ =	sdelay $0x2  }
0x3d2: {  	v20 =	vld [tilespmem:$0x1F760]  }
0x3d3: {  	v0 =	vld.idx.msk [tilespmem:v0+s2+$0x0], $0xffff;
	[tilespmem:v10+s10+$0x0] =	vst.idx.msk $0xffff, v8;
	v4 =	vmov v31  }
0x3d4: {  	v7 =	vor.u32 $0xC, v23;
	[tilespmem:$0x1FF50] =	vst v4;
	v4 =	vld.idx.msk [tilespmem:v28+s2+$0x0], $0xffff  }
0x3d5: {  	v9 =	vor.u32 $0x26, v43;
	[tilespmem:v14+s10+$0x0] =	vst.idx.msk $0xffff, v6;
	v14 =	vld [tilespmem:$0x1F660]  }
0x3d6: {  	v36 =	vld [tilespmem:$0x1F670];
	[tilespmem:v32+s10+$0x0] =	vst.idx.msk $0xffff, v11  }
0x3d7: {  	v11 =	vld.idx.msk [tilespmem:v13+s9+$0x0], $0xffff;
	[tilespmem:v12+s10+$0x0] =	vst.idx.msk $0xffff, v3;
	v3 =	vmov v52  }
0x3d8: {  	[tilespmem:$0x1FD90] =	vst v3;
	v3 =	vld [tilespmem:$0x1FE80]  }
0x3d9: {  	v8 =	vld.idx.msk [tilespmem:v7+s9+$0x0], $0xffff  }
0x3da: {  	s3 =	sor.u32 s14, s15;
	v39 =	vld [tilespmem:$0x1F6C0];
	[tilespmem:v9+s10+$0x0] =	vst.idx.msk $0xffff, v0;
	v9 =	vor.u32 $0xD, v23  }
0x3db: {  	s0 =	sor.u32 $0x180, s3;
	v42 =	vld [tilespmem:$0x1F6E0]  }
0x3dc: {  	v0 =	vld [tilespmem:s0+$0x10300]  }
0x3dd: {  	v6 =	vld.idx.msk [tilespmem:v14+s9+$0x0], $0xffff  }
0x3de: {  	v41 =	vld [tilespmem:$0x1FDA0];
	[tilespmem:v7+s10+$0x0] =	vst.idx.msk $0xffff, v8  }
0x3df: {  	v7 =	vld.idx.msk [tilespmem:v9+s9+$0x0], $0xffff  }
0x3e0: {  	v10 =	vld.idx.msk [tilespmem:v36+s9+$0x0], $0xffff;
	[tilespmem:v3+s10+$0x0] =	vst.idx.msk $0xffff, v4;
	v4 =	vmov v33  }
0x3e1: {  	[tilespmem:$0x1FE80] =	vst v4;
	v4 =	vld [tilespmem:$0x1F690]  }
0x3e2: {  	[tilespmem:v14+s10+$0x0] =	vst.idx.msk $0xffff, v6;
	v14 =	vld [tilespmem:$0x1FF60]  }
0x3e3: {  	v38 =	vld [tilespmem:$0x1F6B0]  }
0x3e4: {  	v3 =	vld.idx.msk [tilespmem:v40+s2+$0x0], $0xffff  }
0x3e5: {  	[tilespmem:v36+s10+$0x0] =	vst.idx.msk $0xffff, v10;
	v10 =	vld.idx.msk [tilespmem:v0+s2+$0x0], $0xffff  }
0x3e6: {  	v8 =	vor.u32 $0xE, v23;
	v40 =	vld [tilespmem:$0x1F6D0]  }
0x3e7: {  	[tilespmem:v9+s10+$0x0] =	vst.idx.msk $0xffff, v7;
	v9 =	vld [tilespmem:$0x1FE90]  }
0x3e8: {  	v6 =	vld.idx.msk [tilespmem:v60+s2+$0x0], $0xffff  }
0x3e9: {  	v12 =	vor.u32 $0x27, v43;
	v4 =	vld.idx.msk [tilespmem:v4+s2+$0x0], $0xffff;
	[tilespmem:v13+s10+$0x0] =	vst.idx.msk $0xffff, v11  }
0x3ea: {  	v13 =	vld.idx.msk [tilespmem:v39+s9+$0x0], $0xffff;
	[tilespmem:v14+s10+$0x0] =	vst.idx.msk $0xffff, v3;
	v3 =	vadd.s32 $0x1, v0  }
0x3eb: {  	v7 =	vld.idx.msk [tilespmem:v8+s9+$0x0], $0xffff  }
0x3ec: {  	v21 =	vld [tilespmem:$0x1F7A0]  }
0x3ed: {  	v11 =	vld.idx.msk [tilespmem:v38+s9+$0x0], $0xffff  }
0x3ee: {  	[tilespmem:v12+s10+$0x0] =	vst.idx.msk $0xffff, v10;
	v14 =	vmov v48;
	v48 =	vld [tilespmem:$0x1F710]  }
0x3ef: {  	[tilespmem:v9+s10+$0x0] =	vst.idx.msk $0xffff, v6;
	v3 =	vld.idx.msk [tilespmem:v3+s2+$0x0], $0xffff  }
0x3f0: {  	[tilespmem:v8+s10+$0x0] =	vst.idx.msk $0xffff, v7;
	v8 =	vld [tilespmem:$0x1FDB0]  }
0x3f1: {  	[tilespmem:$0x1FF60] =	vst v14;
	v14 =	vld.idx.msk [tilespmem:v40+s9+$0x0], $0xffff  }
0x3f2: {  	v44 =	vld [tilespmem:$0x1F6F0];
	v6 =	vmov v37;
	[tilespmem:v41+s10+$0x0] =	vst.idx.msk $0xffff, v4  }
0x3f3: {  	[tilespmem:$0x1FE90] =	vst v6;
	v6 =	vld.idx.msk [tilespmem:v53+s2+$0x0], $0xffff  }
0x3f4: {  	v50 =	vld [tilespmem:$0x1FF70];
	v9 =	vor.u32 $0xF, v23;
	v4 =	vmov v42;
	[tilespmem:v38+s10+$0x0] =	vst.idx.msk $0xffff, v11  }
0x3f5: {  	[tilespmem:$0x1FDA0] =	vst v4;
	v4 =	vld.idx.msk [tilespmem:v45+s2+$0x0], $0xffff  }
0x3f6: {  	[tilespmem:v40+s10+$0x0] =	vst.idx.msk $0xffff, v14;
	v45 =	vld [tilespmem:$0x1F700]  }
0x3f7: {  	v11 =	vor.u32 $0x28, v43;
	[tilespmem:v39+s10+$0x0] =	vst.idx.msk $0xffff, v13;
	v14 =	vld.idx.msk [tilespmem:v48+s9+$0x0], $0xffff  }
0x3f8: {  	v13 =	vadd.s32 $0x2, v0;
	[tilespmem:v8+s10+$0x0] =	vst.idx.msk $0xffff, v6;
	v8 =	vld [tilespmem:$0x1F720]  }
0x3f9: {  	v7 =	vld.idx.msk [tilespmem:v9+s9+$0x0], $0xffff  }
0x3fa: {  	v51 =	vld [tilespmem:$0x1F730]  }
0x3fb: {  	v34 =	vld [tilespmem:$0x1FDC0]  }
0x3fc: {  	v52 =	vld [tilespmem:$0x1F740];
	[tilespmem:v11+s10+$0x0] =	vst.idx.msk $0xffff, v3  }
0x3fd: {  	v6 =	vmov v8;
	v8 =	vld.idx.msk [tilespmem:v13+s2+$0x0], $0xffff  }
0x3fe: {  	[tilespmem:v9+s10+$0x0] =	vst.idx.msk $0xffff, v7;
	v9 =	vld [tilespmem:$0x1FF80]  }
0x3ff: {  	v12 =	vld.idx.msk [tilespmem:v45+s9+$0x0], $0xffff  }
0x400: {  	[tilespmem:v50+s10+$0x0] =	vst.idx.msk $0xffff, v4;
	v4 =	vmov v54;
	v54 =	vld [tilespmem:$0x1FEA0]  }
0x401: {  	[tilespmem:$0x1FDB0] =	vst v6;
	v6 =	vld.idx.msk [tilespmem:v47+s2+$0x0], $0xffff  }
0x402: {  	v10 =	vld.idx.msk [tilespmem:v44+s9+$0x0], $0xffff;
	v3 =	vor.u32 $0x10, v23  }
0x403: {  	[tilespmem:$0x1FF70] =	vst v4;
	v4 =	vld.idx.msk [tilespmem:v24+s2+$0x0], $0xffff  }
0x404: {  	v32 =	vld [tilespmem:$0x1F7B0];
	[tilespmem:v45+s10+$0x0] =	vst.idx.msk $0xffff, v12  }
0x405: {  	v11 =	vor.u32 $0x29, v43;
	v12 =	vld.idx.msk [tilespmem:v52+s9+$0x0], $0xffff  }
0x406: {  	v13 =	vadd.s32 $0x3, v0;
	[tilespmem:v9+s10+$0x0] =	vst.idx.msk $0xffff, v6;
	v9 =	vld [tilespmem:$0x1F780]  }
0x407: {  	[tilespmem:v44+s10+$0x0] =	vst.idx.msk $0xffff, v10;
	v7 =	vld.idx.msk [tilespmem:v3+s9+$0x0], $0xffff  }
0x408: {  	v10 =	vld.idx.msk [tilespmem:v51+s9+$0x0], $0xffff;
	[tilespmem:v54+s10+$0x0] =	vst.idx.msk $0xffff, v4;
	v4 =	vmov v20  }
0x409: {  	v53 =	vld [tilespmem:$0x1F750];
	[tilespmem:$0x1FEA0] =	vst v4  }
0x40a: {  	v4 =	vld [tilespmem:$0x1F770];
	[tilespmem:v11+s10+$0x0] =	vst.idx.msk $0xffff, v8  }
0x40b: {  	v6 =	vmov v9;
	v9 =	vld.idx.msk [tilespmem:v13+s2+$0x0], $0xffff  }
0x40c: {  	[tilespmem:v3+s10+$0x0] =	vst.idx.msk $0xffff, v7;
	v7 =	vld [tilespmem:$0x1FEB0]  }
0x40d: {  	v33 =	vld [tilespmem:$0x1F7C0]  }
0x40e: {  	v36 =	vld [tilespmem:$0x1F7D0]  }
0x40f: {  	[tilespmem:$0x1FF80] =	vst v6;
	v6 =	vld.idx.msk [tilespmem:v63+s2+$0x0], $0xffff  }
0x410: {  	v38 =	vld [tilespmem:$0x1F820];
	[tilespmem:v48+s10+$0x0] =	vst.idx.msk $0xffff, v14  }
0x411: {  	v14 =	vld.idx.msk [tilespmem:v53+s9+$0x0], $0xffff  }
0x412: {  	v4 =	vld.idx.msk [tilespmem:v4+s2+$0x0], $0xffff;
	[tilespmem:v51+s10+$0x0] =	vst.idx.msk $0xffff, v10  }
0x413: {  	v10 =	vld.idx.msk [tilespmem:v21+s9+$0x0], $0xffff  }
0x414: {  	v8 =	vor.u32 $0x11, v23;
	[tilespmem:v7+s10+$0x0] =	vst.idx.msk $0xffff, v6;
	v7 =	vld [tilespmem:$0x1F7F0]  }
0x415: {  	v41 =	vld [tilespmem:$0x1F840]  }
0x416: {  	v3 =	vld [tilespmem:$0x1F7E0]  }
0x417: {  	v39 =	vld [tilespmem:$0x1F830];
	v11 =	vor.u32 $0x2A, v43;
	[tilespmem:v53+s10+$0x0] =	vst.idx.msk $0xffff, v14  }
0x418: {  	v13 =	vadd.s32 $0x4, v0;
	v14 =	vld.idx.msk [tilespmem:v33+s9+$0x0], $0xffff;
	[tilespmem:v34+s10+$0x0] =	vst.idx.msk $0xffff, v4;
	v4 =	vmov v36  }
0x419: {  	[tilespmem:$0x1FDC0] =	vst v4;
	v4 =	vld.idx.msk [tilespmem:v8+s9+$0x0], $0xffff;
	v6 =	vmov v7  }
0x41a: {  	[tilespmem:$0x1FEB0] =	vst v6;
	v6 =	vld [tilespmem:$0x1F800]  }
0x41b: {  	v40 =	vld [tilespmem:$0x1FF90];
	[tilespmem:v52+s10+$0x0] =	vst.idx.msk $0xffff, v12  }
0x41c: {  	v12 =	vld.idx.msk [tilespmem:v32+s9+$0x0], $0xffff;
	[tilespmem:v11+s10+$0x0] =	vst.idx.msk $0xffff, v9  }
0x41d: {  	v9 =	vld.idx.msk [tilespmem:v13+s2+$0x0], $0xffff  }
0x41e: {  	v3 =	vld.idx.msk [tilespmem:v3+s2+$0x0], $0xffff  }
0x41f: {  	[tilespmem:v8+s10+$0x0] =	vst.idx.msk $0xffff, v4;
	v8 =	vld [tilespmem:$0x1FDD0];
	_ =	sdelay $0x1  }
0x420: {  	v37 =	vld [tilespmem:$0x1F810]  }
0x421: {  	[tilespmem:v32+s10+$0x0] =	vst.idx.msk $0xffff, v12;
	v6 =	vld.idx.msk [tilespmem:v6+s2+$0x0], $0xffff  }
0x422: {  	v12 =	vld.idx.msk [tilespmem:v38+s9+$0x0], $0xffff;
	[tilespmem:v40+s10+$0x0] =	vst.idx.msk $0xffff, v3;
	v3 =	vmov v41  }
0x423: {  	[tilespmem:$0x1FF90] =	vst v3  }
0x424: {  	v3 =	vld [tilespmem:$0x1F850];
	[tilespmem:v33+s10+$0x0] =	vst.idx.msk $0xffff, v14  }
0x425: {  	v14 =	vld.idx.msk [tilespmem:v39+s9+$0x0], $0xffff  }
0x426: {  	v7 =	vor.u32 $0x12, v23;
	[tilespmem:v8+s10+$0x0] =	vst.idx.msk $0xffff, v6;
	v8 =	vld [tilespmem:$0x1F860];
	_ =	sdelay $0x1  }
0x427: {  	v42 =	vld [tilespmem:$0x1F880]  }
0x428: {  	v47 =	vld [tilespmem:$0x1FEC0];
	[tilespmem:v21+s10+$0x0] =	vst.idx.msk $0xffff, v10  }
0x429: {  	v11 =	vor.u32 $0x2B, v43;
	v10 =	vld.idx.msk [tilespmem:v37+s9+$0x0], $0xffff  }
0x42a: {  	v13 =	vadd.s32 $0x5, v0;
	v4 =	vld.idx.msk [tilespmem:v7+s9+$0x0], $0xffff;
	v6 =	vmov v8  }
0x42b: {  	[tilespmem:$0x1FDD0] =	vst v6;
	v6 =	vld [tilespmem:$0x1F870]  }
0x42c: {  	v3 =	vld.idx.msk [tilespmem:v3+s2+$0x0], $0xffff  }
0x42d: {  	v44 =	vld [tilespmem:$0x1F890]  }
0x42e: {  	v45 =	vld [tilespmem:$0x1F8A0];
	[tilespmem:v11+s10+$0x0] =	vst.idx.msk $0xffff, v9  }
0x42f: {  	v9 =	vld.idx.msk [tilespmem:v13+s2+$0x0], $0xffff;
	[tilespmem:v37+s10+$0x0] =	vst.idx.msk $0xffff, v10  }
0x430: {  	[tilespmem:v7+s10+$0x0] =	vst.idx.msk $0xffff, v4;
	v7 =	vld [tilespmem:$0x1FFA0]  }
0x431: {  	v10 =	vld.idx.msk [tilespmem:v42+s9+$0x0], $0xffff;
	[tilespmem:v47+s10+$0x0] =	vst.idx.msk $0xffff, v3;
	v3 =	vmov v46  }
0x432: {  	[tilespmem:$0x1FEC0] =	vst v3;
	v3 =	vld [tilespmem:$0x1F8B0]  }
0x433: {  	v6 =	vld.idx.msk [tilespmem:v6+s2+$0x0], $0xffff  }
0x434: {  	v8 =	vor.u32 $0x13, v23  }
0x435: {  	v48 =	vld [tilespmem:$0x1F8D0];
	[tilespmem:v39+s10+$0x0] =	vst.idx.msk $0xffff, v14  }
0x436: {  	v14 =	vld.idx.msk [tilespmem:v45+s9+$0x0], $0xffff;
	[tilespmem:v38+s10+$0x0] =	vst.idx.msk $0xffff, v12  }
0x437: {  	v11 =	vor.u32 $0x2C, v43;
	v12 =	vld.idx.msk [tilespmem:v44+s9+$0x0], $0xffff  }
0x438: {  	v13 =	vadd.s32 $0x6, v0;
	[tilespmem:v7+s10+$0x0] =	vst.idx.msk $0xffff, v6;
	v7 =	vld [tilespmem:$0x1F8C0]  }
0x439: {  	v4 =	vld.idx.msk [tilespmem:v8+s9+$0x0], $0xffff  }
0x43a: {  	v50 =	vld [tilespmem:$0x1F8F0]  }
0x43b: {  	v3 =	vld.idx.msk [tilespmem:v3+s2+$0x0], $0xffff;
	[tilespmem:v45+s10+$0x0] =	vst.idx.msk $0xffff, v14  }
0x43c: {  	v14 =	vld [tilespmem:$0x1FDE0];
	[tilespmem:v11+s10+$0x0] =	vst.idx.msk $0xffff, v9  }
0x43d: {  	v6 =	vmov v7;
	v7 =	vld.idx.msk [tilespmem:v13+s2+$0x0], $0xffff  }
0x43e: {  	[tilespmem:v8+s10+$0x0] =	vst.idx.msk $0xffff, v4;
	v8 =	vld [tilespmem:$0x1FED0]  }
0x43f: {  	p0 =	por !p0, !p0;
	s14 =	smov.u32 s29;
	s29 =	simm.s32 $0x1;
	[tilespmem:$0x1FFA0] =	vst v6  }
0x440: {  	s29 =	simm.s32 @!p0 $0x0;
	v6 =	vld.idx.msk [tilespmem:v49+s2+$0x0], $0xffff;
	[tilespmem:v42+s10+$0x0] =	vst.idx.msk $0xffff, v10;
	v10 =	vor.u32 $0x2D, v43  }
0x441: {  	s19 =	sadd.s32 $0x2, s19;
	s15 =	sadd.s32 $0x100, s15;
	s29 =	sshll.u32 s29, $0x6  }
0x442: {  	s31 =	sadd.s32 s29, s15;
	s3 =	sand.u32 $0x3, s19;
	s30 =	sand.u32 $0x200, s15;
	[tilespmem:v44+s10+$0x0] =	vst.idx.msk $0xffff, v12;
	v12 =	vadd.s32 $0x7, v0;
	v49 =	vld [tilespmem:$0x1F8E0]  }
0x443: {  	s29 =	sand.u32 $0x70, s14;
	s0 =	sshll.u32 s3, $0x5;
	s3 =	sadd.s32 $0x10300, s30;
	v13 =	vld.idx.msk [tilespmem:v50+s9+$0x0], $0xffff  }
0x444: {  	s29 =	sor.u32 s29, s3;
	[tilespmem:v14+s10+$0x0] =	vst.idx.msk $0xffff, v3;
	v14 =	vld [tilespmem:$0x1F900]  }
0x445: {  	v4 =	vld [tilespmem:s29+$0x0];
	[tilespmem:v10+s10+$0x0] =	vst.idx.msk $0xffff, v7  }
0x446: {  	v9 =	vld.idx.msk [tilespmem:v48+s9+$0x0], $0xffff;
	[tilespmem:v8+s10+$0x0] =	vst.idx.msk $0xffff, v6;
	v6 =	vmov v15  }
0x447: {  	[tilespmem:$0x1FED0] =	vst v6;
	v6 =	vld.idx.msk [tilespmem:v12+s2+$0x0], $0xffff  }
0x448: {  	v12 =	vld [tilespmem:$0x1FFB0];
	_ =	sdelay $0x1  }
0x449: {  	v3 =	vmov v14;
	v11 =	vld.idx.msk [tilespmem:v49+s9+$0x0], $0xffff  }
0x44a: {  	[tilespmem:$0x1FDE0] =	vst v3;
	v3 =	vld.idx.msk [tilespmem:v35+s2+$0x0], $0xffff;
	_ =	sdelay $0x2  }
0x44b: {  	s25 =	sand.u32 $0x60, s24;
	[tilespmem:v48+s10+$0x0] =	vst.idx.msk $0xffff, v9  }
0x44c: {  	s25 =	sor.u32 s25, s3;
	[tilespmem:v49+s10+$0x0] =	vst.idx.msk $0xffff, v11  }
0x44d: {  	v9 =	vld [tilespmem:s25+$0x0];
	[tilespmem:v12+s10+$0x0] =	vst.idx.msk $0xffff, v3;
	v3 =	vmov v22  }
0x44e: {  	[tilespmem:$0x1FFB0] =	vst v3;
	v3 =	vld [tilespmem:$0x1FDF0];
	_ =	sdelay $0x2  }
0x44f: {  	v2 =	vld.idx.msk [tilespmem:v2+s2+$0x0], $0xffff;
	_ =	sdelay $0x1  }
0x450: {  	s26 =	sand.u32 $0x40, s22  }
0x451: {  	s26 =	sor.u32 s26, s3;
	[tilespmem:v50+s10+$0x0] =	vst.idx.msk $0xffff, v13  }
0x452: {  	v11 =	vld [tilespmem:s26+$0x0]  }
0x453: {  	[tilespmem:v3+s10+$0x0] =	vst.idx.msk $0xffff, v2;
	v3 =	vld [tilespmem:$0x1F910];
	_ =	sdelay $0x1  }
0x454: {  	v8 =	vor.u32 $0x2E, v43  }
0x455: {  	v10 =	vadd.s32 $0x8, v0;
	_ =	sdelay $0x1  }
0x456: {  	v2 =	vmov v3  }
0x457: {  	v3 =	vor.u32 $0x14, v23;
	[tilespmem:$0x1FDF0] =	vst v2;
	v2 =	vld.idx.msk [tilespmem:v4+s2+$0x0], $0xffff  }
0x458: {  	[tilespmem:v8+s10+$0x0] =	vst.idx.msk $0xffff, v6  }
0x459: {  	v6 =	vor.u32 $0x2F, v43;
	v4 =	vld.idx.msk [tilespmem:v10+s2+$0x0], $0xffff;
	_ =	sdelay $0x2  }
0x45a: {  	v52 =	vld [tilespmem:s18+$0x10300];
	[tilespmem:v3+s10+$0x0] =	vst.idx.msk $0xffff, v2  }
0x45b: {  	v10 =	vld [tilespmem:s29+$0x80]  }
0x45c: {  	[tilespmem:v6+s10+$0x0] =	vst.idx.msk $0xffff, v4;
	v6 =	vld [tilespmem:$0x1F930];
	_ =	sdelay $0x1  }
0x45d: {  	s28 =	sand.u32 $0x50, s23  }
0x45e: {  	s28 =	sor.u32 s28, s3;
	v8 =	vld.idx.msk [tilespmem:v9+s2+$0x0], $0xffff  }
0x45f: {  	v0 =	vadd.s32 $0x9, v0;
	v7 =	vld [tilespmem:s28+$0x0]  }
0x460: {  	v51 =	vld [tilespmem:s17+$0x10300]  }
0x461: {  	v46 =	vld.idx.msk [tilespmem:v52+s2+$0x0], $0xffff  }
0x462: {  	v53 =	vld [tilespmem:s16+$0x10300]  }
0x463: {  	[tilespmem:v6+s10+$0x0] =	vst.idx.msk $0xffff, v8;
	v6 =	vld [tilespmem:$0x1F940]  }
0x464: {  	v45 =	vld.idx.msk [tilespmem:v0+s2+$0x0], $0xffff  }
0x465: {  	v0 =	vld [tilespmem:$0x1F920]  }
0x466: {  	v11 =	vld.idx.msk [tilespmem:v11+s2+$0x0], $0xffff;
	_ =	sdelay $0x1  }
0x467: {  	v7 =	vld.idx.msk [tilespmem:v7+s2+$0x0], $0xffff;
	_ =	sdelay $0x1  }
0x468: {  	v50 =	vld [tilespmem:$0x1FFC0]  }
0x469: {  	v28 =	vld.idx.msk [tilespmem:v51+s2+$0x0], $0xffff;
	v30 =	vadd.s32 $0x1, v53;
	v33 =	vadd.s32 $0x2, v53;
	v34 =	vadd.s32 $0x3, v53;
	[tilespmem:v6+s10+$0x0] =	vst.idx.msk $0xffff, v11  }
0x46a: {  	v15 =	vadd.s32 $0x4, v53;
	v12 =	vadd.s32 $0x7, v53;
	v29 =	vadd.s32 $0x9, v53;
	v19 =	vld.idx.msk [tilespmem:v53+s2+$0x0], $0xffff  }
0x46b: {  	v4 =	vadd.s32 $0x5, v53;
	[tilespmem:v0+s10+$0x0] =	vst.idx.msk $0xffff, v7;
	v0 =	vadd.s32 $0x6, v53;
	v7 =	vadd.s32 $0x8, v53;
	v53 =	vld [tilespmem:$0x1FFE0];
	_ =	sdelay $0x6  }
0x46c: {  	v38 =	vld [tilespmem:s25+$0x80];
	[tilespmem:v50+s10+$0x0] =	vst.idx.msk $0xffff, v46  }
0x46d: {  	v46 =	vld.idx.msk [tilespmem:v53+s2+$0x0], $0xffff  }
0x46e: {  	v53 =	vld [tilespmem:$0x1FE00]  }
0x46f: {  	v48 =	vld [tilespmem:$0x1FEE0];
	_ =	sdelay $0x3  }
0x470: {  	v54 =	vadd.s32 $0x1, v51;
	_ =	sdelay $0x1  }
0x471: {  	v17 =	vld [tilespmem:s26+$0x80]  }
0x472: {  	[tilespmem:v53+s10+$0x0] =	vst.idx.msk $0xffff, v19;
	v19 =	vld [tilespmem:$0x1F970]  }
0x473: {  	v47 =	vor.u32 $0x30, v43;
	v18 =	vadd.s32 $0x9, v52;
	v43 =	vmov v23;
	v23 =	vld [tilespmem:s28+$0x80];
	[tilespmem:v48+s10+$0x0] =	vst.idx.msk $0xffff, v28  }
0x474: {  	v20 =	vld.idx.msk [tilespmem:v54+s2+$0x0], $0xffff;
	v54 =	vmov v18;
	_ =	sdelay $0x2  }
0x475: {  	[tilespmem:$0x1FFE0] =	vst v54;
	v54 =	vmov v19  }
0x476: {  	[tilespmem:$0x1FE00] =	vst v54;
	v54 =	vld [tilespmem:$0x1FEF0];
	_ =	sdelay $0x6  }
0x477: {  	v48 =	vld.idx.msk [tilespmem:v23+s2+$0x0], $0xffff  }
0x478: {  	[tilespmem:v54+s10+$0x0] =	vst.idx.msk $0xffff, v20;
	v20 =	vld [tilespmem:$0x1F980];
	_ =	sdelay $0x2  }
0x479: {  	v24 =	vadd.s32 $0x1, v52;
	[tilespmem:v47+s10+$0x0] =	vst.idx.msk $0xffff, v45  }
0x47a: {  	v41 =	vor.u32 $0x15, v43;
	v39 =	vld.idx.msk [tilespmem:v10+s2+$0x0], $0xffff  }
0x47b: {  	v49 =	vld [tilespmem:$0x1F950];
	v54 =	vmov v20  }
0x47c: {  	[tilespmem:$0x1FEF0] =	vst v54;
	v54 =	vld [tilespmem:$0x1FFD0];
	_ =	sdelay $0x1  }
0x47d: {  	v24 =	vld.idx.msk [tilespmem:v24+s2+$0x0], $0xffff  }
0x47e: {  	[tilespmem:v41+s10+$0x0] =	vst.idx.msk $0xffff, v39;
	v41 =	vld [tilespmem:$0x1F990]  }
0x47f: {  	v45 =	vadd.s32 $0x1, v10  }
0x480: {  	v28 =	vmov v49  }
0x481: {  	[tilespmem:$0x1FEE0] =	vst v28;
	v28 =	vadd.s32 $0x1, v23;
	v35 =	vadd.s32 $0x2, v23  }
0x482: {  	v37 =	vadd.s32 $0x3, v23;
	v49 =	vadd.s32 $0x4, v23;
	v18 =	vadd.s32 $0x5, v23;
	v23 =	vld.idx.msk [tilespmem:v38+s2+$0x0], $0xffff  }
0x483: {  	v20 =	vld.idx.msk [tilespmem:v30+s2+$0x0], $0xffff;
	[tilespmem:v54+s10+$0x0] =	vst.idx.msk $0xffff, v24;
	v24 =	vmov v41  }
0x484: {  	v30 =	vld.idx.msk [tilespmem:v45+s2+$0x0], $0xffff;
	[tilespmem:$0x1FFD0] =	vst v24;
	v24 =	vor.u32 $0x16, v43;
	_ =	sdelay $0x2  }
0x485: {  	v21 =	vadd.s32 $0x2, v51;
	v39 =	vmov v5;
	v5 =	vld [tilespmem:$0x1F9C0];
	_ =	sdelay $0x1  }
0x486: {  	[tilespmem:v24+s10+$0x0] =	vst.idx.msk $0xffff, v30;
	v24 =	vld [tilespmem:$0x1FA20]  }
0x487: {  	v45 =	vld [tilespmem:$0x1F9A0];
	_ =	sdelay $0x1  }
0x488: {  	v21 =	vld.idx.msk [tilespmem:v21+s2+$0x0], $0xffff;
	_ =	sdelay $0x1  }
0x489: {  	v41 =	vld [tilespmem:$0x1F9E0]  }
0x48a: {  	v26 =	vadd.s32 $0x2, v52;
	[tilespmem:v5+s10+$0x0] =	vst.idx.msk $0xffff, v48  }
0x48b: {  	v28 =	vld.idx.msk [tilespmem:v28+s2+$0x0], $0xffff  }
0x48c: {  	[tilespmem:v24+s10+$0x0] =	vst.idx.msk $0xffff, v21;
	v24 =	vld [tilespmem:$0x1FA40]  }
0x48d: {  	[tilespmem:v45+s10+$0x0] =	vst.idx.msk $0xffff, v46;
	v45 =	vld [tilespmem:$0x1F9F0]  }
0x48e: {  	v36 =	vadd.s32 $0x1, v38  }
0x48f: {  	v26 =	vld.idx.msk [tilespmem:v26+s2+$0x0], $0xffff  }
0x490: {  	v53 =	vld.idx.msk [tilespmem:v17+s2+$0x0], $0xffff  }
0x491: {  	v42 =	vadd.s32 $0x1, v17;
	[tilespmem:v41+s10+$0x0] =	vst.idx.msk $0xffff, v23;
	v41 =	vld [tilespmem:$0x1FA10]  }
0x492: {  	v46 =	vld [tilespmem:$0x1F9B0]  }
0x493: {  	v23 =	vld.idx.msk [tilespmem:v36+s2+$0x0], $0xffff  }
0x494: {  	[tilespmem:v24+s10+$0x0] =	vst.idx.msk $0xffff, v26;
	v24 =	vld [tilespmem:$0x1FA50]  }
0x495: {  	[tilespmem:v45+s10+$0x0] =	vst.idx.msk $0xffff, v53  }
0x496: {  	v36 =	vld.idx.msk [tilespmem:v42+s2+$0x0], $0xffff;
	v42 =	vmov v41;
	_ =	sdelay $0x1  }
0x497: {  	v54 =	vmov v46;
	v46 =	vld [tilespmem:$0x1FE10]  }
0x498: {  	[tilespmem:$0x1FE10] =	vst v42;
	v42 =	vmov v24;
	v24 =	vld [tilespmem:$0x1FA60]  }
0x499: {  	v22 =	vadd.s32 $0x3, v51  }
0x49a: {  	v27 =	vadd.s32 $0x3, v52;
	_ =	sdelay $0x1  }
0x49b: {  	v16 =	vadd.s32 $0x4, v51;
	v13 =	vadd.s32 $0x5, v51;
	v31 =	vadd.s32 $0x7, v51  }
0x49c: {  	v2 =	vadd.s32 $0x6, v51;
	v8 =	vadd.s32 $0x8, v51;
	v6 =	vadd.s32 $0x9, v51;
	v51 =	vld [tilespmem:$0x1F960]  }
0x49d: {  	v22 =	vld.idx.msk [tilespmem:v22+s2+$0x0], $0xffff  }
0x49e: {  	v26 =	vld.idx.msk [tilespmem:v27+s2+$0x0], $0xffff  }
0x49f: {  	[tilespmem:v24+s10+$0x0] =	vst.idx.msk $0xffff, v28;
	v28 =	vld [tilespmem:$0x1FA70]  }
0x4a0: {  	v27 =	vld.idx.msk [tilespmem:v35+s2+$0x0], $0xffff  }
0x4a1: {  	v5 =	vadd.s32 $0x2, v10;
	v35 =	vld [tilespmem:$0x1FA80]  }
0x4a2: {  	v30 =	vld [tilespmem:$0x1FE20];
	_ =	sdelay $0x1  }
0x4a3: {  	v14 =	vadd.s32 $0x4, v52;
	[tilespmem:v46+s10+$0x0] =	vst.idx.msk $0xffff, v20  }
0x4a4: {  	v32 =	vadd.s32 $0x7, v52;
	v9 =	vadd.s32 $0x5, v52;
	v44 =	vadd.s32 $0x2, v17;
	v45 =	vld.idx.msk [tilespmem:v33+s2+$0x0], $0xffff  }
0x4a5: {  	v3 =	vadd.s32 $0x6, v52;
	v11 =	vadd.s32 $0x8, v52;
	v52 =	vmovc v51;
	v5 =	vld.idx.msk [tilespmem:v5+s2+$0x0], $0xffff;
	v33 =	vor.u32 $0x17, v43  }
0x4a6: {  	[tilespmem:$0x1FFC0] =	vst v52  }
0x4a7: {  	v40 =	vadd.s32 $0x2, v38;
	[tilespmem:v28+s10+$0x0] =	vst.idx.msk $0xffff, v23  }
0x4a8: {  	v50 =	vadd.s32 $0x3, v38;
	v52 =	vadd.s32 $0x4, v38;
	v19 =	vadd.s32 $0x5, v38;
	v38 =	vld [tilespmem:$0x1FAB0];
	[tilespmem:v35+s10+$0x0] =	vst.idx.msk $0xffff, v36  }
0x4a9: {  	v28 =	vld.idx.msk [tilespmem:v44+s2+$0x0], $0xffff;
	[tilespmem:v30+s10+$0x0] =	vst.idx.msk $0xffff, v45  }
0x4aa: {  	[tilespmem:v33+s10+$0x0] =	vst.idx.msk $0xffff, v5;
	v5 =	vld.idx.msk [tilespmem:v34+s2+$0x0], $0xffff  }
0x4ab: {  	v34 =	vmov v55;
	v55 =	vld [tilespmem:$0x1FAF0];
	_ =	sdelay $0x5  }
0x4ac: {  	[tilespmem:v38+s10+$0x0] =	vst.idx.msk $0xffff, v22  }
0x4ad: {  	v16 =	vld.idx.msk [tilespmem:v16+s2+$0x0], $0xffff  }
0x4ae: {  	[tilespmem:v55+s10+$0x0] =	vst.idx.msk $0xffff, v27;
	v55 =	vld [tilespmem:$0x1FB10];
	_ =	sdelay $0x5  }
0x4af: {  	v45 =	vld [tilespmem:$0x1FAD0]  }
0x4b0: {  	v24 =	vadd.s32 $0x3, v10  }
0x4b1: {  	[tilespmem:v55+s10+$0x0] =	vst.idx.msk $0xffff, v28;
	v55 =	vmov v58;
	v58 =	vld [tilespmem:$0x1FB70];
	_ =	sdelay $0x3  }
0x4b2: {  	v20 =	vld.idx.msk [tilespmem:v24+s2+$0x0], $0xffff  }
0x4b3: {  	v23 =	vld.idx.msk [tilespmem:v40+s2+$0x0], $0xffff  }
0x4b4: {  	[tilespmem:v45+s10+$0x0] =	vst.idx.msk $0xffff, v26;
	v26 =	vld [tilespmem:$0x1FB00]  }
0x4b5: {  	v24 =	vld.idx.msk [tilespmem:v37+s2+$0x0], $0xffff  }
0x4b6: {  	[tilespmem:v58+s10+$0x0] =	vst.idx.msk $0xffff, v16;
	v58 =	vld [tilespmem:$0x1FB90];
	_ =	sdelay $0x2  }
0x4b7: {  	v14 =	vld.idx.msk [tilespmem:v14+s2+$0x0], $0xffff;
	_ =	sdelay $0x1  }
0x4b8: {  	v27 =	vld [tilespmem:$0x1FB50]  }
0x4b9: {  	[tilespmem:v26+s10+$0x0] =	vst.idx.msk $0xffff, v23  }
0x4ba: {  	v47 =	vadd.s32 $0x3, v17;
	v23 =	vld.idx.msk [tilespmem:v50+s2+$0x0], $0xffff  }
0x4bb: {  	[tilespmem:v58+s10+$0x0] =	vst.idx.msk $0xffff, v14;
	v14 =	vld [tilespmem:$0x1FBA0];
	_ =	sdelay $0x3  }
0x4bc: {  	v26 =	vld.idx.msk [tilespmem:v47+s2+$0x0], $0xffff  }
0x4bd: {  	[tilespmem:v27+s10+$0x0] =	vst.idx.msk $0xffff, v5;
	v27 =	vmov v14;
	v14 =	vld [tilespmem:$0x1FBB0];
	_ =	sdelay $0x6  }
0x4be: {  	v13 =	vld.idx.msk [tilespmem:v13+s2+$0x0], $0xffff  }
0x4bf: {  	[tilespmem:v14+s10+$0x0] =	vst.idx.msk $0xffff, v24;
	v14 =	vld.idx.msk [tilespmem:v9+s2+$0x0], $0xffff  }
0x4c0: {  	v9 =	vld [tilespmem:$0x1FBC0];
	_ =	sdelay $0x3  }
0x4c1: {  	v46 =	vld [tilespmem:$0x1FA30];
	_ =	sdelay $0x3  }
0x4c2: {  	[tilespmem:v9+s10+$0x0] =	vst.idx.msk $0xffff, v23;
	v9 =	vld [tilespmem:$0x1FBD0]  }
0x4c3: {  	v41 =	vmov v46;
	v46 =	vld [tilespmem:$0x1FAE0]  }
0x4c4: {  	v5 =	vld [tilespmem:$0x1FB60];
	_ =	sdelay $0x3  }
0x4c5: {  	v21 =	vor.u32 $0x18, v43;
	v30 =	vld [tilespmem:$0x1FAA0]  }
0x4c6: {  	v33 =	vmov v46;
	v35 =	vadd.s32 $0x4, v10;
	v46 =	vmov v5;
	v5 =	vld.idx.msk [tilespmem:v15+s2+$0x0], $0xffff  }
0x4c7: {  	[tilespmem:v9+s10+$0x0] =	vst.idx.msk $0xffff, v26;
	v9 =	vld [tilespmem:$0x1FC00];
	_ =	sdelay $0x2  }
0x4c8: {  	v51 =	vadd.s32 $0x4, v17;
	v22 =	vld [tilespmem:$0x1FB80];
	[tilespmem:v21+s10+$0x0] =	vst.idx.msk $0xffff, v20  }
0x4c9: {  	v15 =	vld.idx.msk [tilespmem:v35+s2+$0x0], $0xffff;
	v35 =	vor.u32 $0x19, v43  }
0x4ca: {  	v36 =	vmov v30;
	_ =	sdelay $0x1  }
0x4cb: {  	[tilespmem:$0x1FE20] =	vst v36  }
0x4cc: {  	v36 =	vmov v22;
	v22 =	vld.idx.msk [tilespmem:v51+s2+$0x0], $0xffff;
	[tilespmem:v9+s10+$0x0] =	vst.idx.msk $0xffff, v5  }
0x4cd: {  	[tilespmem:v35+s10+$0x0] =	vst.idx.msk $0xffff, v15;
	v15 =	vld.idx.msk [tilespmem:v4+s2+$0x0], $0xffff  }
0x4ce: {  	v4 =	vld [tilespmem:$0x1FC20];
	_ =	sdelay $0x6  }
0x4cf: {  	v20 =	vld.idx.msk [tilespmem:v49+s2+$0x0], $0xffff  }
0x4d0: {  	[tilespmem:v4+s10+$0x0] =	vst.idx.msk $0xffff, v13;
	v4 =	vld [tilespmem:$0x1FC30];
	_ =	sdelay $0x4  }
0x4d1: {  	v35 =	vmov v4;
	v4 =	vld.idx.msk [tilespmem:v2+s2+$0x0], $0xffff  }
0x4d2: {  	v2 =	vld [tilespmem:$0x1FC40];
	_ =	sdelay $0x6  }
0x4d3: {  	v21 =	vld.idx.msk [tilespmem:v52+s2+$0x0], $0xffff  }
0x4d4: {  	[tilespmem:v2+s10+$0x0] =	vst.idx.msk $0xffff, v14;
	v2 =	vld [tilespmem:$0x1FC50];
	_ =	sdelay $0x4  }
0x4d5: {  	v24 =	vmov v2;
	v2 =	vld [tilespmem:$0x1FC60];
	_ =	sdelay $0x7  }
0x4d6: {  	[tilespmem:v2+s10+$0x0] =	vst.idx.msk $0xffff, v20;
	v2 =	vld.idx.msk [tilespmem:v3+s2+$0x0], $0xffff  }
0x4d7: {  	v3 =	vld [tilespmem:$0x1FC70];
	_ =	sdelay $0x3  }
0x4d8: {  	v60 =	vld [tilespmem:$0x1F6A0]  }
0x4d9: {  	v63 =	vld [tilespmem:$0x1F790]  }
0x4da: {  	v48 =	vld [tilespmem:$0x1F9D0]  }
0x4db: {  	v53 =	vld [tilespmem:$0x1FA00]  }
0x4dc: {  	[tilespmem:v3+s10+$0x0] =	vst.idx.msk $0xffff, v21;
	v3 =	vld [tilespmem:$0x1FC80]  }
0x4dd: {  	v40 =	vld [tilespmem:$0x1FA90]  }
0x4de: {  	v10 =	vadd.s32 $0x5, v10;
	v14 =	vld [tilespmem:$0x1FC90]  }
0x4df: {  	v44 =	vld [tilespmem:$0x1FAC0]  }
0x4e0: {  	v17 =	vadd.s32 $0x5, v17;
	v37 =	vmov v62;
	v62 =	vld [tilespmem:$0x1FB40]  }
0x4e1: {  	v50 =	vmov v56;
	v56 =	vmov v61;
	v61 =	vld [tilespmem:$0x1FB20]  }
0x4e2: {  	v47 =	vld [tilespmem:$0x1FB30]  }
0x4e3: {  	v10 =	vld.idx.msk [tilespmem:v10+s2+$0x0], $0xffff  }
0x4e4: {  	s20 =	sadd.s32 $0x4, s20;
	s21 =	sadd.s32 $0x4, s21;
	v5 =	vld [tilespmem:$0x1FC10];
	[tilespmem:v3+s10+$0x0] =	vst.idx.msk $0xffff, v22  }
0x4e5: {  	p1 =	slt.u32 s20, $0xC;
	s24 =	sor.u32 s24, s15;
	s23 =	sor.u32 s23, s15;
	v3 =	vld.idx.msk [tilespmem:v17+s2+$0x0], $0xffff  }
0x4e6: {  	s30 =	sor.u32 $0x100, s31;
	s0 =	sadd.s32 s15, s0;
	s3 =	sor.u32 s22, s15;
	[tilespmem:v14+s10+$0x0] =	vst.idx.msk $0xffff, v15;
	v14 =	vld [tilespmem:$0x1FCA0]  }
.Ltmp1:
0x4e7: {  	s22 =	sadd.s32 $0x40, s22;
	s0 =	sadd.s32 $0x20, s0;
	v58 =	vld [tilespmem:$0x1FBF0];
	(pc) =	sbr.rel @p1 .LBB2_5-.Ltmp1, $4  }
0x4e8: {  	s31 =	sor.u32 $0x100, s0;
	s0 =	sor.u32 $0x180, s3;
	s28 =	sand.u32 $0x7, s21;
	v52 =	vld [tilespmem:$0x1FFF0]  }
0x4e9: {  	s3 =	sor.u32 $0x180, s23;
	s16 =	smov.u32 s0;
	s0 =	sshll.u32 s28, $0x4;
	v51 =	vld [tilespmem:$0x1FBE0]  }
0x4ea: {  	s23 =	sor.u32 $0x180, s24;
	s17 =	smov.u32 s3;
	s29 =	sadd.s32 s15, s0;
	v45 =	vmov v5;
	v5 =	vld.idx.msk [tilespmem:v18+s2+$0x0], $0xffff  }
0x4eb: {  	s18 =	smov.u32 s23;
	s0 =	sadd.s32 $0x10, s29;
	s23 =	sadd.s32 $0x30, s29;
	v38 =	vmov v44;
	v9 =	vor.u32 $0x1A, v43;
	v13 =	vld.idx.msk [tilespmem:v19+s2+$0x0], $0xffff;
	v44 =	vmov v14  }
0x4ec: {  	_ =	sdelay $0x3  }
0x4ed: {  	[tilespmem:v9+s10+$0x0] =	vst.idx.msk $0xffff, v10;
	s3 =	sor.u32 $0x100, s23  }
0x4ee: {  	s0 =	sor.u32 $0x100, s0;
	v10 =	vld [tilespmem:s3+$0x10300];
	[tilespmem:v48+s10+$0x0] =	vst.idx.msk $0xffff, v5  }
0x4ef: {  	v9 =	vld [tilespmem:s0+$0x10300];
	_ =	sdelay $0x4  }
0x4f0: {  	[tilespmem:v62+s10+$0x0] =	vst.idx.msk $0xffff, v3  }
0x4f1: {  	v3 =	vld [tilespmem:s30+$0x10300]  }
0x4f2: {  	v14 =	vor.u32 $0x1B, v43;
	v26 =	vld.idx.msk [tilespmem:v10+s2+$0x0], $0xffff  }
0x4f3: {  	[tilespmem:v40+s10+$0x0] =	vst.idx.msk $0xffff, v13;
	v16 =	vld.idx.msk [tilespmem:v9+s2+$0x0], $0xffff  }
0x4f4: {  	v5 =	vld [tilespmem:s31+$0x10300];
	_ =	sdelay $0x1  }
0x4f5: {  	v15 =	vadd.s32 $0x1, v10  }
0x4f6: {  	[tilespmem:v14+s10+$0x0] =	vst.idx.msk $0xffff, v26  }
0x4f7: {  	[tilespmem:v61+s10+$0x0] =	vst.idx.msk $0xffff, v16  }
0x4f8: {  	v16 =	vld [tilespmem:$0x1FF00]  }
0x4f9: {  	v28 =	vld.idx.msk [tilespmem:v3+s2+$0x0], $0xffff  }
0x4fa: {  	v19 =	vor.u32 $0x1C, v43;
	v15 =	vld.idx.msk [tilespmem:v15+s2+$0x0], $0xffff  }
0x4fb: {  	v17 =	vld.idx.msk [tilespmem:v5+s2+$0x0], $0xffff;
	_ =	sdelay $0x2  }
0x4fc: {  	[tilespmem:v58+s10+$0x0] =	vst.idx.msk $0xffff, v28  }
0x4fd: {  	v18 =	vadd.s32 $0x1, v9;
	[tilespmem:v19+s10+$0x0] =	vst.idx.msk $0xffff, v15  }
0x4fe: {  	[tilespmem:v16+s10+$0x0] =	vst.idx.msk $0xffff, v17  }
0x4ff: {  	v22 =	vld [tilespmem:$0x1FE30];
	_ =	sdelay $0x2  }
0x500: {  	v40 =	vld.idx.msk [tilespmem:v18+s2+$0x0], $0xffff;
	_ =	sdelay $0x3  }
0x501: {  	v30 =	vadd.s32 $0x1, v5  }
0x502: {  	[tilespmem:v22+s10+$0x0] =	vst.idx.msk $0xffff, v40  }
0x503: {  	v16 =	vld [tilespmem:$0x1FF10];
	_ =	sdelay $0x2  }
0x504: {  	v48 =	vld.idx.msk [tilespmem:v30+s2+$0x0], $0xffff;
	_ =	sdelay $0x2  }
0x505: {  	v21 =	vadd.s32 $0x2, v10  }
0x506: {  	v20 =	vadd.s32 $0x1, v3  }
0x507: {  	[tilespmem:v16+s10+$0x0] =	vst.idx.msk $0xffff, v48  }
0x508: {  	v48 =	vld [tilespmem:$0x1FD50];
	_ =	sdelay $0x1  }
0x509: {  	v26 =	vor.u32 $0x1D, v43;
	v62 =	vld.idx.msk [tilespmem:v21+s2+$0x0], $0xffff  }
0x50a: {  	v58 =	vld.idx.msk [tilespmem:v20+s2+$0x0], $0xffff;
	_ =	sdelay $0x3  }
0x50b: {  	v49 =	vadd.s32 $0x2, v9;
	[tilespmem:v26+s10+$0x0] =	vst.idx.msk $0xffff, v62  }
0x50c: {  	[tilespmem:v48+s10+$0x0] =	vst.idx.msk $0xffff, v58  }
0x50d: {  	v22 =	vld [tilespmem:$0x1FE40];
	_ =	sdelay $0x2  }
0x50e: {  	v40 =	vld.idx.msk [tilespmem:v49+s2+$0x0], $0xffff;
	_ =	sdelay $0x3  }
0x50f: {  	v61 =	vadd.s32 $0x2, v5  }
0x510: {  	[tilespmem:v22+s10+$0x0] =	vst.idx.msk $0xffff, v40  }
0x511: {  	v13 =	vld [tilespmem:$0x1FF20];
	_ =	sdelay $0x2  }
0x512: {  	v49 =	vld.idx.msk [tilespmem:v61+s2+$0x0], $0xffff;
	_ =	sdelay $0x2  }
0x513: {  	v30 =	vadd.s32 $0x3, v10  }
0x514: {  	v28 =	vadd.s32 $0x2, v3  }
0x515: {  	[tilespmem:v13+s10+$0x0] =	vst.idx.msk $0xffff, v49  }
0x516: {  	v14 =	vld [tilespmem:$0x1FD60];
	_ =	sdelay $0x1  }
0x517: {  	v26 =	vor.u32 $0x1E, v43;
	v18 =	vld.idx.msk [tilespmem:v30+s2+$0x0], $0xffff  }
0x518: {  	v61 =	vld.idx.msk [tilespmem:v28+s2+$0x0], $0xffff;
	_ =	sdelay $0x3  }
0x519: {  	v58 =	vadd.s32 $0x3, v9;
	[tilespmem:v26+s10+$0x0] =	vst.idx.msk $0xffff, v18  }
0x51a: {  	[tilespmem:v14+s10+$0x0] =	vst.idx.msk $0xffff, v61  }
0x51b: {  	v22 =	vld [tilespmem:$0x1FE50];
	_ =	sdelay $0x2  }
0x51c: {  	v40 =	vld.idx.msk [tilespmem:v58+s2+$0x0], $0xffff;
	_ =	sdelay $0x3  }
0x51d: {  	v62 =	vadd.s32 $0x3, v5  }
0x51e: {  	[tilespmem:v22+s10+$0x0] =	vst.idx.msk $0xffff, v40  }
0x51f: {  	v13 =	vld [tilespmem:$0x1FF30];
	_ =	sdelay $0x2  }
0x520: {  	v48 =	vld.idx.msk [tilespmem:v62+s2+$0x0], $0xffff;
	_ =	sdelay $0x2  }
0x521: {  	v30 =	vadd.s32 $0x4, v10  }
0x522: {  	v28 =	vadd.s32 $0x3, v3  }
0x523: {  	[tilespmem:v13+s10+$0x0] =	vst.idx.msk $0xffff, v48  }
0x524: {  	v14 =	vld [tilespmem:$0x1FD70];
	_ =	sdelay $0x1  }
0x525: {  	v18 =	vld.idx.msk [tilespmem:v30+s2+$0x0], $0xffff;
	v61 =	vor.u32 $0x1F, v43  }
0x526: {  	v16 =	vld.idx.msk [tilespmem:v28+s2+$0x0], $0xffff;
	_ =	sdelay $0x3  }
0x527: {  	v49 =	vadd.s32 $0x4, v9;
	[tilespmem:v61+s10+$0x0] =	vst.idx.msk $0xffff, v18  }
0x528: {  	[tilespmem:v14+s10+$0x0] =	vst.idx.msk $0xffff, v16  }
0x529: {  	v22 =	vld [tilespmem:$0x1FE60];
	_ =	sdelay $0x2  }
0x52a: {  	v28 =	vld.idx.msk [tilespmem:v49+s2+$0x0], $0xffff;
	_ =	sdelay $0x3  }
0x52b: {  	v58 =	vadd.s32 $0x4, v5  }
0x52c: {  	[tilespmem:v22+s10+$0x0] =	vst.idx.msk $0xffff, v28  }
0x52d: {  	v13 =	vld [tilespmem:$0x1FF40];
	_ =	sdelay $0x2  }
0x52e: {  	v30 =	vld.idx.msk [tilespmem:v58+s2+$0x0], $0xffff;
	_ =	sdelay $0x2  }
0x52f: {  	v26 =	vadd.s32 $0x5, v10  }
0x530: {  	v62 =	vadd.s32 $0x4, v3  }
0x531: {  	[tilespmem:v13+s10+$0x0] =	vst.idx.msk $0xffff, v30  }
0x532: {  	v14 =	vld [tilespmem:$0x1FD80];
	_ =	sdelay $0x1  }
0x533: {  	v49 =	vor.u32 $0x20, v43;
	v18 =	vld.idx.msk [tilespmem:v26+s2+$0x0], $0xffff  }
0x534: {  	v16 =	vld.idx.msk [tilespmem:v62+s2+$0x0], $0xffff;
	_ =	sdelay $0x3  }
0x535: {  	v40 =	vadd.s32 $0x5, v9;
	[tilespmem:v49+s10+$0x0] =	vst.idx.msk $0xffff, v18  }
0x536: {  	[tilespmem:v14+s10+$0x0] =	vst.idx.msk $0xffff, v16  }
0x537: {  	v22 =	vld [tilespmem:$0x1FE70];
	_ =	sdelay $0x2  }
0x538: {  	v62 =	vld.idx.msk [tilespmem:v40+s2+$0x0], $0xffff;
	_ =	sdelay $0x3  }
0x539: {  	v48 =	vadd.s32 $0x5, v5  }
0x53a: {  	[tilespmem:v22+s10+$0x0] =	vst.idx.msk $0xffff, v62  }
0x53b: {  	v13 =	vld [tilespmem:$0x1FF50];
	_ =	sdelay $0x2  }
0x53c: {  	v26 =	vld.idx.msk [tilespmem:v48+s2+$0x0], $0xffff;
	_ =	sdelay $0x2  }
0x53d: {  	v61 =	vadd.s32 $0x6, v10  }
0x53e: {  	v58 =	vadd.s32 $0x5, v3  }
0x53f: {  	[tilespmem:v13+s10+$0x0] =	vst.idx.msk $0xffff, v26  }
0x540: {  	v14 =	vld [tilespmem:$0x1FD90];
	_ =	sdelay $0x1  }
0x541: {  	v48 =	vor.u32 $0x21, v43;
	v18 =	vld.idx.msk [tilespmem:v61+s2+$0x0], $0xffff  }
0x542: {  	v16 =	vld.idx.msk [tilespmem:v58+s2+$0x0], $0xffff;
	_ =	sdelay $0x3  }
0x543: {  	v28 =	vadd.s32 $0x6, v9;
	[tilespmem:v48+s10+$0x0] =	vst.idx.msk $0xffff, v18  }
0x544: {  	[tilespmem:v14+s10+$0x0] =	vst.idx.msk $0xffff, v16  }
0x545: {  	v22 =	vld [tilespmem:$0x1FE80];
	_ =	sdelay $0x2  }
0x546: {  	v58 =	vld.idx.msk [tilespmem:v28+s2+$0x0], $0xffff;
	_ =	sdelay $0x3  }
0x547: {  	v30 =	vadd.s32 $0x6, v5  }
0x548: {  	[tilespmem:v22+s10+$0x0] =	vst.idx.msk $0xffff, v58  }
0x549: {  	v13 =	vld [tilespmem:$0x1FF60];
	_ =	sdelay $0x2  }
0x54a: {  	v61 =	vld.idx.msk [tilespmem:v30+s2+$0x0], $0xffff;
	_ =	sdelay $0x2  }
0x54b: {  	v49 =	vadd.s32 $0x7, v10  }
0x54c: {  	v40 =	vadd.s32 $0x6, v3  }
0x54d: {  	[tilespmem:v13+s10+$0x0] =	vst.idx.msk $0xffff, v61  }
0x54e: {  	v14 =	vld [tilespmem:$0x1FDA0];
	_ =	sdelay $0x1  }
0x54f: {  	v30 =	vor.u32 $0x22, v43;
	v18 =	vld.idx.msk [tilespmem:v49+s2+$0x0], $0xffff  }
0x550: {  	v16 =	vld.idx.msk [tilespmem:v40+s2+$0x0], $0xffff;
	_ =	sdelay $0x3  }
0x551: {  	v62 =	vadd.s32 $0x7, v9;
	[tilespmem:v30+s10+$0x0] =	vst.idx.msk $0xffff, v18  }
0x552: {  	[tilespmem:v14+s10+$0x0] =	vst.idx.msk $0xffff, v16  }
0x553: {  	v22 =	vld [tilespmem:$0x1FE90];
	_ =	sdelay $0x2  }
0x554: {  	v48 =	vld.idx.msk [tilespmem:v62+s2+$0x0], $0xffff;
	_ =	sdelay $0x3  }
0x555: {  	v26 =	vadd.s32 $0x7, v5  }
0x556: {  	[tilespmem:v22+s10+$0x0] =	vst.idx.msk $0xffff, v48  }
0x557: {  	v13 =	vld [tilespmem:$0x1FF70];
	_ =	sdelay $0x2  }
0x558: {  	v49 =	vld.idx.msk [tilespmem:v26+s2+$0x0], $0xffff;
	_ =	sdelay $0x2  }
0x559: {  	v40 =	vadd.s32 $0x8, v10  }
0x55a: {  	v28 =	vadd.s32 $0x7, v3  }
0x55b: {  	[tilespmem:v13+s10+$0x0] =	vst.idx.msk $0xffff, v49  }
0x55c: {  	v14 =	vld [tilespmem:$0x1FDB0];
	_ =	sdelay $0x1  }
0x55d: {  	v26 =	vor.u32 $0x23, v43;
	v18 =	vld.idx.msk [tilespmem:v40+s2+$0x0], $0xffff  }
0x55e: {  	v16 =	vld.idx.msk [tilespmem:v28+s2+$0x0], $0xffff;
	_ =	sdelay $0x3  }
0x55f: {  	v58 =	vadd.s32 $0x8, v9;
	[tilespmem:v26+s10+$0x0] =	vst.idx.msk $0xffff, v18  }
0x560: {  	[tilespmem:v14+s10+$0x0] =	vst.idx.msk $0xffff, v16  }
0x561: {  	v22 =	vld [tilespmem:$0x1FEA0];
	_ =	sdelay $0x2  }
0x562: {  	v30 =	vld.idx.msk [tilespmem:v58+s2+$0x0], $0xffff;
	_ =	sdelay $0x3  }
0x563: {  	v61 =	vadd.s32 $0x8, v5  }
0x564: {  	[tilespmem:v22+s10+$0x0] =	vst.idx.msk $0xffff, v30  }
0x565: {  	v13 =	vld [tilespmem:$0x1FF80];
	_ =	sdelay $0x2  }
0x566: {  	v40 =	vld.idx.msk [tilespmem:v61+s2+$0x0], $0xffff;
	_ =	sdelay $0x3  }
0x567: {  	v62 =	vadd.s32 $0x8, v3  }
0x568: {  	v28 =	vadd.s32 $0x9, v10;
	[tilespmem:v13+s10+$0x0] =	vst.idx.msk $0xffff, v40  }
0x569: {  	v14 =	vld [tilespmem:$0x1FDC0];
	_ =	sdelay $0x2  }
0x56a: {  	v16 =	vld.idx.msk [tilespmem:v62+s2+$0x0], $0xffff  }
0x56b: {  	v58 =	vadd.s32 $0x9, v3;
	v61 =	vor.u32 $0x24, v43;
	v18 =	vld.idx.msk [tilespmem:v28+s2+$0x0], $0xffff;
	_ =	sdelay $0x3  }
0x56c: {  	v48 =	vadd.s32 $0x9, v9;
	[tilespmem:v14+s10+$0x0] =	vst.idx.msk $0xffff, v16  }
0x56d: {  	[tilespmem:v61+s10+$0x0] =	vst.idx.msk $0xffff, v18;
	v16 =	vld.idx.msk [tilespmem:v58+s2+$0x0], $0xffff  }
0x56e: {  	v58 =	vld [tilespmem:$0x1FEB0];
	_ =	sdelay $0x2  }
0x56f: {  	v26 =	vld.idx.msk [tilespmem:v48+s2+$0x0], $0xffff;
	_ =	sdelay $0x3  }
0x570: {  	v49 =	vadd.s32 $0x9, v5  }
0x571: {  	[tilespmem:v58+s10+$0x0] =	vst.idx.msk $0xffff, v26  }
0x572: {  	v13 =	vld [tilespmem:$0x1FF90];
	_ =	sdelay $0x2  }
0x573: {  	v28 =	vld.idx.msk [tilespmem:v49+s2+$0x0], $0xffff;
	_ =	sdelay $0x2  }
0x574: {  	v62 =	vadd.s32 $0xA, v10;
	_ =	sdelay $0x1  }
0x575: {  	[tilespmem:v13+s10+$0x0] =	vst.idx.msk $0xffff, v28  }
0x576: {  	v14 =	vld [tilespmem:$0x1FDD0];
	_ =	sdelay $0x1  }
0x577: {  	v49 =	vor.u32 $0x25, v43;
	v18 =	vld.idx.msk [tilespmem:v62+s2+$0x0], $0xffff;
	_ =	sdelay $0x4  }
0x578: {  	v30 =	vadd.s32 $0xA, v9;
	[tilespmem:v49+s10+$0x0] =	vst.idx.msk $0xffff, v18  }
0x579: {  	[tilespmem:v14+s10+$0x0] =	vst.idx.msk $0xffff, v16  }
0x57a: {  	v22 =	vld [tilespmem:$0x1FEC0];
	_ =	sdelay $0x2  }
0x57b: {  	v61 =	vld.idx.msk [tilespmem:v30+s2+$0x0], $0xffff;
	_ =	sdelay $0x3  }
0x57c: {  	v40 =	vadd.s32 $0xA, v5  }
0x57d: {  	[tilespmem:v22+s10+$0x0] =	vst.idx.msk $0xffff, v61  }
0x57e: {  	v13 =	vld [tilespmem:$0x1FFA0];
	_ =	sdelay $0x2  }
0x57f: {  	v62 =	vld.idx.msk [tilespmem:v40+s2+$0x0], $0xffff;
	_ =	sdelay $0x2  }
0x580: {  	v10 =	vadd.s32 $0xB, v10  }
0x581: {  	v48 =	vadd.s32 $0xA, v3  }
0x582: {  	[tilespmem:v13+s10+$0x0] =	vst.idx.msk $0xffff, v62  }
0x583: {  	v13 =	vld [tilespmem:$0x1FDE0];
	_ =	sdelay $0x1  }
0x584: {  	v21 =	vor.u32 $0x26, v43;
	v10 =	vld.idx.msk [tilespmem:v10+s2+$0x0], $0xffff  }
0x585: {  	v20 =	vld.idx.msk [tilespmem:v48+s2+$0x0], $0xffff;
	_ =	sdelay $0x3  }
0x586: {  	v9 =	vadd.s32 $0xB, v9;
	[tilespmem:v21+s10+$0x0] =	vst.idx.msk $0xffff, v10  }
0x587: {  	[tilespmem:v13+s10+$0x0] =	vst.idx.msk $0xffff, v20  }
0x588: {  	v13 =	vld [tilespmem:$0x1FED0];
	_ =	sdelay $0x2  }
0x589: {  	v9 =	vld.idx.msk [tilespmem:v9+s2+$0x0], $0xffff;
	_ =	sdelay $0x2  }
0x58a: {  	v5 =	vadd.s32 $0xB, v5;
	_ =	sdelay $0x1  }
0x58b: {  	[tilespmem:v13+s10+$0x0] =	vst.idx.msk $0xffff, v9  }
0x58c: {  	v9 =	vld [tilespmem:$0x1FFB0]  }
0x58d: {  	s30 =	sor.u32 s14, s15  }
0x58e: {  	s0 =	sor.u32 $0x180, s30;
	v5 =	vld.idx.msk [tilespmem:v5+s2+$0x0], $0xffff  }
0x58f: {  	v10 =	vld [tilespmem:s0+$0x10300];
	_ =	sdelay $0x3  }
0x590: {  	v3 =	vadd.s32 $0xB, v3  }
0x591: {  	[tilespmem:v9+s10+$0x0] =	vst.idx.msk $0xffff, v5  }
0x592: {  	v5 =	vld [tilespmem:$0x1FDF0];
	_ =	sdelay $0x1  }
0x593: {  	v26 =	vor.u32 $0x27, v43;
	v23 =	vld.idx.msk [tilespmem:v10+s2+$0x0], $0xffff  }
0x594: {  	v3 =	vld.idx.msk [tilespmem:v3+s2+$0x0], $0xffff  }
0x595: {  	v9 =	vld [tilespmem:s17+$0x10300];
	_ =	sdelay $0x2  }
0x596: {  	[tilespmem:v26+s10+$0x0] =	vst.idx.msk $0xffff, v23  }
0x597: {  	[tilespmem:v5+s10+$0x0] =	vst.idx.msk $0xffff, v3  }
0x598: {  	v22 =	vld [tilespmem:$0x1FEE0];
	_ =	sdelay $0x2  }
0x599: {  	v30 =	vld.idx.msk [tilespmem:v9+s2+$0x0], $0xffff  }
0x59a: {  	v5 =	vld [tilespmem:s18+$0x10300];
	_ =	sdelay $0x3  }
0x59b: {  	[tilespmem:v22+s10+$0x0] =	vst.idx.msk $0xffff, v30  }
0x59c: {  	v16 =	vld [tilespmem:$0x1FFC0];
	_ =	sdelay $0x2  }
0x59d: {  	v48 =	vld.idx.msk [tilespmem:v5+s2+$0x0], $0xffff  }
0x59e: {  	v3 =	vld [tilespmem:s16+$0x10300];
	_ =	sdelay $0x1  }
0x59f: {  	v28 =	vadd.s32 $0x1, v10;
	_ =	sdelay $0x1  }
0x5a0: {  	[tilespmem:v16+s10+$0x0] =	vst.idx.msk $0xffff, v48  }
0x5a1: {  	v30 =	vld [tilespmem:$0x1FE00];
	_ =	sdelay $0x1  }
0x5a2: {  	v61 =	vor.u32 $0x28, v43;
	v15 =	vld.idx.msk [tilespmem:v28+s2+$0x0], $0xffff  }
0x5a3: {  	v58 =	vld.idx.msk [tilespmem:v3+s2+$0x0], $0xffff;
	_ =	sdelay $0x3  }
0x5a4: {  	v40 =	vadd.s32 $0x1, v9;
	[tilespmem:v61+s10+$0x0] =	vst.idx.msk $0xffff, v15  }
0x5a5: {  	[tilespmem:v30+s10+$0x0] =	vst.idx.msk $0xffff, v58  }
0x5a6: {  	v22 =	vld [tilespmem:$0x1FEF0];
	_ =	sdelay $0x2  }
0x5a7: {  	v28 =	vld.idx.msk [tilespmem:v40+s2+$0x0], $0xffff;
	_ =	sdelay $0x3  }
0x5a8: {  	v49 =	vadd.s32 $0x1, v5  }
0x5a9: {  	[tilespmem:v22+s10+$0x0] =	vst.idx.msk $0xffff, v28  }
0x5aa: {  	v16 =	vld [tilespmem:$0x1FFD0];
	_ =	sdelay $0x2  }
0x5ab: {  	v26 =	vadd.s32 $0x2, v10;
	v13 =	vld.idx.msk [tilespmem:v49+s2+$0x0], $0xffff;
	_ =	sdelay $0x1  }
0x5ac: {  	v40 =	vadd.s32 $0x2, v9  }
0x5ad: {  	v48 =	vadd.s32 $0x2, v5  }
0x5ae: {  	v62 =	vadd.s32 $0x1, v3  }
0x5af: {  	v49 =	vld.idx.msk [tilespmem:v26+s2+$0x0], $0xffff;
	[tilespmem:v16+s10+$0x0] =	vst.idx.msk $0xffff, v13  }
0x5b0: {  	v58 =	vor.u32 $0x29, v43;
	v16 =	vld [tilespmem:$0x1FE10]  }
0x5b1: {  	v26 =	vld.idx.msk [tilespmem:v40+s2+$0x0], $0xffff  }
0x5b2: {  	v15 =	vld.idx.msk [tilespmem:v48+s2+$0x0], $0xffff  }
0x5b3: {  	v17 =	vld.idx.msk [tilespmem:v62+s2+$0x0], $0xffff;
	_ =	sdelay $0x1  }
0x5b4: {  	[tilespmem:v58+s10+$0x0] =	vst.idx.msk $0xffff, v49  }
0x5b5: {  	v62 =	vadd.s32 $0x3, v10;
	[tilespmem:v41+s10+$0x0] =	vst.idx.msk $0xffff, v26  }
0x5b6: {  	v61 =	vadd.s32 $0x2, v3;
	[tilespmem:v42+s10+$0x0] =	vst.idx.msk $0xffff, v15  }
0x5b7: {  	[tilespmem:v16+s10+$0x0] =	vst.idx.msk $0xffff, v17  }
0x5b8: {  	v58 =	vld [tilespmem:$0x1FE20];
	_ =	sdelay $0x1  }
0x5b9: {  	v28 =	vadd.s32 $0x3, v9;
	v40 =	vor.u32 $0x2A, v43;
	v18 =	vld.idx.msk [tilespmem:v62+s2+$0x0], $0xffff  }
0x5ba: {  	v30 =	vadd.s32 $0x3, v5;
	v17 =	vld.idx.msk [tilespmem:v61+s2+$0x0], $0xffff;
	_ =	sdelay $0x1  }
0x5bb: {  	v49 =	vadd.s32 $0x4, v10  }
0x5bc: {  	v48 =	vadd.s32 $0x3, v3  }
0x5bd: {  	v13 =	vld.idx.msk [tilespmem:v28+s2+$0x0], $0xffff;
	[tilespmem:v40+s10+$0x0] =	vst.idx.msk $0xffff, v18  }
0x5be: {  	v15 =	vld.idx.msk [tilespmem:v30+s2+$0x0], $0xffff;
	[tilespmem:v58+s10+$0x0] =	vst.idx.msk $0xffff, v17  }
0x5bf: {  	v30 =	vld [tilespmem:$0x1FCB0]  }
0x5c0: {  	v26 =	vor.u32 $0x2B, v43;
	v18 =	vld.idx.msk [tilespmem:v49+s2+$0x0], $0xffff  }
0x5c1: {  	v61 =	vadd.s32 $0x4, v9;
	v17 =	vld.idx.msk [tilespmem:v48+s2+$0x0], $0xffff  }
0x5c2: {  	v62 =	vadd.s32 $0x4, v5  }
0x5c3: {  	[tilespmem:v38+s10+$0x0] =	vst.idx.msk $0xffff, v13  }
0x5c4: {  	v40 =	vadd.s32 $0x5, v10;
	[tilespmem:v33+s10+$0x0] =	vst.idx.msk $0xffff, v15  }
0x5c5: {  	v0 =	vld.idx.msk [tilespmem:v0+s2+$0x0], $0xffff;
	v28 =	vadd.s32 $0x4, v3;
	[tilespmem:v26+s10+$0x0] =	vst.idx.msk $0xffff, v18  }
0x5c6: {  	v13 =	vld.idx.msk [tilespmem:v61+s2+$0x0], $0xffff;
	[tilespmem:v46+s10+$0x0] =	vst.idx.msk $0xffff, v17  }
0x5c7: {  	v15 =	vld.idx.msk [tilespmem:v62+s2+$0x0], $0xffff;
	[tilespmem:v30+s10+$0x0] =	vst.idx.msk $0xffff, v4  }
0x5c8: {  	v18 =	vld [tilespmem:$0x1FCC0]  }
0x5c9: {  	v48 =	vor.u32 $0x2C, v43;
	v46 =	vld.idx.msk [tilespmem:v40+s2+$0x0], $0xffff  }
0x5ca: {  	v17 =	vld.idx.msk [tilespmem:v28+s2+$0x0], $0xffff  }
0x5cb: {  	[tilespmem:v63+s10+$0x0] =	vst.idx.msk $0xffff, v0  }
0x5cc: {  	[tilespmem:v36+s10+$0x0] =	vst.idx.msk $0xffff, v13  }
0x5cd: {  	[tilespmem:v27+s10+$0x0] =	vst.idx.msk $0xffff, v15  }
0x5ce: {  	[tilespmem:v48+s10+$0x0] =	vst.idx.msk $0xffff, v46  }
0x5cf: {  	[tilespmem:v45+s10+$0x0] =	vst.idx.msk $0xffff, v17  }
0x5d0: {  	[tilespmem:v18+s10+$0x0] =	vst.idx.msk $0xffff, v2  }
0x5d1: {  	v17 =	vld [tilespmem:$0x1FCD0];
	_ =	sdelay $0x2  }
0x5d2: {  	v58 =	vld.idx.msk [tilespmem:v31+s2+$0x0], $0xffff;
	_ =	sdelay $0x4  }
0x5d3: {  	[tilespmem:v17+s10+$0x0] =	vst.idx.msk $0xffff, v58  }
0x5d4: {  	v28 =	vld [tilespmem:$0x1FCE0]  }
0x5d5: {  	v41 =	vadd.s32 $0x5, v9  }
0x5d6: {  	v42 =	vadd.s32 $0x5, v5  }
0x5d7: {  	v49 =	vadd.s32 $0x5, v3;
	v62 =	vld.idx.msk [tilespmem:v32+s2+$0x0], $0xffff;
	_ =	sdelay $0x1  }
0x5d8: {  	v61 =	vadd.s32 $0x6, v10  }
0x5d9: {  	v14 =	vld.idx.msk [tilespmem:v41+s2+$0x0], $0xffff  }
0x5da: {  	v16 =	vld.idx.msk [tilespmem:v42+s2+$0x0], $0xffff  }
0x5db: {  	v63 =	vadd.s32 $0x6, v9;
	v22 =	vld.idx.msk [tilespmem:v49+s2+$0x0], $0xffff;
	[tilespmem:v28+s10+$0x0] =	vst.idx.msk $0xffff, v62  }
0x5dc: {  	v21 =	vadd.s32 $0x6, v5;
	v13 =	vld [tilespmem:$0x1FD40]  }
0x5dd: {  	v26 =	vor.u32 $0x2D, v43;
	v27 =	vadd.s32 $0x6, v3;
	v23 =	vld.idx.msk [tilespmem:v61+s2+$0x0], $0xffff  }
0x5de: {  	v30 =	vadd.s32 $0x7, v10  }
0x5df: {  	v12 =	vld.idx.msk [tilespmem:v12+s2+$0x0], $0xffff;
	[tilespmem:v35+s10+$0x0] =	vst.idx.msk $0xffff, v14  }
0x5e0: {  	[tilespmem:v24+s10+$0x0] =	vst.idx.msk $0xffff, v16;
	v14 =	vld.idx.msk [tilespmem:v63+s2+$0x0], $0xffff  }
0x5e1: {  	[tilespmem:v44+s10+$0x0] =	vst.idx.msk $0xffff, v22;
	v2 =	vld.idx.msk [tilespmem:v21+s2+$0x0], $0xffff  }
0x5e2: {  	[tilespmem:v26+s10+$0x0] =	vst.idx.msk $0xffff, v23;
	v33 =	vld.idx.msk [tilespmem:v27+s2+$0x0], $0xffff  }
0x5e3: {  	v36 =	vor.u32 $0x2E, v43;
	v35 =	vld.idx.msk [tilespmem:v30+s2+$0x0], $0xffff  }
0x5e4: {  	[tilespmem:v60+s10+$0x0] =	vst.idx.msk $0xffff, v12;
	v13 =	vld.idx.msk [tilespmem:v13+s2+$0x0], $0xffff  }
0x5e5: {  	[tilespmem:v37+s10+$0x0] =	vst.idx.msk $0xffff, v14  }
0x5e6: {  	[tilespmem:v1+s10+$0x0] =	vst.idx.msk $0xffff, v2  }
0x5e7: {  	[tilespmem:v47+s10+$0x0] =	vst.idx.msk $0xffff, v33  }
0x5e8: {  	[tilespmem:v36+s10+$0x0] =	vst.idx.msk $0xffff, v35  }
0x5e9: {  	[tilespmem:v53+s10+$0x0] =	vst.idx.msk $0xffff, v13  }
0x5ea: {  	v14 =	vld [tilespmem:$0x1FD00];
	_ =	sdelay $0x1  }
0x5eb: {  	v31 =	vadd.s32 $0x7, v9  }
0x5ec: {  	v32 =	vadd.s32 $0x7, v5;
	v8 =	vld.idx.msk [tilespmem:v8+s2+$0x0], $0xffff;
	_ =	sdelay $0x1  }
0x5ed: {  	v38 =	vadd.s32 $0x7, v3  }
0x5ee: {  	v40 =	vadd.s32 $0x8, v10  }
0x5ef: {  	v41 =	vld.idx.msk [tilespmem:v31+s2+$0x0], $0xffff  }
0x5f0: {  	v0 =	vld.idx.msk [tilespmem:v32+s2+$0x0], $0xffff;
	[tilespmem:v14+s10+$0x0] =	vst.idx.msk $0xffff, v8  }
0x5f1: {  	v15 =	vld [tilespmem:$0x1FD10]  }
0x5f2: {  	v45 =	vld.idx.msk [tilespmem:v38+s2+$0x0], $0xffff  }
0x5f3: {  	v47 =	vor.u32 $0x2F, v43;
	v46 =	vld.idx.msk [tilespmem:v40+s2+$0x0], $0xffff  }
0x5f4: {  	v11 =	vld.idx.msk [tilespmem:v11+s2+$0x0], $0xffff  }
0x5f5: {  	[tilespmem:v34+s10+$0x0] =	vst.idx.msk $0xffff, v41  }
0x5f6: {  	[tilespmem:v25+s10+$0x0] =	vst.idx.msk $0xffff, v0  }
0x5f7: {  	[tilespmem:v56+s10+$0x0] =	vst.idx.msk $0xffff, v45  }
0x5f8: {  	[tilespmem:v47+s10+$0x0] =	vst.idx.msk $0xffff, v46  }
0x5f9: {  	[tilespmem:v15+s10+$0x0] =	vst.idx.msk $0xffff, v11  }
0x5fa: {  	v8 =	vld [tilespmem:$0x1FCF0];
	_ =	sdelay $0x2  }
0x5fb: {  	v7 =	vld.idx.msk [tilespmem:v7+s2+$0x0], $0xffff;
	_ =	sdelay $0x4  }
0x5fc: {  	[tilespmem:v8+s10+$0x0] =	vst.idx.msk $0xffff, v7  }
0x5fd: {  	v62 =	vld [tilespmem:$0x1FD30];
	_ =	sdelay $0x2  }
0x5fe: {  	v49 =	vld.idx.msk [tilespmem:v6+s2+$0x0], $0xffff;
	_ =	sdelay $0x4  }
0x5ff: {  	v42 =	vadd.s32 $0x8, v9;
	[tilespmem:v62+s10+$0x0] =	vst.idx.msk $0xffff, v49  }
0x600: {  	v44 =	vadd.s32 $0x8, v5;
	v1 =	vld [tilespmem:$0x1FFE0]  }
0x601: {  	v48 =	vadd.s32 $0x8, v3  }
0x602: {  	v10 =	vadd.s32 $0x9, v10;
	_ =	sdelay $0x1  }
0x603: {  	v53 =	vld.idx.msk [tilespmem:v42+s2+$0x0], $0xffff  }
0x604: {  	v4 =	vld.idx.msk [tilespmem:v44+s2+$0x0], $0xffff  }
0x605: {  	v58 =	vld.idx.msk [tilespmem:v48+s2+$0x0], $0xffff  }
0x606: {  	v61 =	vor.u32 $0x30, v43;
	v60 =	vld.idx.msk [tilespmem:v10+s2+$0x0], $0xffff  }
0x607: {  	v56 =	vadd.s32 $0x9, v9;
	v1 =	vld.idx.msk [tilespmem:v1+s2+$0x0], $0xffff  }
0x608: {  	[tilespmem:v59+s10+$0x0] =	vst.idx.msk $0xffff, v53  }
0x609: {  	v5 =	vadd.s32 $0x9, v5;
	[tilespmem:v55+s10+$0x0] =	vst.idx.msk $0xffff, v4  }
0x60a: {  	v3 =	vadd.s32 $0x9, v3;
	[tilespmem:v50+s10+$0x0] =	vst.idx.msk $0xffff, v58  }
0x60b: {  	[tilespmem:v61+s10+$0x0] =	vst.idx.msk $0xffff, v60  }
0x60c: {  	v2 =	vld.idx.msk [tilespmem:v56+s2+$0x0], $0xffff;
	[tilespmem:v54+s10+$0x0] =	vst.idx.msk $0xffff, v1  }
0x60d: {  	v1 =	vld [tilespmem:$0x1FD20]  }
0x60e: {  	v4 =	vld.idx.msk [tilespmem:v5+s2+$0x0], $0xffff  }
0x60f: {  	v3 =	vld.idx.msk [tilespmem:v3+s2+$0x0], $0xffff  }
0x610: {  	v63 =	vld.idx.msk [tilespmem:v29+s2+$0x0], $0xffff;
	_ =	sdelay $0x1  }
0x611: {  	[tilespmem:v51+s10+$0x0] =	vst.idx.msk $0xffff, v2  }
0x612: {  	s12 =	sadd.s32 $0x1, s12;
	[tilespmem:v39+s10+$0x0] =	vst.idx.msk $0xffff, v4  }
0x613: {  	p0 =	sne.s32 s12, $0x64;
	[tilespmem:v57+s10+$0x0] =	vst.idx.msk $0xffff, v3  }
.Ltmp2:
0x614: {  	s31 =	sadd.s32 s5, s13;
	[tilespmem:v1+s10+$0x0] =	vst.idx.msk $0xffff, v63;
	(pc) =	sbr.rel @p0 .LBB2_2-.Ltmp2, $4  }
0x615: {  	[hbm4b:s31+s2] =	stream.linear.scatter [tilespmem:s10], [sflag:$0x1], $0x8000, $0x38;
	[tilespmem:$0x10700] =	vst v63  }
0x616: {  	_ =	swait.ge [sflag:s8], $0x8000  }
0x617: {  	[sflag:s8] =	ssyncset.done $0x0  }
0x618: {  	[sflag:s8] =	ssyncadd.s32 $0xFFFF8000  }
0x619: {  	s11 =	sadd.s32 $0x1, s11  }
0x61a: {  	p0 =	sne.s32 s11, s7  }
.Ltmp3:
0x61b: {  	_ = 	snop;
	(pc) =	sbr.rel @p0 .LBB2_1-.Ltmp3, $1  }
0x61c: {  	_ =	sdelay $0x3  }
0x61d: {  	_ =	sfence.sel $0x180000  }
0x61e: {  	[bflag:$0x0] =	sbarrier.arrive $0xFFFF  }
0x61f: {  	_ =	strace $0x90000047  }
0x620: {  	s0 =	stileid.u32;
	[bflag:$0x2] =	sbarrier.arrive $0xFFFF  }
0x621: {  	p0 =	sne.s32 s0, $0x0;
	s0 =	rddreg [dreg:$0x2]  }
0x622: {  	s0 =	sadd.s32 @!p0 $0x100000, s0  }
0x623: {  	[sflag:s0] =	ssyncadd.tile.s32 @!p0 $0x1;
	_ =	shalt  }
.Lfunc_end2:
_tile_overlayer_lowered:
.L_overlay_start_2:
0x624: {  	(tag) =	ssettag $0x2  }
0x625: {  	s0 =	rddreg [dreg:$0x0];
	s2 =	stileid.u32  }
0x626: {  	s1 =	rddreg [dreg:$0x1];
	p0 =	sne.s32 s2, $0x0  }
0x627: {  	s3 =	rddreg [dreg:$0x2];
	[bflag:$0x3] =	sbarrier.arrive $0xFFFF;
	s2 =	simm.s32 @!p0 $0x1C01  }
0x628: {  	[timem:s3], [sflag:s2] =	dma.local @!p0 [hbm:s0], s1  }
0x629: {  	s0 =	simm.s32 @!p0 $0x1  }
0x62a: {  	_ =	swait.ge @!p0 [sflag:s0], s1  }
0x62b: {  	s1 =	ssub.s32 @!p0 $0x0, s1;
	[sflag:s0] =	ssyncset.done @!p0 $0x0  }
0x62c: {  	[sflag:s0] =	ssyncadd.s32 @!p0 s1  }
0x62d: {  	[bflag:$0x3] =	sbarrier.arrive $0xFFFF  }
0x62e: {  	_ =	shalt  }

// kernel: sparse-core-data-format-call.cloned.1.call-start
scs
called_computation_lowered:
.L_overlay_start_0:
0x0: {  	s2 =	sld [smem:$0x3FD9]  }
0x1: {  	s3 =	sld [smem:$0x3FFE];
	_ =	sdelay $0x1  }
0x2: {  	s1 =	srdreg.scid  }
0x3: {  	s0 =	sand.u32 $0x1, s1  }
0x4: {  	s18 =	sshll.u32 s0, $0xA;
	s2 =	sadd.s32 s3, s2  }
0x5: {  	s2 =	sadd.s32 s2, s18  }
0x6: {  	[smem:$0x3FC3] =	sst s2  }
0x7: {  	_ = 	snop  }
0x8: {  	s2 =	sld [smem:$0x3FD0];
	(tm) =	ssettm $0x1  }
0x9: {  	s19 =	sld [smem:$0x3FFB];
	_ =	sdelay $0x3  }
0xa: {  	_ =	strace s19  }
0xb: {  	s3 =	sld [smem:$0x3FFC];
	_ =	sdelay $0x3  }
0xc: {  	_ =	strace s3  }
0xd: {  	s3 =	sld [smem:$0x3FFD];
	_ =	sdelay $0x3  }
0xe: {  	_ =	strace s3  }
0xf: {  	_ =	strace $0x8FFFFFFF  }
0x10: {  	s20 =	sld [smem:$0x3FDB];
	_ =	sdelay $0x1  }
0x11: {  	s4 =	simm.s32 $_scs_section_size  }
0x12: {  	s5 =	simm.s32 $_size__tile_overlayer_lowered;
	s6 =	simm.s32 $_tile_overlayer_lowered  }
0x13: {  	s23 =	simm.s32 $0x1BFF;
	s22 =	sshll.u32 s6, $0x1;
	s3 =	sadd.s32 s4, s20  }
0x14: {  	s7 =	simm.s32 $0x0;
	s21 =	sshll.u32 s5, $0x1;
	s5 =	sadd.s32 s22, s3  }
0x15: {  	[timem:s7], [sflag:s23] =	dma.local [hbm:s5], s21  }
0x16: {  	_ =	swait.ge [sflag:s23], s21  }
0x17: {  	s4 =	ssub.s32 $0x0, s21;
	[sflag:s23] =	ssyncset.done $0x0  }
0x18: {  	[sflag:s23] =	ssyncadd.s32 s4;
	_ =	sdelay $0x1  }
0x19: {  	s24 =	simm.s32 $0x1B8B  }
0x1a: {  	_ =	swait.ge [sflag:s24], $0x1  }
0x1b: {  	[sflag:s24] =	ssyncset.done $0x0  }
0x1c: {  	s26 =	simm.s32 $0x1B8E;
	s25 =	sld [smem:$0x3FFE];
	[sflag:s24] =	ssyncadd.s32 $0xFFFFFFFF  }
0x1d: {  	s27 =	simm.s32 $execute0_lowered;
	[smem:$0x3FD2] =	sst s26  }
0x1e: {  	s5 =	sshll.u32 s27, $0x1;
	_ =	strace $0x80000049;
	[dreg:$0x1] =	wrdreg $0xFFFFFFFF  }
0x1f: {  	s28 =	simm.s32 $_size_execute0_lowered;
	s3 =	sadd.s32 s3, s5;
	[dreg:$0x0] =	wrdreg $0x0  }
0x20: {  	s5 =	sshll.u32 s28, $0x1;
	[dreg:$0x2] =	wrdreg s3  }
0x21: {  	[dreg:$0x3] =	wrdreg s5  }
0x22: {  	[dreg:$0x4] =	wrdreg $0xC0  }
0x23: {  	_ =	task [dreg:s7], $0x5FFFF  }
0x24: {  	[dreg:$0x1] =	wrdreg $0xFFFFFFFF  }
0x25: {  	[dreg:$0x0] =	wrdreg $0x60  }
0x26: {  	[dreg:$0x2] =	wrdreg s25  }
0x27: {  	[dreg:$0x3] =	wrdreg s2  }
0x28: {  	[dreg:$0x4] =	wrdreg $0x9  }
0x29: {  	_ =	task.clear_ibuf [dreg:s7], $0x5FFFF;
	_ =	strace $0x90000049  }
0x2a: {  	s29 =	simm.s32 $0x9;
	_ =	strace $0x8000004B  }
0x2b: {  	_ =	swait.ge [sflag:s29], $0x1  }
0x2c: {  	[sflag:s29] =	ssyncadd.s32 $0xFFFFFFFF  }
0x2d: {  	_ =	strace $0x9000004B  }
0x2e: {  	_ =	sfence  }
0x2f: {  	s30 =	sld [smem:$0x0];
	_ =	sdelay $0x2  }
0x30: {  	s31 =	sshll.u32 s1, $0xD;
	s1 =	sshrl.u32 s1, $0x2  }
0x31: {  	s3 =	sand.u32 $0x4000, s31;
	s1 =	sadd.s32 s1, s30  }
0x32: {  	s0 =	sor.u32 s3, s0;
	s1 =	sshll.u32 s1, $0x11  }
0x33: {  	s0 =	sor.u32 s1, s0  }
0x34: {  	s0 =	sadd.s32 $0x8F2B, s0  }
0x35: {  	[sflag:s0] =	ssyncadd.remote.s32 $0x1  }
0x36: {  	_ =	sfence.sel $0xFFFF  }
0x37: {  	[dreg:$0x0] =	wrdreg $0xFFFFFFFF;
	(pc) =	sbr.abs _section_cstart, $3  }
0x38: {  	[dreg:$0x1] =	wrdreg $0xFFFFFFFF  }
0x39: {  	_ =	task.clear_ibuf [dreg:s7], $0x2FFFF;
	_ =	strace $0x9FFFFFFF  }
0x3a: {  	(tm) =	ssettm $0x7FFFFFFF  }
0x3b: {  	_ =	shalt  }
tec
execute0_lowered:
.L_overlay_start_1:
0x0: {  	(tag) =	ssettag $0x1  }
0x1: {  	s0 =	srdreg.scid  }
0x2: {  	s1 =	sshll.u32 s0, $0x4  }
0x3: {  	s6 =	rddreg [dreg:$0x0];
	s0 =	stileid.u32;
	s1 =	sand.u32 $0x10, s1  }
0x4: {  	s3 =	rddreg [dreg:$0x1];
	s1 =	sor.u32 s0, s1  }
0x5: {  	s5 =	simm.s32 $0x1;
	s31 =	simm.s32 $0x2;
	s2 =	sshll.u32 s1, $0x7  }
0x6: {  	s15 =	simm.s32 $0x0;
	s8 =	simm.s32 $0xC8000;
	s4 =	ssub.s32 $0x1000, s2  }
0x7: {  	s14 =	simm.s32 $0x0;
	s9 =	simm.s32 $0x0;
	s30 =	sand.u32 $0xF80, s4  }
0x8: {  	s10 =	simm.s32 $0x0;
	s11 =	simm.s32 $0x0;
	p0 =	sne.s32 s30, $0x0  }
.Ltmp0:
0x9: {  	s7 =	sshrl.u32 s4, $0xC;
	s5 =	simm.s32 @!p0 $0x0;
	(pc) =	sbr.rel .LBB1_1-.Ltmp0, $4  }
0xa: {  	s13 =	simm.s32 $0x0;
	s1 =	rddreg [dreg:$0x2];
	s5 =	sadd.s32 s5, s7  }
0xb: {  	_ =	strace $0x8000004A;
	s4 =	simm.s32 $0x1;
	s5 =	smul.u32 $0xC8, s5  }
0xc: {  	s6 =	sadd.s32 $0xC80A00, s6;
	s12 =	smov.u32 s2;
	[sflag:s4] =	ssyncpa.u1 $0x0  }
0xd: {  	[sflag:s31] =	ssyncpa.u1 $0x0;
	p0 =	por $0x0, $0x0;
	s7 =	sor.u32 $0x1, s5  }
.LBB1_4:
0xe: {  	s18 =	sshll.u32 s9, $0xC;
	s19 =	sand.u32 $0x78, s10;
	s20 =	sshll.u32 s10, $0x3  }
0xf: {  	s22 =	sshll.u32 s9, $0x7;
	p1 =	sgt.s32 s9, $0xC7;
	s25 =	sshra.s32 s9, $0x1F  }
0x10: {  	s23 =	smov.u32 s10;
	s24 =	sshra.s32 s10, $0x1F;
	s29 =	sand.u32 $0x7, s10  }
0x11: {  	s18 =	sand.u32 $0xFFFF8000, s18;
	s21 =	sand.u32 $0xFFFFFC00, s20;
	s20 =	sand.u32 $0xC00, s20  }
0x12: {  	s30 =	sand.u32 $0x380, s22;
	s22 =	sand.u32 s25, s9;
	s18 =	sadd.s32 s21, s18  }
0x13: {  	s19 =	sor.u32 s19, s20;
	s20 =	smov.u32 s9;
	s18 =	sshrl.u32 s18, $0xC  }
0x14: {  	s20 =	simm.s32 @!p1 $0xC7;
	p1 =	sgt.s32 s10, $0xF80;
	s31 =	smulhi.u32 $0x147AE15, s18  }
0x15: {  	s26 =	sand.u32 s24, s10;
	s20 =	ssub.s32 s20, s22;
	s23 =	simm.s32 @!p1 $0xF80  }
0x16: {  	s27 =	ssub.s32 $0xC8, s20;
	s22 =	ssub.s32 s23, s26;
	s21 =	smul.u32 $0xC8, s31  }
0x17: {  	s20 =	sadd.s32 $0xFFFFFF39, s20;
	s23 =	smul.u32 $0x31, s27;
	s28 =	sadd.s32 $0xFFFFF080, s22  }
0x18: {  	p1 =	sgt.s32 s20, $0x0;
	s20 =	ssub.s32 $0x1000, s22;
	p2 =	sgt.s32 s28, $0x7F  }
0x19: {  	s19 =	sor.u32 s30, s19;
	s23 =	simm.s32 @p1 $0x0;
	s20 =	simm.s32 @p2 $0x0  }
0x1a: {  	[tilespmem:s17+$0x810 ss:$0x81] =	vst.msk $0xffff, v2;
	s19 =	sshrl.u32 s19, $0x3;
	s18 =	ssub.s32 s18, s21;
	s20 =	smul.u32 s20, s23  }
0x1b: {  	[tilespmem:s17+$0x1020 ss:$0x81] =	vst.msk $0xffff, v0;
	s19 =	sadd.s32 s3, s19;
	s21 =	sshll.u32 s29, $0x12;
	s18 =	sshll.u32 s18, $0x9  }
0x1c: {  	[tilespmem:s17+$0x0 ss:$0x81] =	vst.msk $0xffff, v1;
	s31 =	sor.u32 $0x80, s21;
	s18 =	sadd.s32 s18, s19;
	s30 =	sand.u32 $0x3FFFFFFF, s20  }
0x1d: {  	[hbm4b:s18+s31] =	stream.strided.scatter [tilespmem:s16], [sflag:$0x2], s30, s8, s31, $0x20;
	[tilespmem:$0x8080] =	vst v63  }
.LBB1_5:
0x1e: {  	p1 =	slt.u32 s13, $0x2  }
0x1f: {  	s17 =	smov.u32 s15;
	p2 =	sgt.s32 @!p1 s15, $0xC7;
	s16 =	sshra.s32 @!p1 s15, $0x1F  }
0x20: {  	p3 =	sgt.s32 @!p1 s14, $0xF80;
	s18 =	sshra.s32 @!p1 s14, $0x1F;
	p2 =	por !p2, p1  }
0x21: {  	s15 =	sand.u32 @!p1 s16, s15;
	p3 =	por !p3, p1;
	s16 =	smov.u32 s14  }
0x22: {  	s14 =	sand.u32 @!p1 s18, s14;
	s17 =	simm.s32 @p2 $0xC7;
	s16 =	simm.s32 @p3 $0xF80  }
0x23: {  	s18 =	smov.u32 s12;
	s15 =	ssub.s32 @!p1 s17, s15;
	s14 =	ssub.s32 @!p1 s16, s14  }
0x24: {  	s16 =	sadd.s32 @!p1 $0xFFFFFF39, s15;
	s15 =	ssub.s32 @!p1 $0xC8, s15;
	s17 =	sadd.s32 @!p1 $0xFFFFF080, s14  }
0x25: {  	p2 =	sgt.s32 @!p1 s16, $0x0;
	s15 =	smul.u32 @!p1 $0x31, s15;
	p3 =	sgt.s32 @!p1 s17, $0x7F  }
0x26: {  	s14 =	ssub.s32 @!p1 $0x1000, s14;
	p2 =	por !p2, p1;
	p3 =	por !p3, p1  }
0x27: {  	s16 =	sadd.s32 $0x1, s11;
	s15 =	simm.s32 @!p2 $0x0;
	s14 =	simm.s32 @!p3 $0x0  }
0x28: {  	p2 =	sgt.s32 s16, $0xC7;
	s14 =	smul.u32 @!p1 s14, s15;
	s15 =	sadd.s32 $0x1000, s12  }
0x29: {  	s18 =	smov.u32 @p2 s15  }
0x2a: {  	s16 =	simm.s32 @p2 $0x0;
	p2 =	sgt.s32 s18, $0xFFF  }
0x2b: {  	s18 =	smov.u32 @p2 s2;
	p2 =	sne.s32 s13, s7  }
.Ltmp1:
0x2c: {  	p0 =	por !p0, !p0;
	s17 =	simm.s32 @!p1 $0x2;
	(pc) =	sbr.rel @!p2 .LBB1_6-.Ltmp1, $4  }
0x2d: {  	s15 =	smov.u32 s9;
	s9 =	smov.u32 s11;
	s14 =	sand.u32 @!p1 $0x3FFFFFFF, s14  }
0x2e: {  	s11 =	smov.u32 s16;
	_ =	swait.ge @!p1 [sflag:s17], s14;
	s19 =	ssub.s32 @!p1 $0x0, s14  }
0x2f: {  	s14 =	smov.u32 s10;
	s13 =	sadd.s32 $0x1, s13;
	[sflag:s17] =	ssyncset.done @!p1 $0x0  }
0x30: {  	s10 =	smov.u32 s12;
	s12 =	smov.u32 s18;
	[sflag:s17] =	ssyncadd.s32 @!p1 s19  }
.LBB1_1:
0x31: {  	p1 =	sge.u32 s13, s5  }
0x32: {  	s16 =	sand.u32 @!p1 $0x1FFFFFF, s11  }
0x33: {  	s17 =	smulhi.u32 @!p1 $0x147AE15, s16;
	_ =	sdelay $0x1  }
0x34: {  	s17 =	smul.u32 @!p1 $0xC8, s17  }
0x35: {  	s18 =	sxor.u32 @!p1 $0xFFFFFFFF, s13;
	s19 =	smul.u32 @!p1 $0xC80, s12  }
0x36: {  	s31 =	sadd.s32 $0xFFFFFFFF, s13;
	s18 =	sshll.u32 @!p1 s18, $0xD;
	s16 =	ssub.s32 @!p1 s16, s17  }
0x37: {  	s17 =	sand.u32 @!p1 $0x2000, s18;
	s18 =	sadd.s32 @!p1 s6, s19;
	s16 =	sshll.u32 @!p1 s16, $0x4  }
0x38: {  	s19 =	simm.s32 @!p1 $0x6400;
	s16 =	sadd.s32 @!p1 s16, s18;
	s18 =	simm.s32 @!p1 $0x40  }
0x39: {  	[tilespmem:s17], [sflag:$0x1] =	stream.strided.gather @!p1 [hbm4b:s16+s18], $0x2000, s19, s18, $0x38;
	[tilespmem:$0x8080] =	vst v63  }
0x3a: {  	p1 =	sge.u32 s31, s5  }
.Ltmp2:
0x3b: {  	_ = 	snop;
	(pc) =	sbr.rel @p1 .LBB1_5-.Ltmp2, $1  }
0x3c: {  	_ =	sdelay $0x3  }
0x3d: {  	s16 =	simm.s32 $0x1  }
0x3e: {  	_ =	swait.ge [sflag:s4], $0x2000;
	s16 =	simm.s32 @!p0 $0x0  }
0x3f: {  	[sflag:s4] =	ssyncset.done $0x0;
	s17 =	sshll.u32 s16, $0xD  }
0x40: {  	[sflag:s4] =	ssyncadd.s32 $0xFFFFE000;
	s20 =	sor.u32 $0x20, s17  }
0x41: {  	s16 =	smul.u32 $0x8100, s16;
	v3 =	vld [tilespmem:s20+$0x10]  }
0x42: {  	s30 =	sand.u32 $0x1, s13;
	v2 =	vld [tilespmem:s20+$0xFFFFFFF0]  }
0x43: {  	s17 =	smul.u32 $0x8100, s30;
	s16 =	sshrl.u32 s16, $0x2;
	v0 =	vld [tilespmem:s20+$0x0]  }
0x44: {  	v1 =	vld [tilespmem:s20+$0xFFFFFFE0];
	s18 =	sor.u32 $0x4000, s16  }
0x45: {  	s31 =	sshrl.u32 s17, $0x2;
	s17 =	sadd.s32 $0x0, s18  }
0x46: {  	s19 =	simm.s32 $0x4;
	s20 =	sadd.s32 $0x40, s20;
	s16 =	sor.u32 $0x4000, s31;
	[tilespmem:s17+$0x1830 ss:$0x81] =	vst.msk $0xffff, v3  }
.LBB1_3:
0x47: {  	v3 =	vld [tilespmem:s20+$0x10];
	p1 =	sne.s32 s19, $0x1FC;
	[tilespmem:s17+$0x810 ss:$0x81] =	vst.msk $0xffff, v2;
	s21 =	smov.u32 s19;
	s19 =	sadd.s32 $0x4, s19  }
.Ltmp3:
0x48: {  	v2 =	vld [tilespmem:s20+$0xFFFFFFF0];
	[tilespmem:s17+$0x1020 ss:$0x81] =	vst.msk $0xffff, v0;
	(pc) =	sbr.rel @p1 .LBB1_3-.Ltmp3, $4  }
0x49: {  	v0 =	vld [tilespmem:s20+$0x0];
	[tilespmem:s17+$0x0 ss:$0x81] =	vst.msk $0xffff, v1  }
0x4a: {  	s17 =	sshra.s32 s21, $0x2;
	v1 =	vld [tilespmem:s20+$0xFFFFFFE0]  }
0x4b: {  	s17 =	sadd.s32 s17, s18  }
0x4c: {  	s20 =	sadd.s32 $0x40, s20;
	[tilespmem:s17+$0x1830 ss:$0x81] =	vst.msk $0xffff, v3  }
.Ltmp4:
0x4d: {  	_ = 	snop;
	(pc) =	sbr.rel .LBB1_4-.Ltmp4, $1  }
0x4e: {  	_ =	sdelay $0x3  }
.LBB1_6:
0x4f: {  	_ =	sfence.sel $0x180000  }
0x50: {  	s2 =	simm.s32 $0x1;
	[bflag:$0x0] =	sbarrier.arrive $0xFFFF  }
0x51: {  	s31 =	simm.s32 $0x2;
	[sflag:s2] =	ssyncpa.u1 $0x1  }
0x52: {  	[sflag:s31] =	ssyncpa.u1 $0x1  }
0x53: {  	p0 =	sne.s32 s0, $0x0;
	_ =	strace $0x9000004A  }
0x54: {  	s0 =	sadd.s32 @!p0 $0x100000, s1;
	[bflag:$0x2] =	sbarrier.arrive $0xFFFF  }
0x55: {  	[sflag:s0] =	ssyncadd.tile.s32 @!p0 $0x1;
	_ =	shalt  }
.Lfunc_end1:
_tile_overlayer_lowered:
.L_overlay_start_2:
0x56: {  	(tag) =	ssettag $0x2  }
0x57: {  	s0 =	rddreg [dreg:$0x0];
	s2 =	stileid.u32  }
0x58: {  	s1 =	rddreg [dreg:$0x1];
	p0 =	sne.s32 s2, $0x0  }
0x59: {  	s3 =	rddreg [dreg:$0x2];
	[bflag:$0x3] =	sbarrier.arrive $0xFFFF;
	s2 =	simm.s32 @!p0 $0x1C01  }
0x5a: {  	[timem:s3], [sflag:s2] =	dma.local @!p0 [hbm:s0], s1  }
0x5b: {  	s0 =	simm.s32 @!p0 $0x1  }
0x5c: {  	_ =	swait.ge @!p0 [sflag:s0], s1  }
0x5d: {  	s1 =	ssub.s32 @!p0 $0x0, s1;
	[sflag:s0] =	ssyncset.done @!p0 $0x0  }
0x5e: {  	[sflag:s0] =	ssyncadd.s32 @!p0 s1  }
0x5f: {  	[bflag:$0x3] =	sbarrier.arrive $0xFFFF  }
0x60: {  	_ =	shalt  }

</sc_bundles>
